<compile_context>
chip_gen: v7x
topology: tpu7x:2x2x1
jax: 0.10.2.dev20260603
libtpu: 0.0.44.dev20260713+nightly
codegen_flags: <defaults>
</compile_context>

<pallas_src>
import functools

import jax
import jax.numpy as jnp
import numpy as np
from jax import lax
from jax.experimental import pallas as pl
from jax.experimental.pallas import tpu as pltpu
from jax.experimental.pallas import tpu_sc as plsc

N = 1_000_000
XDIM = 8
YDIM = 4

NC = 2
NS = 16
NW = NC * NS
L = 16

CHUNK = 31232
CHUNK_LAST = N - (NW - 1) * CHUNK
ROWS = N // L
ROWS_PAD = 62528
R_CHUNK = CHUNK // L
R_CHUNK_LAST = CHUNK_LAST // L

Q = 1024
QI = 128

_mesh = plsc.VectorSubcoreMesh(core_axis_name="c", subcore_axis_name="s")


def _wid():
    return lax.axis_index("s") * NC + lax.axis_index("c")


def _iota():
    return lax.iota(jnp.int32, L)


def _replast(v):
    return plsc.cummax(lax.rev(v, (0,)))


def _repsum(v):
    return _replast(plsc.cumsum(v))


def _max_body(x_ref, o_ref):
    o_ref[0, 0] = jnp.max(x_ref[...])


def _logw_max(lw2d):
    return pl.pallas_call(
        _max_body,
        out_shape=jax.ShapeDtypeStruct((1, 1), jnp.float32),
        out_specs=pl.BlockSpec(memory_space=pltpu.SMEM),
    )(lw2d)


def _sums_body(lw_hbm, m_hbm, out_hbm, buf, mbuf, obuf, sem):
    w = _wid()
    offs = w * CHUNK
    pltpu.sync_copy(m_hbm, mbuf)
    pltpu.sync_copy(lw_hbm.at[pl.ds(offs, CHUNK)], buf.at[pl.ds(0, CHUNK)])

    @pl.when(w == NW - 1)
    def _():
        pltpu.sync_copy(lw_hbm.at[pl.ds(offs + CHUNK, CHUNK_LAST - CHUNK)],
                        buf.at[pl.ds(CHUNK, CHUNK_LAST - CHUNK)])

    mv = mbuf[...]
    n16 = jnp.where(w == NW - 1, CHUNK_LAST // L, CHUNK // L)

    def body(i, acc):
        v = buf[pl.ds(i * L, L)]
        return acc + jnp.exp(v - mv)

    acc = lax.fori_loop(0, n16, body, jnp.zeros((L,), jnp.float32))
    obuf[...] = _repsum(acc)
    pltpu.sync_copy(obuf, out_hbm.at[w])


def _partial_sums(lw_flat, m16):
    return pl.kernel(
        _sums_body,
        out_type=jax.ShapeDtypeStruct((NW, L), jnp.float32),
        mesh=_mesh,
        compiler_params=pltpu.CompilerParams(needs_layout_passes=False,
                                             use_tc_tiling_on_sc=False),
        scratch_types=[
            pltpu.VMEM((CHUNK_LAST,), jnp.float32),
            pltpu.VMEM((L,), jnp.float32),
            pltpu.VMEM((L,), jnp.float32),
            pltpu.SemaphoreType.DMA,
        ],
    )(lw_flat, m16)


def _prefix_and_total(sums_buf, w):
    i0 = _iota()
    i1 = _iota() + L
    zc = jnp.zeros((L,), jnp.int32)
    g0 = plsc.load_gather(sums_buf, [i0, zc])
    g1 = plsc.load_gather(sums_buf, [i1, zc])
    zero = jnp.zeros((L,), jnp.float32)
    pre = (_repsum(jnp.where(i0 < w, g0, zero))
           + _repsum(jnp.where(i1 < w, g1, zero)))
    total = _repsum(g0) + _repsum(g1)
    return pre, total


def _cumsum_body(lw_hbm, m_hbm, sums_hbm, cumw_hbm, mrow_hbm,
                 buf, mbuf, sbuf, rbuf, sem):
    w = _wid()
    offs = w * CHUNK
    pltpu.sync_copy(m_hbm, mbuf)
    pltpu.sync_copy(sums_hbm, sbuf)
    pltpu.sync_copy(lw_hbm.at[pl.ds(offs, CHUNK)], buf.at[pl.ds(0, CHUNK)])

    @pl.when(w == NW - 1)
    def _():
        pltpu.sync_copy(lw_hbm.at[pl.ds(offs + CHUNK, CHUNK_LAST - CHUNK)],
                        buf.at[pl.ds(CHUNK, CHUNK_LAST - CHUNK)])

    carry0, _ = _prefix_and_total(sbuf, w)
    mv = mbuf[...]
    n16 = jnp.where(w == NW - 1, CHUNK_LAST // L, CHUNK // L)

    def body(i, carry):
        v = buf[pl.ds(i * L, L)]
        e = jnp.exp(v - mv)
        c = plsc.cumsum(e) + carry
        buf[pl.ds(i * L, L)] = c
        return _replast(c)

    lax.fori_loop(0, n16, body, carry0)

    iot = _iota()

    def mbody(j, _):
        idx = jnp.minimum(j * 256 + iot * L + (L - 1), CHUNK_LAST - 1)
        rbuf[pl.ds(j * L, L)] = plsc.load_gather(buf, [idx])
        return 0

    lax.fori_loop(0, (n16 + L - 1) >> 4, mbody, 0)

    pltpu.sync_copy(buf.at[pl.ds(0, CHUNK)], cumw_hbm.at[pl.ds(offs, CHUNK)])
    pltpu.sync_copy(rbuf.at[pl.ds(0, R_CHUNK)],
                    mrow_hbm.at[pl.ds(w * R_CHUNK, R_CHUNK)])

    @pl.when(w == NW - 1)
    def _():
        pltpu.sync_copy(buf.at[pl.ds(CHUNK, CHUNK_LAST - CHUNK)],
                        cumw_hbm.at[pl.ds(offs + CHUNK, CHUNK_LAST - CHUNK)])
        pltpu.sync_copy(rbuf.at[pl.ds(R_CHUNK, R_CHUNK_LAST - R_CHUNK)],
                        mrow_hbm.at[pl.ds(w * R_CHUNK + R_CHUNK,
                                          R_CHUNK_LAST - R_CHUNK)])


def _cumsum(lw_flat, m16, sums):
    return pl.kernel(
        _cumsum_body,
        out_type=(jax.ShapeDtypeStruct((N,), jnp.float32),
                  jax.ShapeDtypeStruct((ROWS_PAD,), jnp.float32)),
        mesh=_mesh,
        compiler_params=pltpu.CompilerParams(needs_layout_passes=False,
                                             use_tc_tiling_on_sc=False),
        scratch_types=[
            pltpu.VMEM((CHUNK_LAST,), jnp.float32),
            pltpu.VMEM((L,), jnp.float32),
            pltpu.VMEM((NW, L), jnp.float32),
            pltpu.VMEM((2048,), jnp.float32),
            pltpu.SemaphoreType.DMA,
        ],
    )(lw_flat, m16, sums)


def _resample_body(u_hbm, mrow_hbm, cumw_hbm, sums_hbm, x_hbm, xres_hbm,
                   mtab, ubuf, fbuf, rows, anc, xrows, sbuf, sem):
    w = _wid()
    pltpu.sync_copy(mrow_hbm, mtab)
    pltpu.sync_copy(sums_hbm, sbuf)
    _, total = _prefix_and_total(sbuf, w)

    offs = w * CHUNK
    cnt = jnp.where(w == NW - 1, CHUNK_LAST, CHUNK)
    nch = (cnt + Q - 1) // Q
    iot = _iota()

    def chunk_body(ci, _):
        start = offs + jnp.minimum(ci * Q, cnt - Q)
        pltpu.sync_copy(u_hbm.at[pl.ds(start, Q)], ubuf)

        def grp(g, _):
            uv = ubuf[pl.ds(g * L, L)] * total
            lo = jnp.zeros((L,), jnp.int32)
            hi = jnp.full((L,), ROWS, jnp.int32)

            def step(_, lh):
                lo, hi = lh
                mid = (lo + hi) >> 1
                vals = plsc.load_gather(mtab, [jnp.minimum(mid, ROWS - 1)])
                go = (vals < uv) & (lo < hi)
                lo2 = jnp.where(go, mid + 1, lo)
                hi2 = jnp.where((lo < hi) & jnp.logical_not(vals < uv), mid, hi)
                return lo2, hi2

            lo, hi = lax.fori_loop(0, 16, step, (lo, hi))
            fbuf[pl.ds(g * L, L)] = jnp.minimum(lo, ROWS - 1)
            return 0

        lax.fori_loop(0, Q // L, grp, 0)

        for j in range(Q // QI):
            pltpu.async_copy(cumw_hbm.at[fbuf.at[pl.ds(j * QI, QI)]],
                             rows.at[pl.ds(j * QI, QI)], sem)
        for j in range(Q // QI):
            pltpu.make_async_copy(cumw_hbm.at[fbuf.at[pl.ds(j * QI, QI)]],
                                  rows.at[pl.ds(j * QI, QI)], sem).wait()

        def grp2(g, _):
            uv = ubuf[pl.ds(g * L, L)] * total
            f = fbuf[pl.ds(g * L, L)]
            qi = g * L + iot
            cntv = jnp.zeros((L,), jnp.int32)
            for k in range(L):
                vals = plsc.load_gather(rows, [qi, jnp.full((L,), k, jnp.int32)])
                cntv = cntv + jnp.where(vals < uv, 1, 0)
            a = jnp.minimum(f * L + cntv, N - 1)
            anc[pl.ds(g * L, L)] = a
            return 0

        lax.fori_loop(0, Q // L, grp2, 0)

        for j in range(Q // QI):
            pltpu.async_copy(x_hbm.at[anc.at[pl.ds(j * QI, QI)]],
                             xrows.at[pl.ds(j * QI, QI)], sem)
        for j in range(Q // QI):
            pltpu.make_async_copy(x_hbm.at[anc.at[pl.ds(j * QI, QI)]],
                                  xrows.at[pl.ds(j * QI, QI)], sem).wait()
        pltpu.sync_copy(xrows, xres_hbm.at[pl.ds(start, Q)])
        return 0

    lax.fori_loop(0, nch, chunk_body, 0)


def _resample(u, mrow, cumw2d, sums, x):
    return pl.kernel(
        _resample_body,
        out_type=jax.ShapeDtypeStruct((N, XDIM), jnp.float32),
        mesh=_mesh,
        compiler_params=pltpu.CompilerParams(needs_layout_passes=False,
                                             use_tc_tiling_on_sc=False),
        scratch_types=[
            pltpu.VMEM((ROWS_PAD,), jnp.float32),
            pltpu.VMEM((Q,), jnp.float32),
            pltpu.VMEM((Q,), jnp.int32),
            pltpu.VMEM((Q, L), jnp.float32),
            pltpu.VMEM((Q,), jnp.int32),
            pltpu.VMEM((Q, XDIM), jnp.float32),
            pltpu.VMEM((NW, L), jnp.float32),
            pltpu.SemaphoreType.DMA,
        ],
    )(u, mrow, cumw2d, sums, x)


W = 128
RROWS = 3125
RCOLS = N * XDIM // RROWS
NGRID = RCOLS // W


def _moments_body(xres_ref, noise_ref, ahat_ref, chat_ref, fold4_ref,
                  e168_ref, yhat_ref, scal_ref,
                  mean_ref, cov_ref, m_ref, s0_ref, s1_ref, sxx_ref):
    i = pl.program_id(0)

    @pl.when(i == 0)
    def _():
        m_ref[0, 0] = -jnp.inf
        s0_ref[0, 0] = 0.0
        s1_ref[...] = jnp.zeros_like(s1_ref)
        sxx_ref[...] = jnp.zeros_like(sxx_ref)

    sigma = scal_ref[0, 0]
    inv2s2 = scal_ref[0, 1]

    xt = (jnp.dot(xres_ref[...], ahat_ref[...],
                  preferred_element_type=jnp.float32)
          + sigma * noise_ref[...])
    z = yhat_ref[...] - jnp.dot(xt, chat_ref[...],
                                preferred_element_type=jnp.float32)
    ssum = jnp.dot(z * z, fold4_ref[...],
                   preferred_element_type=jnp.float32)
    lp = -inv2s2 * ssum

    m_old = m_ref[0, 0]
    m_new = jnp.maximum(m_old, jnp.max(lp))
    scale = jnp.exp(m_old - m_new)
    wexp = jnp.exp(lp - m_new)
    w128 = jnp.dot(wexp, e168_ref[...],
                   preferred_element_type=jnp.float32)
    xw = xt * w128

    m_ref[0, 0] = m_new
    s0_ref[0, 0] = s0_ref[0, 0] * scale + jnp.sum(wexp)
    s1_ref[...] = s1_ref[...] * scale + jnp.sum(xw, axis=0, keepdims=True)
    sxx_ref[...] = sxx_ref[...] * scale + lax.dot_general(
        xw, xt, (((0,), (0,)), ((), ())),
        preferred_element_type=jnp.float32)

    @pl.when(i == NGRID - 1)
    def _():
        s0 = s0_ref[0, 0]
        s1 = s1_ref[...]
        s1f = jnp.zeros((1, XDIM), jnp.float32)
        s2f = jnp.zeros((XDIM, XDIM), jnp.float32)
        for g in range(16):
            s1f = s1f + s1[:, g * XDIM:(g + 1) * XDIM]
            s2f = s2f + sxx_ref[g * XDIM:(g + 1) * XDIM,
                                g * XDIM:(g + 1) * XDIM]
        mean = s1f / s0
        cov = s2f / s0 - jnp.transpose(mean) * mean
        mean_ref[...] = mean
        cov_ref[...] = cov


def _moments(xres2d, noise2d, ahat, chat, fold4, e168, yhat, scal):
    return pl.pallas_call(
        _moments_body,
        grid=(NGRID,),
        in_specs=[
            pl.BlockSpec((RROWS, W), lambda i: (0, i)),
            pl.BlockSpec((RROWS, W), lambda i: (0, i)),
            pl.BlockSpec((W, W), lambda i: (0, 0)),
            pl.BlockSpec((W, 64), lambda i: (0, 0)),
            pl.BlockSpec((64, L), lambda i: (0, 0)),
            pl.BlockSpec((L, W), lambda i: (0, 0)),
            pl.BlockSpec((1, 64), lambda i: (0, 0)),
            pl.BlockSpec(memory_space=pltpu.SMEM),
        ],
        out_specs=[
            pl.BlockSpec((1, XDIM), lambda i: (0, 0)),
            pl.BlockSpec((XDIM, XDIM), lambda i: (0, 0)),
        ],
        out_shape=[
            jax.ShapeDtypeStruct((1, XDIM), jnp.float32),
            jax.ShapeDtypeStruct((XDIM, XDIM), jnp.float32),
        ],
        scratch_shapes=[
            pltpu.SMEM((1, 1), jnp.float32),
            pltpu.SMEM((1, 1), jnp.float32),
            pltpu.VMEM((1, W), jnp.float32),
            pltpu.VMEM((W, W), jnp.float32),
        ],
    )(xres2d, noise2d, ahat, chat, fold4, e168, yhat, scal)


@jax.jit
def kernel(x_Tm1, log_w, y_T, noise, u, A, C, proc_log_scale, obs_log_scale):
    lw = log_w.reshape(N)
    m = _logw_max(log_w.reshape(1000, 1000))
    m16 = jnp.broadcast_to(m.reshape(()), (L,))
    sums = _partial_sums(lw, m16)
    cumw, mrow = _cumsum(lw, m16, sums)
    xres = _resample(u, mrow, cumw.reshape(ROWS, L), sums, x_Tm1)

    eye16 = jnp.eye(16, dtype=jnp.float32)
    ahat = jnp.kron(eye16, A.T)
    chat = jnp.kron(eye16, C.T)
    fold4 = jnp.kron(eye16, jnp.ones((YDIM, 1), jnp.float32))
    e168 = jnp.kron(eye16, jnp.ones((1, XDIM), jnp.float32))
    yhat = jnp.tile(y_T, 16).reshape(1, 64)
    sigma = jnp.exp(proc_log_scale)
    s_obs = jnp.exp(obs_log_scale)
    scal = jnp.stack([sigma, 0.5 / (s_obs * s_obs)]).reshape(1, 2)

    mean, cov = _moments(xres.reshape(RROWS, RCOLS), noise.reshape(RROWS, RCOLS),
                         ahat, chat, fold4, e168, yhat, scal)
    return jnp.concatenate([mean.reshape(XDIM), cov.reshape(XDIM * XDIM)])

# --- scband reference (transcript-rebuilt; emitter-appended) ---
"""Pipeline reference for scband-bootstrap-particle-filter-28174985462213 (READ-ONLY COPY).

The authoritative reference and input builder live on the scoring server;
editing this copy changes nothing except your own understanding.
"""

import jax, jax.numpy as jnp
import numpy as np

N = 1000000
XDIM = 8
YDIM = 4

def setup_inputs(seed: int = 0) -> dict:
    key = jax.random.key(seed)
    k1, k2, k3, k4, k5, k6, k7 = jax.random.split(key, 7)
    x_Tm1 = jax.random.normal(k1, (N, XDIM), dtype=jnp.float32)
    log_w = jax.random.normal(k2, (N, 1), dtype=jnp.float32)
    y_T = jax.random.normal(k3, (YDIM,), dtype=jnp.float32)
    noise = jax.random.normal(k4, (N, XDIM), dtype=jnp.float32)
    u = jax.random.uniform(k5, (N,), dtype=jnp.float32)
    # learned / model parameters (linear-Gaussian transition F and emission G)
    A = jax.random.normal(k6, (XDIM, XDIM), dtype=jnp.float32) * (0.9 / np.sqrt(XDIM))
    C = jax.random.normal(k7, (YDIM, XDIM), dtype=jnp.float32) * (1.0 / np.sqrt(XDIM))
    proc_log_scale = jnp.asarray(-1.0, dtype=jnp.float32)
    obs_log_scale = jnp.asarray(-0.5, dtype=jnp.float32)
    return {"x_Tm1": x_Tm1, "log_w": log_w, "y_T": y_T, "noise": noise, "u": u,
            "A": A, "C": C, "proc_log_scale": proc_log_scale, "obs_log_scale": obs_log_scale}

def reference(x_Tm1, log_w, y_T, noise, u, A, C, proc_log_scale, obs_log_scale):
    # --- resample() : multinomial resampling via inverse-CDF (searchsorted) ---
    w = jax.nn.softmax(log_w[:, 0])
    cumw = jnp.cumsum(w)
    ancestors = jnp.clip(jnp.searchsorted(cumw, u), 0, N - 1)
    x_res = jnp.take(x_Tm1, ancestors, axis=0)
    # --- sample_q_T : propagate through linear-Gaussian transition F_fn ---
    x_T = x_res @ A.T + noise * jnp.exp(proc_log_scale)
    # --- compute_log_p_t : Gaussian emission log-likelihood G_fn ---
    y_mean = x_T @ C.T
    s = jnp.exp(obs_log_scale)
    log_p_y_t = jnp.sum(-0.5 * ((y_T[None, :] - y_mean) / s) ** 2
                        - obs_log_scale - 0.5 * jnp.log(2.0 * jnp.pi),
                        axis=1, keepdims=True)
    # --- update : weights reset after resampling, then += log p(y|x) ---
    log_w_new = jnp.log(1.0 / N) + log_p_y_t
    # --- return_summary_stats : weighted mean and covariance ---
    nw = jax.nn.softmax(log_w_new, axis=0)
    x_mean = jnp.sum(x_T * nw, axis=0)
    xc = x_T - x_mean[None, :]
    x_cov = (xc * nw).T @ xc
    out = jnp.concatenate([x_mean, x_cov.reshape(-1)])
    return out

if __name__ == "__main__":
    import jax
    _d = setup_inputs()
    print(jax.jit(kernel)(*tuple(_d.values())))

</pallas_src>

<mosaic_0001>
#map = affine_map<(d0, d1) -> (0)>
#map1 = affine_map<(d0, d1) -> (0, 0)>
module attributes {stable_mosaic.version = 14 : i64} {
  func.func @_sums_body(%arg0: i32, %arg1: i32, %arg2: memref<1000000xf32, #tpu.memory_space<hbm>>, %arg3: memref<16xf32, #tpu.memory_space<hbm>>, %arg4: memref<32x16xf32, #tpu.memory_space<hbm>>, %arg5: memref<31808xf32, #tpu.memory_space<vmem>>, %arg6: memref<16xf32, #tpu.memory_space<vmem>>, %arg7: memref<16xf32, #tpu.memory_space<vmem>>, %arg8: memref<!tpu.dma_semaphore, #tpu.memory_space<semaphore_mem>>) attributes {dimension_semantics = [#tpu.dimension_semantics<core_parallel>, #tpu.dimension_semantics<subcore_parallel>], iteration_bounds = array<i64: 2, 16>, scalar_prefetch = 0 : i64, scratch_operands = 4 : i64, tpu.core_type = #tpu.core_type<sc_vector_subcore>, window_params = [{transform_indices = #map}, {transform_indices = #map}, {transform_indices = #map1}]} {
    %mul3A = arith.constant 2 : i32
    %mul3A_0 = arith.muli %arg1, %mul3A : i32
    %add3A = arith.addi %mul3A_0, %arg0 : i32
    %mul3A_1 = arith.constant 31232 : i32
    %mul3A_2 = arith.muli %add3A, %mul3A_1 : i32
    "tpu.region"() ({
      %run_scoped3A = tpu.sem_alloc : memref<!tpu.dma_semaphore, #tpu.memory_space<semaphore_mem>>
      tpu.enqueue_dma source(%arg3 : memref<16xf32, #tpu.memory_space<hbm>>) target(%arg6 : memref<16xf32, #tpu.memory_space<vmem>>) target_semaphore(%run_scoped3A : memref<!tpu.dma_semaphore, #tpu.memory_space<semaphore_mem>>)
      tpu.wait_dma2 semaphore(%run_scoped3A : memref<!tpu.dma_semaphore, #tpu.memory_space<semaphore_mem>>) src(%arg3 : memref<16xf32, #tpu.memory_space<hbm>>) dst(%arg6 : memref<16xf32, #tpu.memory_space<vmem>>)
      tpu.yield
    }) : () -> ()
    "tpu.region"() ({
      %run_scoped3A = tpu.sem_alloc : memref<!tpu.dma_semaphore, #tpu.memory_space<semaphore_mem>>
      %dma_start3A = arith.constant 0 : i32
      %dma_start3A_29 = tpu.memref_slice %arg5[%dma_start3A] : memref<31808xf32, #tpu.memory_space<vmem>> -> memref<31232xf32, #tpu.memory_space<vmem>>
      %dma_start3A_30 = tpu.memref_slice %arg2[%mul3A_2] : memref<1000000xf32, #tpu.memory_space<hbm>> -> memref<31232xf32, #tpu.memory_space<hbm>>
      %dma_start3A_31 = arith.constant 0 : i32
      %dma_start3A_32 = tpu.memref_slice %arg5[%dma_start3A_31] : memref<31808xf32, #tpu.memory_space<vmem>> -> memref<31232xf32, #tpu.memory_space<vmem>>
      %dma_start3A_33 = tpu.memref_slice %arg2[%mul3A_2] : memref<1000000xf32, #tpu.memory_space<hbm>> -> memref<31232xf32, #tpu.memory_space<hbm>>
      tpu.enqueue_dma source(%dma_start3A_33 : memref<31232xf32, #tpu.memory_space<hbm>>) target(%dma_start3A_32 : memref<31232xf32, #tpu.memory_space<vmem>>) target_semaphore(%run_scoped3A : memref<!tpu.dma_semaphore, #tpu.memory_space<semaphore_mem>>)
      %dma_wait3A = arith.constant 0 : i32
      %dma_wait3A_34 = tpu.memref_slice %arg5[%dma_wait3A] : memref<31808xf32, #tpu.memory_space<vmem>> -> memref<31232xf32, #tpu.memory_space<vmem>>
      %dma_wait3A_35 = tpu.memref_slice %arg2[%mul3A_2] : memref<1000000xf32, #tpu.memory_space<hbm>> -> memref<31232xf32, #tpu.memory_space<hbm>>
      %dma_wait3A_36 = arith.constant 0 : i32
      %dma_wait3A_37 = tpu.memref_slice %arg5[%dma_wait3A_36] : memref<31808xf32, #tpu.memory_space<vmem>> -> memref<31232xf32, #tpu.memory_space<vmem>>
      %dma_wait3A_38 = tpu.memref_slice %arg2[%mul3A_2] : memref<1000000xf32, #tpu.memory_space<hbm>> -> memref<31232xf32, #tpu.memory_space<hbm>>
      tpu.wait_dma2 semaphore(%run_scoped3A : memref<!tpu.dma_semaphore, #tpu.memory_space<semaphore_mem>>) src(%dma_wait3A_38 : memref<31232xf32, #tpu.memory_space<hbm>>) dst(%dma_wait3A_37 : memref<31232xf32, #tpu.memory_space<vmem>>)
      tpu.yield
    }) : () -> ()
    %eq3A = arith.constant 31 : i32
    %eq3A_3 = arith.cmpi eq, %add3A, %eq3A : i32
    %convert_element_type3A = arith.extui %eq3A_3 : i1 to i32
    %cond3A = arith.constant 0 : i32
    %cond3A_4 = arith.cmpi ne, %convert_element_type3A, %cond3A : i32
    scf.if %cond3A_4 {
      %add3A_29 = arith.constant 31232 : i32
      %add3A_30 = arith.addi %mul3A_2, %add3A_29 : i32
      "tpu.region"() ({
        %run_scoped3A = tpu.sem_alloc : memref<!tpu.dma_semaphore, #tpu.memory_space<semaphore_mem>>
        %dma_start3A = arith.constant 31232 : i32
        %dma_start3A_31 = tpu.memref_slice %arg5[%dma_start3A] : memref<31808xf32, #tpu.memory_space<vmem>> -> memref<576xf32, #tpu.memory_space<vmem>>
        %dma_start3A_32 = tpu.memref_slice %arg2[%add3A_30] : memref<1000000xf32, #tpu.memory_space<hbm>> -> memref<576xf32, #tpu.memory_space<hbm>>
        %dma_start3A_33 = arith.constant 31232 : i32
        %dma_start3A_34 = tpu.memref_slice %arg5[%dma_start3A_33] : memref<31808xf32, #tpu.memory_space<vmem>> -> memref<576xf32, #tpu.memory_space<vmem>>
        %dma_start3A_35 = tpu.memref_slice %arg2[%add3A_30] : memref<1000000xf32, #tpu.memory_space<hbm>> -> memref<576xf32, #tpu.memory_space<hbm>>
        tpu.enqueue_dma source(%dma_start3A_35 : memref<576xf32, #tpu.memory_space<hbm>>) target(%dma_start3A_34 : memref<576xf32, #tpu.memory_space<vmem>>) target_semaphore(%run_scoped3A : memref<!tpu.dma_semaphore, #tpu.memory_space<semaphore_mem>>)
        %dma_wait3A = arith.constant 31232 : i32
        %dma_wait3A_36 = tpu.memref_slice %arg5[%dma_wait3A] : memref<31808xf32, #tpu.memory_space<vmem>> -> memref<576xf32, #tpu.memory_space<vmem>>
        %dma_wait3A_37 = tpu.memref_slice %arg2[%add3A_30] : memref<1000000xf32, #tpu.memory_space<hbm>> -> memref<576xf32, #tpu.memory_space<hbm>>
        %dma_wait3A_38 = arith.constant 31232 : i32
        %dma_wait3A_39 = tpu.memref_slice %arg5[%dma_wait3A_38] : memref<31808xf32, #tpu.memory_space<vmem>> -> memref<576xf32, #tpu.memory_space<vmem>>
        %dma_wait3A_40 = tpu.memref_slice %arg2[%add3A_30] : memref<1000000xf32, #tpu.memory_space<hbm>> -> memref<576xf32, #tpu.memory_space<hbm>>
        tpu.wait_dma2 semaphore(%run_scoped3A : memref<!tpu.dma_semaphore, #tpu.memory_space<semaphore_mem>>) src(%dma_wait3A_40 : memref<576xf32, #tpu.memory_space<hbm>>) dst(%dma_wait3A_39 : memref<576xf32, #tpu.memory_space<vmem>>)
        tpu.yield
      }) : () -> ()
    } else {
    }
    %get3A = arith.constant 0 : index
    %get3A_5 = tpu.vector_load %arg6[%get3A] {strides = array<i32>} : memref<16xf32, #tpu.memory_space<vmem>>, vector<16xf32>,
    %eq3A_6 = arith.constant 31 : i32
    %eq3A_7 = arith.cmpi eq, %add3A, %eq3A_6 : i32
    %jit3A = arith.constant 1988 : i32
    %jit3A_8 = arith.constant 1952 : i32
    %select_n3A = arith.select %eq3A_7, %jit3A, %jit3A_8 : i32
    %broadcast_in_dim3A = arith.constant 0.000000e+00 : f32
    %broadcast_in_dim3A_9 = vector.broadcast %broadcast_in_dim3A : f32 to vector<16xf32>
    %while3A = arith.constant 0 : i32
    %while3A_10 = arith.subi %select_n3A, %while3A : i32
    %while3A_11 = arith.addi %while3A, %while3A_10 : i32
    %while3A_12 = arith.constant 1 : i32
    %while3A_13 = arith.divsi %while3A_10, %while3A_12 : i32
    %while3A_14 = arith.muli %while3A_13, %while3A_12 : i32
    %while3A_15 = arith.addi %while3A, %while3A_14 : i32
    %while3A_16 = arith.constant 1 : i32
    %while3A_17 = scf.for %while3A_29 = %while3A to %while3A_15 step %while3A_16 iter_args(%while3A_30 = %broadcast_in_dim3A_9) -> (vector<16xf32>)  : i32 {
      %mul3A_31 = arith.constant 16 : i32
      %mul3A_32 = arith.muli %while3A_29, %mul3A_31 : i32
      %get3A_33 = arith.index_cast %mul3A_32 : i32 to index
      %get3A_34 = tpu.vector_load %arg5[%get3A_33] {strides = array<i32>} : memref<31808xf32, #tpu.memory_space<vmem>>, vector<16xf32>,
      %sub3A = arith.subf %get3A_34, %get3A_5 : vector<16xf32>
      %exp3A = math.exp %sub3A : vector<16xf32>
      %add3A_35 = arith.addf %while3A_30, %exp3A : vector<16xf32>
      scf.yield %add3A_35 : vector<16xf32>
    }
    %while3A_18 = arith.constant 1 : i32
    %while3A_19 = scf.for %while3A_29 = %while3A_15 to %while3A_11 step %while3A_18 iter_args(%while3A_30 = %while3A_17) -> (vector<16xf32>)  : i32 {
      %mul3A_31 = arith.constant 16 : i32
      %mul3A_32 = arith.muli %while3A_29, %mul3A_31 : i32
      %get3A_33 = arith.index_cast %mul3A_32 : i32 to index
      %get3A_34 = tpu.vector_load %arg5[%get3A_33] {strides = array<i32>} : memref<31808xf32, #tpu.memory_space<vmem>>, vector<16xf32>,
      %sub3A = arith.subf %get3A_34, %get3A_5 : vector<16xf32>
      %exp3A = math.exp %sub3A : vector<16xf32>
      %add3A_35 = arith.addf %while3A_30, %exp3A : vector<16xf32>
      scf.yield %add3A_35 : vector<16xf32>
    }
    %broadcast_in_dim3A_20 = arith.constant true
    %broadcast_in_dim3A_21 = vector.broadcast %broadcast_in_dim3A_20 : i1 to vector<16xi1>
    %masked_cumsum3A = tpu.scan <sum>, %while3A_19 masked %broadcast_in_dim3A_21 : vector<16xf32>, vector<16xi1> -> vector<16xf32>
    %rev3A = arith.constant 15 : i32
    %rev3A_22 = vector.broadcast %rev3A : i32 to vector<16xi32>
    %rev3A_23 = tpu.iota {dimensions = array<i32: 0>} : vector<16xi32>
    %rev3A_24 = arith.subi %rev3A_22, %rev3A_23 : vector<16xi32>
    %rev3A_25 = tpu.dynamic_gather %masked_cumsum3A[%rev3A_24] in [0] : vector<16xf32>, vector<16xi32> -> vector<16xf32>
    %broadcast_in_dim3A_26 = arith.constant true
    %broadcast_in_dim3A_27 = vector.broadcast %broadcast_in_dim3A_26 : i1 to vector<16xi1>
    %masked_cummax3A = tpu.scan <max>, %rev3A_25 masked %broadcast_in_dim3A_27 : vector<16xf32>, vector<16xi1> -> vector<16xf32>
    %swap3A = arith.constant 0 : index
    %swap3A_28 = tpu.vector_load %arg7[%swap3A] {strides = array<i32>} : memref<16xf32, #tpu.memory_space<vmem>>, vector<16xf32>,
    tpu.vector_store %arg7[%swap3A], %masked_cummax3A {strides = array<i32>} : memref<16xf32, #tpu.memory_space<vmem>>, vector<16xf32>,
    "tpu.region"() ({
      %run_scoped3A = tpu.sem_alloc : memref<!tpu.dma_semaphore, #tpu.memory_space<semaphore_mem>>
      %dma_start3A = arith.constant 0 : i32
      %dma_start3A_29 = tpu.memref_slice %arg4[%add3A, %dma_start3A] : memref<32x16xf32, #tpu.memory_space<hbm>> -> memref<1x16xf32, #tpu.memory_space<hbm>>
      %dma_start3A_30 = tpu.memref_squeeze %dma_start3A_29 : memref<1x16xf32, #tpu.memory_space<hbm>> -> memref<16xf32, #tpu.memory_space<hbm>>
      %dma_start3A_31 = arith.constant 0 : i32
      %dma_start3A_32 = tpu.memref_slice %arg4[%add3A, %dma_start3A_31] : memref<32x16xf32, #tpu.memory_space<hbm>> -> memref<1x16xf32, #tpu.memory_space<hbm>>
      %dma_start3A_33 = tpu.memref_squeeze %dma_start3A_32 : memref<1x16xf32, #tpu.memory_space<hbm>> -> memref<16xf32, #tpu.memory_space<hbm>>
      tpu.enqueue_dma source(%arg7 : memref<16xf32, #tpu.memory_space<vmem>>) target(%dma_start3A_33 : memref<16xf32, #tpu.memory_space<hbm>>) target_semaphore(%run_scoped3A : memref<!tpu.dma_semaphore, #tpu.memory_space<semaphore_mem>>)
      %dma_wait3A = arith.constant 0 : i32
      %dma_wait3A_34 = tpu.memref_slice %arg4[%add3A, %dma_wait3A] : memref<32x16xf32, #tpu.memory_space<hbm>> -> memref<1x16xf32, #tpu.memory_space<hbm>>
      %dma_wait3A_35 = tpu.memref_squeeze %dma_wait3A_34 : memref<1x16xf32, #tpu.memory_space<hbm>> -> memref<16xf32, #tpu.memory_space<hbm>>
      %dma_wait3A_36 = arith.constant 0 : i32
      %dma_wait3A_37 = tpu.memref_slice %arg4[%add3A, %dma_wait3A_36] : memref<32x16xf32, #tpu.memory_space<hbm>> -> memref<1x16xf32, #tpu.memory_space<hbm>>
      %dma_wait3A_38 = tpu.memref_squeeze %dma_wait3A_37 : memref<1x16xf32, #tpu.memory_space<hbm>> -> memref<16xf32, #tpu.memory_space<hbm>>
      tpu.wait_dma2 semaphore(%run_scoped3A : memref<!tpu.dma_semaphore, #tpu.memory_space<semaphore_mem>>) src(%arg7 : memref<16xf32, #tpu.memory_space<vmem>>) dst(%dma_wait3A_38 : memref<16xf32, #tpu.memory_space<hbm>>)
      tpu.yield
    }) : () -> ()
    return
  }
}

#map = affine_map<(d0, d1) -> (0)>
#map1 = affine_map<(d0, d1) -> (0, 0)>
module attributes {stable_mosaic.version = 14 : i64} {
  func.func @_cumsum_body(%arg0: i32, %arg1: i32, %arg2: memref<1000000xf32, #tpu.memory_space<hbm>>, %arg3: memref<16xf32, #tpu.memory_space<hbm>>, %arg4: memref<32x16xf32, #tpu.memory_space<hbm>>, %arg5: memref<1000000xf32, #tpu.memory_space<hbm>>, %arg6: memref<62528xf32, #tpu.memory_space<hbm>>, %arg7: memref<31808xf32, #tpu.memory_space<vmem>>, %arg8: memref<16xf32, #tpu.memory_space<vmem>>, %arg9: memref<32x16xf32, #tpu.memory_space<vmem>>, %arg10: memref<2048xf32, #tpu.memory_space<vmem>>, %arg11: memref<!tpu.dma_semaphore, #tpu.memory_space<semaphore_mem>>) attributes {dimension_semantics = [#tpu.dimension_semantics<core_parallel>, #tpu.dimension_semantics<subcore_parallel>], iteration_bounds = array<i64: 2, 16>, scalar_prefetch = 0 : i64, scratch_operands = 5 : i64, tpu.core_type = #tpu.core_type<sc_vector_subcore>, window_params = [{transform_indices = #map}, {transform_indices = #map}, {transform_indices = #map1}, {transform_indices = #map}, {transform_indices = #map}]} {
    %mul3A = arith.constant 2 : i32
    %mul3A_0 = arith.muli %arg1, %mul3A : i32
    %add3A = arith.addi %mul3A_0, %arg0 : i32
    %mul3A_1 = arith.constant 31232 : i32
    %mul3A_2 = arith.muli %add3A, %mul3A_1 : i32
    "tpu.region"() ({
      %run_scoped3A = tpu.sem_alloc : memref<!tpu.dma_semaphore, #tpu.memory_space<semaphore_mem>>
      tpu.enqueue_dma source(%arg3 : memref<16xf32, #tpu.memory_space<hbm>>) target(%arg8 : memref<16xf32, #tpu.memory_space<vmem>>) target_semaphore(%run_scoped3A : memref<!tpu.dma_semaphore, #tpu.memory_space<semaphore_mem>>)
      tpu.wait_dma2 semaphore(%run_scoped3A : memref<!tpu.dma_semaphore, #tpu.memory_space<semaphore_mem>>) src(%arg3 : memref<16xf32, #tpu.memory_space<hbm>>) dst(%arg8 : memref<16xf32, #tpu.memory_space<vmem>>)
      tpu.yield
    }) : () -> ()
    "tpu.region"() ({
      %run_scoped3A = tpu.sem_alloc : memref<!tpu.dma_semaphore, #tpu.memory_space<semaphore_mem>>
      tpu.enqueue_dma source(%arg4 : memref<32x16xf32, #tpu.memory_space<hbm>>) target(%arg9 : memref<32x16xf32, #tpu.memory_space<vmem>>) target_semaphore(%run_scoped3A : memref<!tpu.dma_semaphore, #tpu.memory_space<semaphore_mem>>)
      tpu.wait_dma2 semaphore(%run_scoped3A : memref<!tpu.dma_semaphore, #tpu.memory_space<semaphore_mem>>) src(%arg4 : memref<32x16xf32, #tpu.memory_space<hbm>>) dst(%arg9 : memref<32x16xf32, #tpu.memory_space<vmem>>)
      tpu.yield
    }) : () -> ()
    "tpu.region"() ({
      %run_scoped3A = tpu.sem_alloc : memref<!tpu.dma_semaphore, #tpu.memory_space<semaphore_mem>>
      %dma_start3A = arith.constant 0 : i32
      %dma_start3A_99 = tpu.memref_slice %arg7[%dma_start3A] : memref<31808xf32, #tpu.memory_space<vmem>> -> memref<31232xf32, #tpu.memory_space<vmem>>
      %dma_start3A_100 = tpu.memref_slice %arg2[%mul3A_2] : memref<1000000xf32, #tpu.memory_space<hbm>> -> memref<31232xf32, #tpu.memory_space<hbm>>
      %dma_start3A_101 = arith.constant 0 : i32
      %dma_start3A_102 = tpu.memref_slice %arg7[%dma_start3A_101] : memref<31808xf32, #tpu.memory_space<vmem>> -> memref<31232xf32, #tpu.memory_space<vmem>>
      %dma_start3A_103 = tpu.memref_slice %arg2[%mul3A_2] : memref<1000000xf32, #tpu.memory_space<hbm>> -> memref<31232xf32, #tpu.memory_space<hbm>>
      tpu.enqueue_dma source(%dma_start3A_103 : memref<31232xf32, #tpu.memory_space<hbm>>) target(%dma_start3A_102 : memref<31232xf32, #tpu.memory_space<vmem>>) target_semaphore(%run_scoped3A : memref<!tpu.dma_semaphore, #tpu.memory_space<semaphore_mem>>)
      %dma_wait3A = arith.constant 0 : i32
      %dma_wait3A_104 = tpu.memref_slice %arg7[%dma_wait3A] : memref<31808xf32, #tpu.memory_space<vmem>> -> memref<31232xf32, #tpu.memory_space<vmem>>
      %dma_wait3A_105 = tpu.memref_slice %arg2[%mul3A_2] : memref<1000000xf32, #tpu.memory_space<hbm>> -> memref<31232xf32, #tpu.memory_space<hbm>>
      %dma_wait3A_106 = arith.constant 0 : i32
      %dma_wait3A_107 = tpu.memref_slice %arg7[%dma_wait3A_106] : memref<31808xf32, #tpu.memory_space<vmem>> -> memref<31232xf32, #tpu.memory_space<vmem>>
      %dma_wait3A_108 = tpu.memref_slice %arg2[%mul3A_2] : memref<1000000xf32, #tpu.memory_space<hbm>> -> memref<31232xf32, #tpu.memory_space<hbm>>
      tpu.wait_dma2 semaphore(%run_scoped3A : memref<!tpu.dma_semaphore, #tpu.memory_space<semaphore_mem>>) src(%dma_wait3A_108 : memref<31232xf32, #tpu.memory_space<hbm>>) dst(%dma_wait3A_107 : memref<31232xf32, #tpu.memory_space<vmem>>)
      tpu.yield
    }) : () -> ()
    %eq3A = arith.constant 31 : i32
    %eq3A_3 = arith.cmpi eq, %add3A, %eq3A : i32
    %convert_element_type3A = arith.extui %eq3A_3 : i1 to i32
    %cond3A = arith.constant 0 : i32
    %cond3A_4 = arith.cmpi ne, %convert_element_type3A, %cond3A : i32
    scf.if %cond3A_4 {
      %add3A_99 = arith.constant 31232 : i32
      %add3A_100 = arith.addi %mul3A_2, %add3A_99 : i32
      "tpu.region"() ({
        %run_scoped3A = tpu.sem_alloc : memref<!tpu.dma_semaphore, #tpu.memory_space<semaphore_mem>>
        %dma_start3A = arith.constant 31232 : i32
        %dma_start3A_101 = tpu.memref_slice %arg7[%dma_start3A] : memref<31808xf32, #tpu.memory_space<vmem>> -> memref<576xf32, #tpu.memory_space<vmem>>
        %dma_start3A_102 = tpu.memref_slice %arg2[%add3A_100] : memref<1000000xf32, #tpu.memory_space<hbm>> -> memref<576xf32, #tpu.memory_space<hbm>>
        %dma_start3A_103 = arith.constant 31232 : i32
        %dma_start3A_104 = tpu.memref_slice %arg7[%dma_start3A_103] : memref<31808xf32, #tpu.memory_space<vmem>> -> memref<576xf32, #tpu.memory_space<vmem>>
        %dma_start3A_105 = tpu.memref_slice %arg2[%add3A_100] : memref<1000000xf32, #tpu.memory_space<hbm>> -> memref<576xf32, #tpu.memory_space<hbm>>
        tpu.enqueue_dma source(%dma_start3A_105 : memref<576xf32, #tpu.memory_space<hbm>>) target(%dma_start3A_104 : memref<576xf32, #tpu.memory_space<vmem>>) target_semaphore(%run_scoped3A : memref<!tpu.dma_semaphore, #tpu.memory_space<semaphore_mem>>)
        %dma_wait3A = arith.constant 31232 : i32
        %dma_wait3A_106 = tpu.memref_slice %arg7[%dma_wait3A] : memref<31808xf32, #tpu.memory_space<vmem>> -> memref<576xf32, #tpu.memory_space<vmem>>
        %dma_wait3A_107 = tpu.memref_slice %arg2[%add3A_100] : memref<1000000xf32, #tpu.memory_space<hbm>> -> memref<576xf32, #tpu.memory_space<hbm>>
        %dma_wait3A_108 = arith.constant 31232 : i32
        %dma_wait3A_109 = tpu.memref_slice %arg7[%dma_wait3A_108] : memref<31808xf32, #tpu.memory_space<vmem>> -> memref<576xf32, #tpu.memory_space<vmem>>
        %dma_wait3A_110 = tpu.memref_slice %arg2[%add3A_100] : memref<1000000xf32, #tpu.memory_space<hbm>> -> memref<576xf32, #tpu.memory_space<hbm>>
        tpu.wait_dma2 semaphore(%run_scoped3A : memref<!tpu.dma_semaphore, #tpu.memory_space<semaphore_mem>>) src(%dma_wait3A_110 : memref<576xf32, #tpu.memory_space<hbm>>) dst(%dma_wait3A_109 : memref<576xf32, #tpu.memory_space<vmem>>)
        tpu.yield
      }) : () -> ()
    } else {
    }
    %iota3A = tpu.iota {dimensions = array<i32: 0>} : vector<16xi32>
    %iota3A_5 = tpu.iota {dimensions = array<i32: 0>} : vector<16xi32>
    %add3A_6 = arith.constant 16 : i32
    %add3A_7 = vector.broadcast %add3A_6 : i32 to vector<16xi32>
    %add3A_8 = arith.addi %iota3A_5, %add3A_7 : vector<16xi32>
    %broadcast_in_dim3A = arith.constant 0 : i32
    %broadcast_in_dim3A_9 = vector.broadcast %broadcast_in_dim3A : i32 to vector<16xi32>
    %gather3A = tpu.vector_load_idx %arg9[%iota3A, %broadcast_in_dim3A_9] : memref<32x16xf32, #tpu.memory_space<vmem>>[vector<16xi32>, vector<16xi32>], vector<16xf32>,
    %gather3A_10 = tpu.vector_load_idx %arg9[%add3A_8, %broadcast_in_dim3A_9] : memref<32x16xf32, #tpu.memory_space<vmem>>[vector<16xi32>, vector<16xi32>], vector<16xf32>,
    %broadcast_in_dim3A_11 = arith.constant 0.000000e+00 : f32
    %broadcast_in_dim3A_12 = vector.broadcast %broadcast_in_dim3A_11 : f32 to vector<16xf32>
    %lt3A = vector.broadcast %add3A : i32 to vector<16xi32>
    %lt3A_13 = arith.cmpi slt, %iota3A, %lt3A : vector<16xi32>
    %select_n3A = arith.select %lt3A_13, %gather3A, %broadcast_in_dim3A_12 : vector<16xi1>, vector<16xf32>
    %broadcast_in_dim3A_14 = arith.constant true
    %broadcast_in_dim3A_15 = vector.broadcast %broadcast_in_dim3A_14 : i1 to vector<16xi1>
    %masked_cumsum3A = tpu.scan <sum>, %select_n3A masked %broadcast_in_dim3A_15 : vector<16xf32>, vector<16xi1> -> vector<16xf32>
    %rev3A = arith.constant 15 : i32
    %rev3A_16 = vector.broadcast %rev3A : i32 to vector<16xi32>
    %rev3A_17 = tpu.iota {dimensions = array<i32: 0>} : vector<16xi32>
    %rev3A_18 = arith.subi %rev3A_16, %rev3A_17 : vector<16xi32>
    %rev3A_19 = tpu.dynamic_gather %masked_cumsum3A[%rev3A_18] in [0] : vector<16xf32>, vector<16xi32> -> vector<16xf32>
    %broadcast_in_dim3A_20 = arith.constant true
    %broadcast_in_dim3A_21 = vector.broadcast %broadcast_in_dim3A_20 : i1 to vector<16xi1>
    %masked_cummax3A = tpu.scan <max>, %rev3A_19 masked %broadcast_in_dim3A_21 : vector<16xf32>, vector<16xi1> -> vector<16xf32>
    %lt3A_22 = vector.broadcast %add3A : i32 to vector<16xi32>
    %lt3A_23 = arith.cmpi slt, %add3A_8, %lt3A_22 : vector<16xi32>
    %select_n3A_24 = arith.select %lt3A_23, %gather3A_10, %broadcast_in_dim3A_12 : vector<16xi1>, vector<16xf32>
    %broadcast_in_dim3A_25 = arith.constant true
    %broadcast_in_dim3A_26 = vector.broadcast %broadcast_in_dim3A_25 : i1 to vector<16xi1>
    %masked_cumsum3A_27 = tpu.scan <sum>, %select_n3A_24 masked %broadcast_in_dim3A_26 : vector<16xf32>, vector<16xi1> -> vector<16xf32>
    %rev3A_28 = arith.constant 15 : i32
    %rev3A_29 = vector.broadcast %rev3A_28 : i32 to vector<16xi32>
    %rev3A_30 = tpu.iota {dimensions = array<i32: 0>} : vector<16xi32>
    %rev3A_31 = arith.subi %rev3A_29, %rev3A_30 : vector<16xi32>
    %rev3A_32 = tpu.dynamic_gather %masked_cumsum3A_27[%rev3A_31] in [0] : vector<16xf32>, vector<16xi32> -> vector<16xf32>
    %broadcast_in_dim3A_33 = arith.constant true
    %broadcast_in_dim3A_34 = vector.broadcast %broadcast_in_dim3A_33 : i1 to vector<16xi1>
    %masked_cummax3A_35 = tpu.scan <max>, %rev3A_32 masked %broadcast_in_dim3A_34 : vector<16xf32>, vector<16xi1> -> vector<16xf32>
    %add3A_36 = arith.addf %masked_cummax3A, %masked_cummax3A_35 : vector<16xf32>
    %broadcast_in_dim3A_37 = arith.constant true
    %broadcast_in_dim3A_38 = vector.broadcast %broadcast_in_dim3A_37 : i1 to vector<16xi1>
    %masked_cumsum3A_39 = tpu.scan <sum>, %gather3A masked %broadcast_in_dim3A_38 : vector<16xf32>, vector<16xi1> -> vector<16xf32>
    %rev3A_40 = arith.constant 15 : i32
    %rev3A_41 = vector.broadcast %rev3A_40 : i32 to vector<16xi32>
    %rev3A_42 = tpu.iota {dimensions = array<i32: 0>} : vector<16xi32>
    %rev3A_43 = arith.subi %rev3A_41, %rev3A_42 : vector<16xi32>
    %rev3A_44 = tpu.dynamic_gather %masked_cumsum3A_39[%rev3A_43] in [0] : vector<16xf32>, vector<16xi32> -> vector<16xf32>
    %broadcast_in_dim3A_45 = arith.constant true
    %broadcast_in_dim3A_46 = vector.broadcast %broadcast_in_dim3A_45 : i1 to vector<16xi1>
    %masked_cummax3A_47 = tpu.scan <max>, %rev3A_44 masked %broadcast_in_dim3A_46 : vector<16xf32>, vector<16xi1> -> vector<16xf32>
    %broadcast_in_dim3A_48 = arith.constant true
    %broadcast_in_dim3A_49 = vector.broadcast %broadcast_in_dim3A_48 : i1 to vector<16xi1>
    %masked_cumsum3A_50 = tpu.scan <sum>, %gather3A_10 masked %broadcast_in_dim3A_49 : vector<16xf32>, vector<16xi1> -> vector<16xf32>
    %rev3A_51 = arith.constant 15 : i32
    %rev3A_52 = vector.broadcast %rev3A_51 : i32 to vector<16xi32>
    %rev3A_53 = tpu.iota {dimensions = array<i32: 0>} : vector<16xi32>
    %rev3A_54 = arith.subi %rev3A_52, %rev3A_53 : vector<16xi32>
    %rev3A_55 = tpu.dynamic_gather %masked_cumsum3A_50[%rev3A_54] in [0] : vector<16xf32>, vector<16xi32> -> vector<16xf32>
    %broadcast_in_dim3A_56 = arith.constant true
    %broadcast_in_dim3A_57 = vector.broadcast %broadcast_in_dim3A_56 : i1 to vector<16xi1>
    %masked_cummax3A_58 = tpu.scan <max>, %rev3A_55 masked %broadcast_in_dim3A_57 : vector<16xf32>, vector<16xi1> -> vector<16xf32>
    %add3A_59 = arith.addf %masked_cummax3A_47, %masked_cummax3A_58 : vector<16xf32>
    %get3A = arith.constant 0 : index
    %get3A_60 = tpu.vector_load %arg8[%get3A] {strides = array<i32>} : memref<16xf32, #tpu.memory_space<vmem>>, vector<16xf32>,
    %eq3A_61 = arith.constant 31 : i32
    %eq3A_62 = arith.cmpi eq, %add3A, %eq3A_61 : i32
    %jit3A = arith.constant 1988 : i32
    %jit3A_63 = arith.constant 1952 : i32
    %select_n3A_64 = arith.select %eq3A_62, %jit3A, %jit3A_63 : i32
    %while3A = arith.constant 0 : i32
    %while3A_65 = arith.subi %select_n3A_64, %while3A : i32
    %while3A_66 = arith.addi %while3A, %while3A_65 : i32
    %while3A_67 = arith.constant 1 : i32
    %while3A_68 = arith.divsi %while3A_65, %while3A_67 : i32
    %while3A_69 = arith.muli %while3A_68, %while3A_67 : i32
    %while3A_70 = arith.addi %while3A, %while3A_69 : i32
    %while3A_71 = arith.constant 1 : i32
    %while3A_72 = scf.for %while3A_99 = %while3A to %while3A_70 step %while3A_71 iter_args(%while3A_100 = %add3A_36) -> (vector<16xf32>)  : i32 {
      %mul3A_101 = arith.constant 16 : i32
      %mul3A_102 = arith.muli %while3A_99, %mul3A_101 : i32
      %get3A_103 = arith.index_cast %mul3A_102 : i32 to index
      %get3A_104 = tpu.vector_load %arg7[%get3A_103] {strides = array<i32>} : memref<31808xf32, #tpu.memory_space<vmem>>, vector<16xf32>,
      %sub3A_105 = arith.subf %get3A_104, %get3A_60 : vector<16xf32>
      %exp3A = math.exp %sub3A_105 : vector<16xf32>
      %broadcast_in_dim3A_106 = arith.constant true
      %broadcast_in_dim3A_107 = vector.broadcast %broadcast_in_dim3A_106 : i1 to vector<16xi1>
      %masked_cumsum3A_108 = tpu.scan <sum>, %exp3A masked %broadcast_in_dim3A_107 : vector<16xf32>, vector<16xi1> -> vector<16xf32>
      %add3A_109 = arith.addf %masked_cumsum3A_108, %while3A_100 : vector<16xf32>
      %mul3A_110 = arith.constant 16 : i32
      %mul3A_111 = arith.muli %while3A_99, %mul3A_110 : i32
      %swap3A = arith.index_cast %mul3A_111 : i32 to index
      %swap3A_112 = tpu.vector_load %arg7[%swap3A] {strides = array<i32>} : memref<31808xf32, #tpu.memory_space<vmem>>, vector<16xf32>,
      tpu.vector_store %arg7[%swap3A], %add3A_109 {strides = array<i32>} : memref<31808xf32, #tpu.memory_space<vmem>>, vector<16xf32>,
      %rev3A_113 = arith.constant 15 : i32
      %rev3A_114 = vector.broadcast %rev3A_113 : i32 to vector<16xi32>
      %rev3A_115 = tpu.iota {dimensions = array<i32: 0>} : vector<16xi32>
      %rev3A_116 = arith.subi %rev3A_114, %rev3A_115 : vector<16xi32>
      %rev3A_117 = tpu.dynamic_gather %add3A_109[%rev3A_116] in [0] : vector<16xf32>, vector<16xi32> -> vector<16xf32>
      %broadcast_in_dim3A_118 = arith.constant true
      %broadcast_in_dim3A_119 = vector.broadcast %broadcast_in_dim3A_118 : i1 to vector<16xi1>
      %masked_cummax3A_120 = tpu.scan <max>, %rev3A_117 masked %broadcast_in_dim3A_119 : vector<16xf32>, vector<16xi1> -> vector<16xf32>
      scf.yield %masked_cummax3A_120 : vector<16xf32>
    }
    %while3A_73 = arith.constant 1 : i32
    %while3A_74 = scf.for %while3A_99 = %while3A_70 to %while3A_66 step %while3A_73 iter_args(%while3A_100 = %while3A_72) -> (vector<16xf32>)  : i32 {
      %mul3A_101 = arith.constant 16 : i32
      %mul3A_102 = arith.muli %while3A_99, %mul3A_101 : i32
      %get3A_103 = arith.index_cast %mul3A_102 : i32 to index
      %get3A_104 = tpu.vector_load %arg7[%get3A_103] {strides = array<i32>} : memref<31808xf32, #tpu.memory_space<vmem>>, vector<16xf32>,
      %sub3A_105 = arith.subf %get3A_104, %get3A_60 : vector<16xf32>
      %exp3A = math.exp %sub3A_105 : vector<16xf32>
      %broadcast_in_dim3A_106 = arith.constant true
      %broadcast_in_dim3A_107 = vector.broadcast %broadcast_in_dim3A_106 : i1 to vector<16xi1>
      %masked_cumsum3A_108 = tpu.scan <sum>, %exp3A masked %broadcast_in_dim3A_107 : vector<16xf32>, vector<16xi1> -> vector<16xf32>
      %add3A_109 = arith.addf %masked_cumsum3A_108, %while3A_100 : vector<16xf32>
      %mul3A_110 = arith.constant 16 : i32
      %mul3A_111 = arith.muli %while3A_99, %mul3A_110 : i32
      %swap3A = arith.index_cast %mul3A_111 : i32 to index
      %swap3A_112 = tpu.vector_load %arg7[%swap3A] {strides = array<i32>} : memref<31808xf32, #tpu.memory_space<vmem>>, vector<16xf32>,
      tpu.vector_store %arg7[%swap3A], %add3A_109 {strides = array<i32>} : memref<31808xf32, #tpu.memory_space<vmem>>, vector<16xf32>,
      %rev3A_113 = arith.constant 15 : i32
      %rev3A_114 = vector.broadcast %rev3A_113 : i32 to vector<16xi32>
      %rev3A_115 = tpu.iota {dimensions = array<i32: 0>} : vector<16xi32>
      %rev3A_116 = arith.subi %rev3A_114, %rev3A_115 : vector<16xi32>
      %rev3A_117 = tpu.dynamic_gather %add3A_109[%rev3A_116] in [0] : vector<16xf32>, vector<16xi32> -> vector<16xf32>
      %broadcast_in_dim3A_118 = arith.constant true
      %broadcast_in_dim3A_119 = vector.broadcast %broadcast_in_dim3A_118 : i1 to vector<16xi1>
      %masked_cummax3A_120 = tpu.scan <max>, %rev3A_117 masked %broadcast_in_dim3A_119 : vector<16xf32>, vector<16xi1> -> vector<16xf32>
      scf.yield %masked_cummax3A_120 : vector<16xf32>
    }
    %iota3A_75 = tpu.iota {dimensions = array<i32: 0>} : vector<16xi32>
    %add3A_76 = arith.constant 16 : i32
    %add3A_77 = arith.addi %select_n3A_64, %add3A_76 : i32
    %sub3A = arith.constant 1 : i32
    %sub3A_78 = arith.subi %add3A_77, %sub3A : i32
    %shift_right_arithmetic3A = arith.constant 4 : i32
    %shift_right_arithmetic3A_79 = arith.shrsi %sub3A_78, %shift_right_arithmetic3A : i32
    %while3A_80 = arith.constant 0 : i32
    %while3A_81 = arith.constant 0 : i32
    %while3A_82 = arith.subi %shift_right_arithmetic3A_79, %while3A_80 : i32
    %while3A_83 = arith.addi %while3A_80, %while3A_82 : i32
    %while3A_84 = arith.constant 1 : i32
    %while3A_85 = arith.divsi %while3A_82, %while3A_84 : i32
    %while3A_86 = arith.muli %while3A_85, %while3A_84 : i32
    %while3A_87 = arith.addi %while3A_80, %while3A_86 : i32
    %while3A_88 = arith.constant 1 : i32
    %while3A_89 = scf.for %while3A_99 = %while3A_80 to %while3A_87 step %while3A_88 iter_args(%while3A_100 = %while3A_81) -> (i32)  : i32 {
      %mul3A_101 = arith.constant 256 : i32
      %mul3A_102 = arith.muli %while3A_99, %mul3A_101 : i32
      %mul3A_103 = arith.constant 16 : i32
      %mul3A_104 = vector.broadcast %mul3A_103 : i32 to vector<16xi32>
      %mul3A_105 = arith.muli %iota3A_75, %mul3A_104 : vector<16xi32>
      %add3A_106 = vector.broadcast %mul3A_102 : i32 to vector<16xi32>
      %add3A_107 = arith.addi %add3A_106, %mul3A_105 : vector<16xi32>
      %add3A_108 = arith.constant 15 : i32
      %add3A_109 = vector.broadcast %add3A_108 : i32 to vector<16xi32>
      %add3A_110 = arith.addi %add3A_107, %add3A_109 : vector<16xi32>
      %min3A = arith.constant 31807 : i32
      %min3A_111 = vector.broadcast %min3A : i32 to vector<16xi32>
      %min3A_112 = arith.minsi %add3A_110, %min3A_111 : vector<16xi32>
      %gather3A_113 = tpu.vector_load_idx %arg7[%min3A_112] : memref<31808xf32, #tpu.memory_space<vmem>>[vector<16xi32>], vector<16xf32>,
      %mul3A_114 = arith.constant 16 : i32
      %mul3A_115 = arith.muli %while3A_99, %mul3A_114 : i32
      %swap3A = arith.index_cast %mul3A_115 : i32 to index
      %swap3A_116 = tpu.vector_load %arg10[%swap3A] {strides = array<i32>} : memref<2048xf32, #tpu.memory_space<vmem>>, vector<16xf32>,
      tpu.vector_store %arg10[%swap3A], %gather3A_113 {strides = array<i32>} : memref<2048xf32, #tpu.memory_space<vmem>>, vector<16xf32>,
      %while3A_117 = arith.constant 0 : i32
      scf.yield %while3A_117 : i32
    }
    %while3A_90 = arith.constant 1 : i32
    %while3A_91 = scf.for %while3A_99 = %while3A_87 to %while3A_83 step %while3A_90 iter_args(%while3A_100 = %while3A_89) -> (i32)  : i32 {
      %mul3A_101 = arith.constant 256 : i32
      %mul3A_102 = arith.muli %while3A_99, %mul3A_101 : i32
      %mul3A_103 = arith.constant 16 : i32
      %mul3A_104 = vector.broadcast %mul3A_103 : i32 to vector<16xi32>
      %mul3A_105 = arith.muli %iota3A_75, %mul3A_104 : vector<16xi32>
      %add3A_106 = vector.broadcast %mul3A_102 : i32 to vector<16xi32>
      %add3A_107 = arith.addi %add3A_106, %mul3A_105 : vector<16xi32>
      %add3A_108 = arith.constant 15 : i32
      %add3A_109 = vector.broadcast %add3A_108 : i32 to vector<16xi32>
      %add3A_110 = arith.addi %add3A_107, %add3A_109 : vector<16xi32>
      %min3A = arith.constant 31807 : i32
      %min3A_111 = vector.broadcast %min3A : i32 to vector<16xi32>
      %min3A_112 = arith.minsi %add3A_110, %min3A_111 : vector<16xi32>
      %gather3A_113 = tpu.vector_load_idx %arg7[%min3A_112] : memref<31808xf32, #tpu.memory_space<vmem>>[vector<16xi32>], vector<16xf32>,
      %mul3A_114 = arith.constant 16 : i32
      %mul3A_115 = arith.muli %while3A_99, %mul3A_114 : i32
      %swap3A = arith.index_cast %mul3A_115 : i32 to index
      %swap3A_116 = tpu.vector_load %arg10[%swap3A] {strides = array<i32>} : memref<2048xf32, #tpu.memory_space<vmem>>, vector<16xf32>,
      tpu.vector_store %arg10[%swap3A], %gather3A_113 {strides = array<i32>} : memref<2048xf32, #tpu.memory_space<vmem>>, vector<16xf32>,
      %while3A_117 = arith.constant 0 : i32
      scf.yield %while3A_117 : i32
    }
    "tpu.region"() ({
      %run_scoped3A = tpu.sem_alloc : memref<!tpu.dma_semaphore, #tpu.memory_space<semaphore_mem>>
      %dma_start3A = arith.constant 0 : i32
      %dma_start3A_99 = tpu.memref_slice %arg7[%dma_start3A] : memref<31808xf32, #tpu.memory_space<vmem>> -> memref<31232xf32, #tpu.memory_space<vmem>>
      %dma_start3A_100 = tpu.memref_slice %arg5[%mul3A_2] : memref<1000000xf32, #tpu.memory_space<hbm>> -> memref<31232xf32, #tpu.memory_space<hbm>>
      %dma_start3A_101 = tpu.memref_slice %arg5[%mul3A_2] : memref<1000000xf32, #tpu.memory_space<hbm>> -> memref<31232xf32, #tpu.memory_space<hbm>>
      %dma_start3A_102 = arith.constant 0 : i32
      %dma_start3A_103 = tpu.memref_slice %arg7[%dma_start3A_102] : memref<31808xf32, #tpu.memory_space<vmem>> -> memref<31232xf32, #tpu.memory_space<vmem>>
      tpu.enqueue_dma source(%dma_start3A_103 : memref<31232xf32, #tpu.memory_space<vmem>>) target(%dma_start3A_101 : memref<31232xf32, #tpu.memory_space<hbm>>) target_semaphore(%run_scoped3A : memref<!tpu.dma_semaphore, #tpu.memory_space<semaphore_mem>>)
      %dma_wait3A = arith.constant 0 : i32
      %dma_wait3A_104 = tpu.memref_slice %arg7[%dma_wait3A] : memref<31808xf32, #tpu.memory_space<vmem>> -> memref<31232xf32, #tpu.memory_space<vmem>>
      %dma_wait3A_105 = tpu.memref_slice %arg5[%mul3A_2] : memref<1000000xf32, #tpu.memory_space<hbm>> -> memref<31232xf32, #tpu.memory_space<hbm>>
      %dma_wait3A_106 = tpu.memref_slice %arg5[%mul3A_2] : memref<1000000xf32, #tpu.memory_space<hbm>> -> memref<31232xf32, #tpu.memory_space<hbm>>
      %dma_wait3A_107 = arith.constant 0 : i32
      %dma_wait3A_108 = tpu.memref_slice %arg7[%dma_wait3A_107] : memref<31808xf32, #tpu.memory_space<vmem>> -> memref<31232xf32, #tpu.memory_space<vmem>>
      tpu.wait_dma2 semaphore(%run_scoped3A : memref<!tpu.dma_semaphore, #tpu.memory_space<semaphore_mem>>) src(%dma_wait3A_108 : memref<31232xf32, #tpu.memory_space<vmem>>) dst(%dma_wait3A_106 : memref<31232xf32, #tpu.memory_space<hbm>>)
      tpu.yield
    }) : () -> ()
    %mul3A_92 = arith.constant 1952 : i32
    %mul3A_93 = arith.muli %add3A, %mul3A_92 : i32
    "tpu.region"() ({
      %run_scoped3A = tpu.sem_alloc : memref<!tpu.dma_semaphore, #tpu.memory_space<semaphore_mem>>
      %dma_start3A = arith.constant 0 : i32
      %dma_start3A_99 = tpu.memref_slice %arg10[%dma_start3A] : memref<2048xf32, #tpu.memory_space<vmem>> -> memref<1952xf32, #tpu.memory_space<vmem>>
      %dma_start3A_100 = tpu.memref_slice %arg6[%mul3A_93] : memref<62528xf32, #tpu.memory_space<hbm>> -> memref<1952xf32, #tpu.memory_space<hbm>>
      %dma_start3A_101 = tpu.memref_slice %arg6[%mul3A_93] : memref<62528xf32, #tpu.memory_space<hbm>> -> memref<1952xf32, #tpu.memory_space<hbm>>
      %dma_start3A_102 = arith.constant 0 : i32
      %dma_start3A_103 = tpu.memref_slice %arg10[%dma_start3A_102] : memref<2048xf32, #tpu.memory_space<vmem>> -> memref<1952xf32, #tpu.memory_space<vmem>>
      tpu.enqueue_dma source(%dma_start3A_103 : memref<1952xf32, #tpu.memory_space<vmem>>) target(%dma_start3A_101 : memref<1952xf32, #tpu.memory_space<hbm>>) target_semaphore(%run_scoped3A : memref<!tpu.dma_semaphore, #tpu.memory_space<semaphore_mem>>)
      %dma_wait3A = arith.constant 0 : i32
      %dma_wait3A_104 = tpu.memref_slice %arg10[%dma_wait3A] : memref<2048xf32, #tpu.memory_space<vmem>> -> memref<1952xf32, #tpu.memory_space<vmem>>
      %dma_wait3A_105 = tpu.memref_slice %arg6[%mul3A_93] : memref<62528xf32, #tpu.memory_space<hbm>> -> memref<1952xf32, #tpu.memory_space<hbm>>
      %dma_wait3A_106 = tpu.memref_slice %arg6[%mul3A_93] : memref<62528xf32, #tpu.memory_space<hbm>> -> memref<1952xf32, #tpu.memory_space<hbm>>
      %dma_wait3A_107 = arith.constant 0 : i32
      %dma_wait3A_108 = tpu.memref_slice %arg10[%dma_wait3A_107] : memref<2048xf32, #tpu.memory_space<vmem>> -> memref<1952xf32, #tpu.memory_space<vmem>>
      tpu.wait_dma2 semaphore(%run_scoped3A : memref<!tpu.dma_semaphore, #tpu.memory_space<semaphore_mem>>) src(%dma_wait3A_108 : memref<1952xf32, #tpu.memory_space<vmem>>) dst(%dma_wait3A_106 : memref<1952xf32, #tpu.memory_space<hbm>>)
      tpu.yield
    }) : () -> ()
    %eq3A_94 = arith.constant 31 : i32
    %eq3A_95 = arith.cmpi eq, %add3A, %eq3A_94 : i32
    %convert_element_type3A_96 = arith.extui %eq3A_95 : i1 to i32
    %cond3A_97 = arith.constant 0 : i32
    %cond3A_98 = arith.cmpi ne, %convert_element_type3A_96, %cond3A_97 : i32
    scf.if %cond3A_98 {
      %add3A_99 = arith.constant 31232 : i32
      %add3A_100 = arith.addi %mul3A_2, %add3A_99 : i32
      "tpu.region"() ({
        %run_scoped3A = tpu.sem_alloc : memref<!tpu.dma_semaphore, #tpu.memory_space<semaphore_mem>>
        %dma_start3A = arith.constant 31232 : i32
        %dma_start3A_105 = tpu.memref_slice %arg7[%dma_start3A] : memref<31808xf32, #tpu.memory_space<vmem>> -> memref<576xf32, #tpu.memory_space<vmem>>
        %dma_start3A_106 = tpu.memref_slice %arg5[%add3A_100] : memref<1000000xf32, #tpu.memory_space<hbm>> -> memref<576xf32, #tpu.memory_space<hbm>>
        %dma_start3A_107 = tpu.memref_slice %arg5[%add3A_100] : memref<1000000xf32, #tpu.memory_space<hbm>> -> memref<576xf32, #tpu.memory_space<hbm>>
        %dma_start3A_108 = arith.constant 31232 : i32
        %dma_start3A_109 = tpu.memref_slice %arg7[%dma_start3A_108] : memref<31808xf32, #tpu.memory_space<vmem>> -> memref<576xf32, #tpu.memory_space<vmem>>
        tpu.enqueue_dma source(%dma_start3A_109 : memref<576xf32, #tpu.memory_space<vmem>>) target(%dma_start3A_107 : memref<576xf32, #tpu.memory_space<hbm>>) target_semaphore(%run_scoped3A : memref<!tpu.dma_semaphore, #tpu.memory_space<semaphore_mem>>)
        %dma_wait3A = arith.constant 31232 : i32
        %dma_wait3A_110 = tpu.memref_slice %arg7[%dma_wait3A] : memref<31808xf32, #tpu.memory_space<vmem>> -> memref<576xf32, #tpu.memory_space<vmem>>
        %dma_wait3A_111 = tpu.memref_slice %arg5[%add3A_100] : memref<1000000xf32, #tpu.memory_space<hbm>> -> memref<576xf32, #tpu.memory_space<hbm>>
        %dma_wait3A_112 = tpu.memref_slice %arg5[%add3A_100] : memref<1000000xf32, #tpu.memory_space<hbm>> -> memref<576xf32, #tpu.memory_space<hbm>>
        %dma_wait3A_113 = arith.constant 31232 : i32
        %dma_wait3A_114 = tpu.memref_slice %arg7[%dma_wait3A_113] : memref<31808xf32, #tpu.memory_space<vmem>> -> memref<576xf32, #tpu.memory_space<vmem>>
        tpu.wait_dma2 semaphore(%run_scoped3A : memref<!tpu.dma_semaphore, #tpu.memory_space<semaphore_mem>>) src(%dma_wait3A_114 : memref<576xf32, #tpu.memory_space<vmem>>) dst(%dma_wait3A_112 : memref<576xf32, #tpu.memory_space<hbm>>)
        tpu.yield
      }) : () -> ()
      %mul3A_101 = arith.constant 1952 : i32
      %mul3A_102 = arith.muli %add3A, %mul3A_101 : i32
      %add3A_103 = arith.constant 1952 : i32
      %add3A_104 = arith.addi %mul3A_102, %add3A_103 : i32
      "tpu.region"() ({
        %run_scoped3A = tpu.sem_alloc : memref<!tpu.dma_semaphore, #tpu.memory_space<semaphore_mem>>
        %dma_start3A = arith.constant 1952 : i32
        %dma_start3A_105 = tpu.memref_slice %arg10[%dma_start3A] : memref<2048xf32, #tpu.memory_space<vmem>> -> memref<36xf32, #tpu.memory_space<vmem>>
        %dma_start3A_106 = tpu.memref_slice %arg6[%add3A_104] : memref<62528xf32, #tpu.memory_space<hbm>> -> memref<36xf32, #tpu.memory_space<hbm>>
        %dma_start3A_107 = tpu.memref_slice %arg6[%add3A_104] : memref<62528xf32, #tpu.memory_space<hbm>> -> memref<36xf32, #tpu.memory_space<hbm>>
        %dma_start3A_108 = arith.constant 1952 : i32
        %dma_start3A_109 = tpu.memref_slice %arg10[%dma_start3A_108] : memref<2048xf32, #tpu.memory_space<vmem>> -> memref<36xf32, #tpu.memory_space<vmem>>
        tpu.enqueue_dma source(%dma_start3A_109 : memref<36xf32, #tpu.memory_space<vmem>>) target(%dma_start3A_107 : memref<36xf32, #tpu.memory_space<hbm>>) target_semaphore(%run_scoped3A : memref<!tpu.dma_semaphore, #tpu.memory_space<semaphore_mem>>)
        %dma_wait3A = arith.constant 1952 : i32
        %dma_wait3A_110 = tpu.memref_slice %arg10[%dma_wait3A] : memref<2048xf32, #tpu.memory_space<vmem>> -> memref<36xf32, #tpu.memory_space<vmem>>
        %dma_wait3A_111 = tpu.memref_slice %arg6[%add3A_104] : memref<62528xf32, #tpu.memory_space<hbm>> -> memref<36xf32, #tpu.memory_space<hbm>>
        %dma_wait3A_112 = tpu.memref_slice %arg6[%add3A_104] : memref<62528xf32, #tpu.memory_space<hbm>> -> memref<36xf32, #tpu.memory_space<hbm>>
        %dma_wait3A_113 = arith.constant 1952 : i32
        %dma_wait3A_114 = tpu.memref_slice %arg10[%dma_wait3A_113] : memref<2048xf32, #tpu.memory_space<vmem>> -> memref<36xf32, #tpu.memory_space<vmem>>
        tpu.wait_dma2 semaphore(%run_scoped3A : memref<!tpu.dma_semaphore, #tpu.memory_space<semaphore_mem>>) src(%dma_wait3A_114 : memref<36xf32, #tpu.memory_space<vmem>>) dst(%dma_wait3A_112 : memref<36xf32, #tpu.memory_space<hbm>>)
        tpu.yield
      }) : () -> ()
    } else {
    }
    return
  }
}

#map = affine_map<(d0, d1) -> (0)>
#map1 = affine_map<(d0, d1) -> (0, 0)>
module attributes {stable_mosaic.version = 14 : i64} {
  func.func @_resample_body(%arg0: i32, %arg1: i32, %arg2: memref<1000000xf32, #tpu.memory_space<hbm>>, %arg3: memref<62528xf32, #tpu.memory_space<hbm>>, %arg4: memref<62500x16xf32, #tpu.memory_space<hbm>>, %arg5: memref<32x16xf32, #tpu.memory_space<hbm>>, %arg6: memref<1000000x8xf32, #tpu.memory_space<hbm>>, %arg7: memref<1000000x8xf32, #tpu.memory_space<hbm>>, %arg8: memref<62528xf32, #tpu.memory_space<vmem>>, %arg9: memref<1024xf32, #tpu.memory_space<vmem>>, %arg10: memref<1024xi32, #tpu.memory_space<vmem>>, %arg11: memref<1024x16xf32, #tpu.memory_space<vmem>>, %arg12: memref<1024xi32, #tpu.memory_space<vmem>>, %arg13: memref<1024x8xf32, #tpu.memory_space<vmem>>, %arg14: memref<32x16xf32, #tpu.memory_space<vmem>>, %arg15: memref<!tpu.dma_semaphore, #tpu.memory_space<semaphore_mem>>) attributes {dimension_semantics = [#tpu.dimension_semantics<core_parallel>, #tpu.dimension_semantics<subcore_parallel>], iteration_bounds = array<i64: 2, 16>, scalar_prefetch = 0 : i64, scratch_operands = 8 : i64, tpu.core_type = #tpu.core_type<sc_vector_subcore>, window_params = [{transform_indices = #map}, {transform_indices = #map}, {transform_indices = #map1}, {transform_indices = #map1}, {transform_indices = #map1}, {transform_indices = #map1}]} {
    %mul3A = arith.constant 2 : i32
    %mul3A_0 = arith.muli %arg1, %mul3A : i32
    %add3A = arith.addi %mul3A_0, %arg0 : i32
    "tpu.region"() ({
      %run_scoped3A = tpu.sem_alloc : memref<!tpu.dma_semaphore, #tpu.memory_space<semaphore_mem>>
      tpu.enqueue_dma source(%arg3 : memref<62528xf32, #tpu.memory_space<hbm>>) target(%arg8 : memref<62528xf32, #tpu.memory_space<vmem>>) target_semaphore(%run_scoped3A : memref<!tpu.dma_semaphore, #tpu.memory_space<semaphore_mem>>)
      tpu.wait_dma2 semaphore(%run_scoped3A : memref<!tpu.dma_semaphore, #tpu.memory_space<semaphore_mem>>) src(%arg3 : memref<62528xf32, #tpu.memory_space<hbm>>) dst(%arg8 : memref<62528xf32, #tpu.memory_space<vmem>>)
      tpu.yield
    }) : () -> ()
    "tpu.region"() ({
      %run_scoped3A = tpu.sem_alloc : memref<!tpu.dma_semaphore, #tpu.memory_space<semaphore_mem>>
      tpu.enqueue_dma source(%arg5 : memref<32x16xf32, #tpu.memory_space<hbm>>) target(%arg14 : memref<32x16xf32, #tpu.memory_space<vmem>>) target_semaphore(%run_scoped3A : memref<!tpu.dma_semaphore, #tpu.memory_space<semaphore_mem>>)
      tpu.wait_dma2 semaphore(%run_scoped3A : memref<!tpu.dma_semaphore, #tpu.memory_space<semaphore_mem>>) src(%arg5 : memref<32x16xf32, #tpu.memory_space<hbm>>) dst(%arg14 : memref<32x16xf32, #tpu.memory_space<vmem>>)
      tpu.yield
    }) : () -> ()
    %iota3A = tpu.iota {dimensions = array<i32: 0>} : vector<16xi32>
    %iota3A_1 = tpu.iota {dimensions = array<i32: 0>} : vector<16xi32>
    %add3A_2 = arith.constant 16 : i32
    %add3A_3 = vector.broadcast %add3A_2 : i32 to vector<16xi32>
    %add3A_4 = arith.addi %iota3A_1, %add3A_3 : vector<16xi32>
    %broadcast_in_dim3A = arith.constant 0 : i32
    %broadcast_in_dim3A_5 = vector.broadcast %broadcast_in_dim3A : i32 to vector<16xi32>
    %gather3A = tpu.vector_load_idx %arg14[%iota3A, %broadcast_in_dim3A_5] : memref<32x16xf32, #tpu.memory_space<vmem>>[vector<16xi32>, vector<16xi32>], vector<16xf32>,
    %gather3A_6 = tpu.vector_load_idx %arg14[%add3A_4, %broadcast_in_dim3A_5] : memref<32x16xf32, #tpu.memory_space<vmem>>[vector<16xi32>, vector<16xi32>], vector<16xf32>,
    %broadcast_in_dim3A_7 = arith.constant 0.000000e+00 : f32
    %broadcast_in_dim3A_8 = vector.broadcast %broadcast_in_dim3A_7 : f32 to vector<16xf32>
    %lt3A = vector.broadcast %add3A : i32 to vector<16xi32>
    %lt3A_9 = arith.cmpi slt, %iota3A, %lt3A : vector<16xi32>
    %select_n3A = arith.select %lt3A_9, %gather3A, %broadcast_in_dim3A_8 : vector<16xi1>, vector<16xf32>
    %broadcast_in_dim3A_10 = arith.constant true
    %broadcast_in_dim3A_11 = vector.broadcast %broadcast_in_dim3A_10 : i1 to vector<16xi1>
    %masked_cumsum3A = tpu.scan <sum>, %select_n3A masked %broadcast_in_dim3A_11 : vector<16xf32>, vector<16xi1> -> vector<16xf32>
    %rev3A = arith.constant 15 : i32
    %rev3A_12 = vector.broadcast %rev3A : i32 to vector<16xi32>
    %rev3A_13 = tpu.iota {dimensions = array<i32: 0>} : vector<16xi32>
    %rev3A_14 = arith.subi %rev3A_12, %rev3A_13 : vector<16xi32>
    %rev3A_15 = tpu.dynamic_gather %masked_cumsum3A[%rev3A_14] in [0] : vector<16xf32>, vector<16xi32> -> vector<16xf32>
    %broadcast_in_dim3A_16 = arith.constant true
    %broadcast_in_dim3A_17 = vector.broadcast %broadcast_in_dim3A_16 : i1 to vector<16xi1>
    %masked_cummax3A = tpu.scan <max>, %rev3A_15 masked %broadcast_in_dim3A_17 : vector<16xf32>, vector<16xi1> -> vector<16xf32>
    %lt3A_18 = vector.broadcast %add3A : i32 to vector<16xi32>
    %lt3A_19 = arith.cmpi slt, %add3A_4, %lt3A_18 : vector<16xi32>
    %select_n3A_20 = arith.select %lt3A_19, %gather3A_6, %broadcast_in_dim3A_8 : vector<16xi1>, vector<16xf32>
    %broadcast_in_dim3A_21 = arith.constant true
    %broadcast_in_dim3A_22 = vector.broadcast %broadcast_in_dim3A_21 : i1 to vector<16xi1>
    %masked_cumsum3A_23 = tpu.scan <sum>, %select_n3A_20 masked %broadcast_in_dim3A_22 : vector<16xf32>, vector<16xi1> -> vector<16xf32>
    %rev3A_24 = arith.constant 15 : i32
    %rev3A_25 = vector.broadcast %rev3A_24 : i32 to vector<16xi32>
    %rev3A_26 = tpu.iota {dimensions = array<i32: 0>} : vector<16xi32>
    %rev3A_27 = arith.subi %rev3A_25, %rev3A_26 : vector<16xi32>
    %rev3A_28 = tpu.dynamic_gather %masked_cumsum3A_23[%rev3A_27] in [0] : vector<16xf32>, vector<16xi32> -> vector<16xf32>
    %broadcast_in_dim3A_29 = arith.constant true
    %broadcast_in_dim3A_30 = vector.broadcast %broadcast_in_dim3A_29 : i1 to vector<16xi1>
    %masked_cummax3A_31 = tpu.scan <max>, %rev3A_28 masked %broadcast_in_dim3A_30 : vector<16xf32>, vector<16xi1> -> vector<16xf32>
    %add3A_32 = arith.addf %masked_cummax3A, %masked_cummax3A_31 : vector<16xf32>
    %broadcast_in_dim3A_33 = arith.constant true
    %broadcast_in_dim3A_34 = vector.broadcast %broadcast_in_dim3A_33 : i1 to vector<16xi1>
    %masked_cumsum3A_35 = tpu.scan <sum>, %gather3A masked %broadcast_in_dim3A_34 : vector<16xf32>, vector<16xi1> -> vector<16xf32>
    %rev3A_36 = arith.constant 15 : i32
    %rev3A_37 = vector.broadcast %rev3A_36 : i32 to vector<16xi32>
    %rev3A_38 = tpu.iota {dimensions = array<i32: 0>} : vector<16xi32>
    %rev3A_39 = arith.subi %rev3A_37, %rev3A_38 : vector<16xi32>
    %rev3A_40 = tpu.dynamic_gather %masked_cumsum3A_35[%rev3A_39] in [0] : vector<16xf32>, vector<16xi32> -> vector<16xf32>
    %broadcast_in_dim3A_41 = arith.constant true
    %broadcast_in_dim3A_42 = vector.broadcast %broadcast_in_dim3A_41 : i1 to vector<16xi1>
    %masked_cummax3A_43 = tpu.scan <max>, %rev3A_40 masked %broadcast_in_dim3A_42 : vector<16xf32>, vector<16xi1> -> vector<16xf32>
    %broadcast_in_dim3A_44 = arith.constant true
    %broadcast_in_dim3A_45 = vector.broadcast %broadcast_in_dim3A_44 : i1 to vector<16xi1>
    %masked_cumsum3A_46 = tpu.scan <sum>, %gather3A_6 masked %broadcast_in_dim3A_45 : vector<16xf32>, vector<16xi1> -> vector<16xf32>
    %rev3A_47 = arith.constant 15 : i32
    %rev3A_48 = vector.broadcast %rev3A_47 : i32 to vector<16xi32>
    %rev3A_49 = tpu.iota {dimensions = array<i32: 0>} : vector<16xi32>
    %rev3A_50 = arith.subi %rev3A_48, %rev3A_49 : vector<16xi32>
    %rev3A_51 = tpu.dynamic_gather %masked_cumsum3A_46[%rev3A_50] in [0] : vector<16xf32>, vector<16xi32> -> vector<16xf32>
    %broadcast_in_dim3A_52 = arith.constant true
    %broadcast_in_dim3A_53 = vector.broadcast %broadcast_in_dim3A_52 : i1 to vector<16xi1>
    %masked_cummax3A_54 = tpu.scan <max>, %rev3A_51 masked %broadcast_in_dim3A_53 : vector<16xf32>, vector<16xi1> -> vector<16xf32>
    %add3A_55 = arith.addf %masked_cummax3A_43, %masked_cummax3A_54 : vector<16xf32>
    %mul3A_56 = arith.constant 31232 : i32
    %mul3A_57 = arith.muli %add3A, %mul3A_56 : i32
    %eq3A = arith.constant 31 : i32
    %eq3A_58 = arith.cmpi eq, %add3A, %eq3A : i32
    %jit3A = arith.constant 31808 : i32
    %jit3A_59 = arith.constant 31232 : i32
    %select_n3A_60 = arith.select %eq3A_58, %jit3A, %jit3A_59 : i32
    %add3A_61 = arith.constant 1024 : i32
    %add3A_62 = arith.addi %select_n3A_60, %add3A_61 : i32
    %sub3A = arith.constant 1 : i32
    %sub3A_63 = arith.subi %add3A_62, %sub3A : i32
    %jit3A_64 = arith.constant 1024 : i32
    %div3A = arith.divsi %sub3A_63, %jit3A_64 : i32
    %sign3A = arith.constant 0 : i32
    %sign3A_65 = arith.cmpi sgt, %sub3A_63, %sign3A : i32
    %sign3A_66 = arith.extui %sign3A_65 : i1 to i32
    %sign3A_67 = arith.constant 0 : i32
    %sign3A_68 = arith.cmpi slt, %sub3A_63, %sign3A_67 : i32
    %sign3A_69 = arith.extui %sign3A_68 : i1 to i32
    %sign3A_70 = arith.subi %sign3A_66, %sign3A_69 : i32
    %sign3A_71 = arith.constant 0 : i32
    %sign3A_72 = arith.cmpi sgt, %jit3A_64, %sign3A_71 : i32
    %sign3A_73 = arith.extui %sign3A_72 : i1 to i32
    %sign3A_74 = arith.constant 0 : i32
    %sign3A_75 = arith.cmpi slt, %jit3A_64, %sign3A_74 : i32
    %sign3A_76 = arith.extui %sign3A_75 : i1 to i32
    %sign3A_77 = arith.subi %sign3A_73, %sign3A_76 : i32
    %ne3A = arith.cmpi ne, %sign3A_70, %sign3A_77 : i32
    %rem3A = arith.remsi %sub3A_63, %jit3A_64 : i32
    %ne3A_78 = arith.constant 0 : i32
    %ne3A_79 = arith.cmpi ne, %rem3A, %ne3A_78 : i32
    %and3A = arith.andi %ne3A, %ne3A_79 : i1
    %sub3A_80 = arith.constant 1 : i32
    %sub3A_81 = arith.subi %div3A, %sub3A_80 : i32
    %select_n3A_82 = arith.select %and3A, %sub3A_81, %div3A : i32
    %iota3A_83 = tpu.iota {dimensions = array<i32: 0>} : vector<16xi32>
    %while3A = arith.constant 0 : i32
    %while3A_84 = arith.constant 0 : i32
    %while3A_85 = arith.subi %select_n3A_82, %while3A : i32
    %while3A_86 = arith.addi %while3A, %while3A_85 : i32
    %while3A_87 = arith.constant 1 : i32
    %while3A_88 = arith.divsi %while3A_85, %while3A_87 : i32
    %while3A_89 = arith.muli %while3A_88, %while3A_87 : i32
    %while3A_90 = arith.addi %while3A, %while3A_89 : i32
    %while3A_91 = arith.constant 1 : i32
    %while3A_92 = scf.for %while3A_95 = %while3A to %while3A_90 step %while3A_91 iter_args(%while3A_96 = %while3A_84) -> (i32)  : i32 {
      %mul3A_97 = arith.constant 1024 : i32
      %mul3A_98 = arith.muli %while3A_95, %mul3A_97 : i32
      %sub3A_99 = arith.constant 1024 : i32
      %sub3A_100 = arith.subi %select_n3A_60, %sub3A_99 : i32
      %min3A = arith.minsi %mul3A_98, %sub3A_100 : i32
      %add3A_101 = arith.addi %mul3A_57, %min3A : i32
      "tpu.region"() ({
        %run_scoped3A = tpu.sem_alloc : memref<!tpu.dma_semaphore, #tpu.memory_space<semaphore_mem>>
        %dma_start3A_370 = tpu.memref_slice %arg2[%add3A_101] : memref<1000000xf32, #tpu.memory_space<hbm>> -> memref<1024xf32, #tpu.memory_space<hbm>>
        %dma_start3A_371 = tpu.memref_slice %arg2[%add3A_101] : memref<1000000xf32, #tpu.memory_space<hbm>> -> memref<1024xf32, #tpu.memory_space<hbm>>
        tpu.enqueue_dma source(%dma_start3A_371 : memref<1024xf32, #tpu.memory_space<hbm>>) target(%arg9 : memref<1024xf32, #tpu.memory_space<vmem>>) target_semaphore(%run_scoped3A : memref<!tpu.dma_semaphore, #tpu.memory_space<semaphore_mem>>)
        %dma_wait3A_372 = tpu.memref_slice %arg2[%add3A_101] : memref<1000000xf32, #tpu.memory_space<hbm>> -> memref<1024xf32, #tpu.memory_space<hbm>>
        %dma_wait3A_373 = tpu.memref_slice %arg2[%add3A_101] : memref<1000000xf32, #tpu.memory_space<hbm>> -> memref<1024xf32, #tpu.memory_space<hbm>>
        tpu.wait_dma2 semaphore(%run_scoped3A : memref<!tpu.dma_semaphore, #tpu.memory_space<semaphore_mem>>) src(%dma_wait3A_373 : memref<1024xf32, #tpu.memory_space<hbm>>) dst(%arg9 : memref<1024xf32, #tpu.memory_space<vmem>>)
        tpu.yield
      }) : () -> ()
      %scan3A = arith.constant 0 : i32
      %scan3A_102 = arith.constant 0 : i32
      %scan3A_103 = arith.constant 64 : i32
      %scan3A_104 = arith.addi %scan3A_102, %scan3A_103 : i32
      %scan3A_105 = arith.constant 1 : i32
      %scan3A_106 = scf.for %scan3A_370 = %scan3A_102 to %scan3A_104 step %scan3A_105 iter_args(%scan3A_371 = %scan3A) -> (i32)  : i32 {
        %mul3A_372 = arith.constant 16 : i32
        %mul3A_373 = arith.muli %scan3A_370, %mul3A_372 : i32
        %get3A = arith.index_cast %mul3A_373 : i32 to index
        %get3A_374 = tpu.vector_load %arg9[%get3A] {strides = array<i32>} : memref<1024xf32, #tpu.memory_space<vmem>>, vector<16xf32>,
        %mul3A_375 = arith.mulf %get3A_374, %add3A_55 : vector<16xf32>
        %broadcast_in_dim3A_376 = arith.constant 0 : i32
        %broadcast_in_dim3A_377 = vector.broadcast %broadcast_in_dim3A_376 : i32 to vector<16xi32>
        %broadcast_in_dim3A_378 = arith.constant 62500 : i32
        %broadcast_in_dim3A_379 = vector.broadcast %broadcast_in_dim3A_378 : i32 to vector<16xi32>
        %scan3A_380 = arith.constant 0 : i32
        %scan3A_381 = arith.constant 16 : i32
        %scan3A_382 = arith.addi %scan3A_380, %scan3A_381 : i32
        %scan3A_383 = arith.constant 1 : i32
        %scan3A_384:2 = scf.for %scan3A_393 = %scan3A_380 to %scan3A_382 step %scan3A_383 iter_args(%scan3A_394 = %broadcast_in_dim3A_377, %scan3A_395 = %broadcast_in_dim3A_379) -> (vector<16xi32>, vector<16xi32>)  : i32 {
          %add3A_396 = arith.addi %scan3A_394, %scan3A_395 : vector<16xi32>
          %shift_right_arithmetic3A = arith.constant 1 : i32
          %shift_right_arithmetic3A_397 = vector.broadcast %shift_right_arithmetic3A : i32 to vector<16xi32>
          %shift_right_arithmetic3A_398 = arith.shrsi %add3A_396, %shift_right_arithmetic3A_397 : vector<16xi32>
          %min3A_399 = arith.constant 62499 : i32
          %min3A_400 = vector.broadcast %min3A_399 : i32 to vector<16xi32>
          %min3A_401 = arith.minsi %shift_right_arithmetic3A_398, %min3A_400 : vector<16xi32>
          %gather3A_402 = tpu.vector_load_idx %arg8[%min3A_401] : memref<62528xf32, #tpu.memory_space<vmem>>[vector<16xi32>], vector<16xf32>,
          %lt3A_403 = arith.cmpf olt, %gather3A_402, %mul3A_375 : vector<16xf32>
          %lt3A_404 = arith.cmpi slt, %scan3A_394, %scan3A_395 : vector<16xi32>
          %and3A_405 = arith.andi %lt3A_403, %lt3A_404 : vector<16xi1>
          %add3A_406 = arith.constant 1 : i32
          %add3A_407 = vector.broadcast %add3A_406 : i32 to vector<16xi32>
          %add3A_408 = arith.addi %shift_right_arithmetic3A_398, %add3A_407 : vector<16xi32>
          %select_n3A_409 = arith.select %and3A_405, %add3A_408, %scan3A_394 : vector<16xi1>, vector<16xi32>
          %lt3A_410 = arith.cmpi slt, %scan3A_394, %scan3A_395 : vector<16xi32>
          %lt3A_411 = arith.cmpf olt, %gather3A_402, %mul3A_375 : vector<16xf32>
          %not3A = arith.constant dense<true> : vector<16xi1>
          %not3A_412 = arith.xori %lt3A_411, %not3A : vector<16xi1>
          %and3A_413 = arith.andi %lt3A_410, %not3A_412 : vector<16xi1>
          %select_n3A_414 = arith.select %and3A_413, %shift_right_arithmetic3A_398, %scan3A_395 : vector<16xi1>, vector<16xi32>
          scf.yield %select_n3A_409, %select_n3A_414 : vector<16xi32>, vector<16xi32>
        }
        %scan3A_385 = arith.constant 16 : i32
        %min3A_386 = arith.constant 62499 : i32
        %min3A_387 = vector.broadcast %min3A_386 : i32 to vector<16xi32>
        %min3A_388 = arith.minsi %scan3A_384#0, %min3A_387 : vector<16xi32>
        %mul3A_389 = arith.constant 16 : i32
        %mul3A_390 = arith.muli %scan3A_370, %mul3A_389 : i32
        %swap3A = arith.index_cast %mul3A_390 : i32 to index
        %swap3A_391 = tpu.vector_load %arg10[%swap3A] {strides = array<i32>} : memref<1024xi32, #tpu.memory_space<vmem>>, vector<16xi32>,
        tpu.vector_store %arg10[%swap3A], %min3A_388 {strides = array<i32>} : memref<1024xi32, #tpu.memory_space<vmem>>, vector<16xi32>,
        %scan3A_392 = arith.constant 0 : i32
        scf.yield %scan3A_392 : i32
      }
      %scan3A_107 = arith.constant 64 : i32
      %dma_start3A = arith.constant 0 : i32
      %dma_start3A_108 = arith.constant 0 : i32
      %dma_start3A_109 = tpu.memref_slice %arg11[%dma_start3A, %dma_start3A_108] : memref<1024x16xf32, #tpu.memory_space<vmem>> -> memref<128x16xf32, #tpu.memory_space<vmem>>
      %dma_start3A_110 = arith.constant 0 : i32
      %dma_start3A_111 = tpu.memref_slice %arg10[%dma_start3A_110] : memref<1024xi32, #tpu.memory_space<vmem>> -> memref<128xi32, #tpu.memory_space<vmem>>
      %dma_start3A_112 = arith.constant 0 : i32
      %dma_start3A_113 = arith.constant 0 : i32
      %dma_start3A_114 = tpu.memref_slice %arg4[%dma_start3A_112, %dma_start3A_113] : memref<62500x16xf32, #tpu.memory_space<hbm>> -> memref<62500x16xf32, #tpu.memory_space<hbm>>
      tpu.enqueue_indirect_dma source(%dma_start3A_114 : memref<62500x16xf32, #tpu.memory_space<hbm>>) target(%dma_start3A_109 : memref<128x16xf32, #tpu.memory_space<vmem>>) offsets(%dma_start3A_111 : memref<128xi32, #tpu.memory_space<vmem>>) semaphore(%arg15 : memref<!tpu.dma_semaphore, #tpu.memory_space<semaphore_mem>>)
      %dma_start3A_115 = arith.constant 128 : i32
      %dma_start3A_116 = arith.constant 0 : i32
      %dma_start3A_117 = tpu.memref_slice %arg11[%dma_start3A_115, %dma_start3A_116] : memref<1024x16xf32, #tpu.memory_space<vmem>> -> memref<128x16xf32, #tpu.memory_space<vmem>>
      %dma_start3A_118 = arith.constant 128 : i32
      %dma_start3A_119 = tpu.memref_slice %arg10[%dma_start3A_118] : memref<1024xi32, #tpu.memory_space<vmem>> -> memref<128xi32, #tpu.memory_space<vmem>>
      %dma_start3A_120 = arith.constant 0 : i32
      %dma_start3A_121 = arith.constant 0 : i32
      %dma_start3A_122 = tpu.memref_slice %arg4[%dma_start3A_120, %dma_start3A_121] : memref<62500x16xf32, #tpu.memory_space<hbm>> -> memref<62500x16xf32, #tpu.memory_space<hbm>>
      tpu.enqueue_indirect_dma source(%dma_start3A_122 : memref<62500x16xf32, #tpu.memory_space<hbm>>) target(%dma_start3A_117 : memref<128x16xf32, #tpu.memory_space<vmem>>) offsets(%dma_start3A_119 : memref<128xi32, #tpu.memory_space<vmem>>) semaphore(%arg15 : memref<!tpu.dma_semaphore, #tpu.memory_space<semaphore_mem>>)
      %dma_start3A_123 = arith.constant 256 : i32
      %dma_start3A_124 = arith.constant 0 : i32
      %dma_start3A_125 = tpu.memref_slice %arg11[%dma_start3A_123, %dma_start3A_124] : memref<1024x16xf32, #tpu.memory_space<vmem>> -> memref<128x16xf32, #tpu.memory_space<vmem>>
      %dma_start3A_126 = arith.constant 256 : i32
      %dma_start3A_127 = tpu.memref_slice %arg10[%dma_start3A_126] : memref<1024xi32, #tpu.memory_space<vmem>> -> memref<128xi32, #tpu.memory_space<vmem>>
      %dma_start3A_128 = arith.constant 0 : i32
      %dma_start3A_129 = arith.constant 0 : i32
      %dma_start3A_130 = tpu.memref_slice %arg4[%dma_start3A_128, %dma_start3A_129] : memref<62500x16xf32, #tpu.memory_space<hbm>> -> memref<62500x16xf32, #tpu.memory_space<hbm>>
      tpu.enqueue_indirect_dma source(%dma_start3A_130 : memref<62500x16xf32, #tpu.memory_space<hbm>>) target(%dma_start3A_125 : memref<128x16xf32, #tpu.memory_space<vmem>>) offsets(%dma_start3A_127 : memref<128xi32, #tpu.memory_space<vmem>>) semaphore(%arg15 : memref<!tpu.dma_semaphore, #tpu.memory_space<semaphore_mem>>)
      %dma_start3A_131 = arith.constant 384 : i32
      %dma_start3A_132 = arith.constant 0 : i32
      %dma_start3A_133 = tpu.memref_slice %arg11[%dma_start3A_131, %dma_start3A_132] : memref<1024x16xf32, #tpu.memory_space<vmem>> -> memref<128x16xf32, #tpu.memory_space<vmem>>
      %dma_start3A_134 = arith.constant 384 : i32
      %dma_start3A_135 = tpu.memref_slice %arg10[%dma_start3A_134] : memref<1024xi32, #tpu.memory_space<vmem>> -> memref<128xi32, #tpu.memory_space<vmem>>
      %dma_start3A_136 = arith.constant 0 : i32
      %dma_start3A_137 = arith.constant 0 : i32
      %dma_start3A_138 = tpu.memref_slice %arg4[%dma_start3A_136, %dma_start3A_137] : memref<62500x16xf32, #tpu.memory_space<hbm>> -> memref<62500x16xf32, #tpu.memory_space<hbm>>
      tpu.enqueue_indirect_dma source(%dma_start3A_138 : memref<62500x16xf32, #tpu.memory_space<hbm>>) target(%dma_start3A_133 : memref<128x16xf32, #tpu.memory_space<vmem>>) offsets(%dma_start3A_135 : memref<128xi32, #tpu.memory_space<vmem>>) semaphore(%arg15 : memref<!tpu.dma_semaphore, #tpu.memory_space<semaphore_mem>>)
      %dma_start3A_139 = arith.constant 512 : i32
      %dma_start3A_140 = arith.constant 0 : i32
      %dma_start3A_141 = tpu.memref_slice %arg11[%dma_start3A_139, %dma_start3A_140] : memref<1024x16xf32, #tpu.memory_space<vmem>> -> memref<128x16xf32, #tpu.memory_space<vmem>>
      %dma_start3A_142 = arith.constant 512 : i32
      %dma_start3A_143 = tpu.memref_slice %arg10[%dma_start3A_142] : memref<1024xi32, #tpu.memory_space<vmem>> -> memref<128xi32, #tpu.memory_space<vmem>>
      %dma_start3A_144 = arith.constant 0 : i32
      %dma_start3A_145 = arith.constant 0 : i32
      %dma_start3A_146 = tpu.memref_slice %arg4[%dma_start3A_144, %dma_start3A_145] : memref<62500x16xf32, #tpu.memory_space<hbm>> -> memref<62500x16xf32, #tpu.memory_space<hbm>>
      tpu.enqueue_indirect_dma source(%dma_start3A_146 : memref<62500x16xf32, #tpu.memory_space<hbm>>) target(%dma_start3A_141 : memref<128x16xf32, #tpu.memory_space<vmem>>) offsets(%dma_start3A_143 : memref<128xi32, #tpu.memory_space<vmem>>) semaphore(%arg15 : memref<!tpu.dma_semaphore, #tpu.memory_space<semaphore_mem>>)
      %dma_start3A_147 = arith.constant 640 : i32
      %dma_start3A_148 = arith.constant 0 : i32
      %dma_start3A_149 = tpu.memref_slice %arg11[%dma_start3A_147, %dma_start3A_148] : memref<1024x16xf32, #tpu.memory_space<vmem>> -> memref<128x16xf32, #tpu.memory_space<vmem>>
      %dma_start3A_150 = arith.constant 640 : i32
      %dma_start3A_151 = tpu.memref_slice %arg10[%dma_start3A_150] : memref<1024xi32, #tpu.memory_space<vmem>> -> memref<128xi32, #tpu.memory_space<vmem>>
      %dma_start3A_152 = arith.constant 0 : i32
      %dma_start3A_153 = arith.constant 0 : i32
      %dma_start3A_154 = tpu.memref_slice %arg4[%dma_start3A_152, %dma_start3A_153] : memref<62500x16xf32, #tpu.memory_space<hbm>> -> memref<62500x16xf32, #tpu.memory_space<hbm>>
      tpu.enqueue_indirect_dma source(%dma_start3A_154 : memref<62500x16xf32, #tpu.memory_space<hbm>>) target(%dma_start3A_149 : memref<128x16xf32, #tpu.memory_space<vmem>>) offsets(%dma_start3A_151 : memref<128xi32, #tpu.memory_space<vmem>>) semaphore(%arg15 : memref<!tpu.dma_semaphore, #tpu.memory_space<semaphore_mem>>)
      %dma_start3A_155 = arith.constant 768 : i32
      %dma_start3A_156 = arith.constant 0 : i32
      %dma_start3A_157 = tpu.memref_slice %arg11[%dma_start3A_155, %dma_start3A_156] : memref<1024x16xf32, #tpu.memory_space<vmem>> -> memref<128x16xf32, #tpu.memory_space<vmem>>
      %dma_start3A_158 = arith.constant 768 : i32
      %dma_start3A_159 = tpu.memref_slice %arg10[%dma_start3A_158] : memref<1024xi32, #tpu.memory_space<vmem>> -> memref<128xi32, #tpu.memory_space<vmem>>
      %dma_start3A_160 = arith.constant 0 : i32
      %dma_start3A_161 = arith.constant 0 : i32
      %dma_start3A_162 = tpu.memref_slice %arg4[%dma_start3A_160, %dma_start3A_161] : memref<62500x16xf32, #tpu.memory_space<hbm>> -> memref<62500x16xf32, #tpu.memory_space<hbm>>
      tpu.enqueue_indirect_dma source(%dma_start3A_162 : memref<62500x16xf32, #tpu.memory_space<hbm>>) target(%dma_start3A_157 : memref<128x16xf32, #tpu.memory_space<vmem>>) offsets(%dma_start3A_159 : memref<128xi32, #tpu.memory_space<vmem>>) semaphore(%arg15 : memref<!tpu.dma_semaphore, #tpu.memory_space<semaphore_mem>>)
      %dma_start3A_163 = arith.constant 896 : i32
      %dma_start3A_164 = arith.constant 0 : i32
      %dma_start3A_165 = tpu.memref_slice %arg11[%dma_start3A_163, %dma_start3A_164] : memref<1024x16xf32, #tpu.memory_space<vmem>> -> memref<128x16xf32, #tpu.memory_space<vmem>>
      %dma_start3A_166 = arith.constant 896 : i32
      %dma_start3A_167 = tpu.memref_slice %arg10[%dma_start3A_166] : memref<1024xi32, #tpu.memory_space<vmem>> -> memref<128xi32, #tpu.memory_space<vmem>>
      %dma_start3A_168 = arith.constant 0 : i32
      %dma_start3A_169 = arith.constant 0 : i32
      %dma_start3A_170 = tpu.memref_slice %arg4[%dma_start3A_168, %dma_start3A_169] : memref<62500x16xf32, #tpu.memory_space<hbm>> -> memref<62500x16xf32, #tpu.memory_space<hbm>>
      tpu.enqueue_indirect_dma source(%dma_start3A_170 : memref<62500x16xf32, #tpu.memory_space<hbm>>) target(%dma_start3A_165 : memref<128x16xf32, #tpu.memory_space<vmem>>) offsets(%dma_start3A_167 : memref<128xi32, #tpu.memory_space<vmem>>) semaphore(%arg15 : memref<!tpu.dma_semaphore, #tpu.memory_space<semaphore_mem>>)
      %dma_wait3A = arith.constant 0 : i32
      %dma_wait3A_171 = arith.constant 0 : i32
      %dma_wait3A_172 = tpu.memref_slice %arg11[%dma_wait3A, %dma_wait3A_171] : memref<1024x16xf32, #tpu.memory_space<vmem>> -> memref<128x16xf32, #tpu.memory_space<vmem>>
      %dma_wait3A_173 = arith.constant 0 : i32
      %dma_wait3A_174 = tpu.memref_slice %arg10[%dma_wait3A_173] : memref<1024xi32, #tpu.memory_space<vmem>> -> memref<128xi32, #tpu.memory_space<vmem>>
      %dma_wait3A_175 = arith.constant 0 : i32
      %dma_wait3A_176 = arith.constant 0 : i32
      %dma_wait3A_177 = tpu.memref_slice %arg4[%dma_wait3A_175, %dma_wait3A_176] : memref<62500x16xf32, #tpu.memory_space<hbm>> -> memref<62500x16xf32, #tpu.memory_space<hbm>>
      tpu.wait_indirect_dma semaphore(%arg15 : memref<!tpu.dma_semaphore, #tpu.memory_space<semaphore_mem>>) src(%dma_wait3A_177 : memref<62500x16xf32, #tpu.memory_space<hbm>>) dst(%dma_wait3A_172 : memref<128x16xf32, #tpu.memory_space<vmem>>)
      %dma_wait3A_178 = arith.constant 128 : i32
      %dma_wait3A_179 = arith.constant 0 : i32
      %dma_wait3A_180 = tpu.memref_slice %arg11[%dma_wait3A_178, %dma_wait3A_179] : memref<1024x16xf32, #tpu.memory_space<vmem>> -> memref<128x16xf32, #tpu.memory_space<vmem>>
      %dma_wait3A_181 = arith.constant 128 : i32
      %dma_wait3A_182 = tpu.memref_slice %arg10[%dma_wait3A_181] : memref<1024xi32, #tpu.memory_space<vmem>> -> memref<128xi32, #tpu.memory_space<vmem>>
      %dma_wait3A_183 = arith.constant 0 : i32
      %dma_wait3A_184 = arith.constant 0 : i32
      %dma_wait3A_185 = tpu.memref_slice %arg4[%dma_wait3A_183, %dma_wait3A_184] : memref<62500x16xf32, #tpu.memory_space<hbm>> -> memref<62500x16xf32, #tpu.memory_space<hbm>>
      tpu.wait_indirect_dma semaphore(%arg15 : memref<!tpu.dma_semaphore, #tpu.memory_space<semaphore_mem>>) src(%dma_wait3A_185 : memref<62500x16xf32, #tpu.memory_space<hbm>>) dst(%dma_wait3A_180 : memref<128x16xf32, #tpu.memory_space<vmem>>)
      %dma_wait3A_186 = arith.constant 256 : i32
      %dma_wait3A_187 = arith.constant 0 : i32
      %dma_wait3A_188 = tpu.memref_slice %arg11[%dma_wait3A_186, %dma_wait3A_187] : memref<1024x16xf32, #tpu.memory_space<vmem>> -> memref<128x16xf32, #tpu.memory_space<vmem>>
      %dma_wait3A_189 = arith.constant 256 : i32
      %dma_wait3A_190 = tpu.memref_slice %arg10[%dma_wait3A_189] : memref<1024xi32, #tpu.memory_space<vmem>> -> memref<128xi32, #tpu.memory_space<vmem>>
      %dma_wait3A_191 = arith.constant 0 : i32
      %dma_wait3A_192 = arith.constant 0 : i32
      %dma_wait3A_193 = tpu.memref_slice %arg4[%dma_wait3A_191, %dma_wait3A_192] : memref<62500x16xf32, #tpu.memory_space<hbm>> -> memref<62500x16xf32, #tpu.memory_space<hbm>>
      tpu.wait_indirect_dma semaphore(%arg15 : memref<!tpu.dma_semaphore, #tpu.memory_space<semaphore_mem>>) src(%dma_wait3A_193 : memref<62500x16xf32, #tpu.memory_space<hbm>>) dst(%dma_wait3A_188 : memref<128x16xf32, #tpu.memory_space<vmem>>)
      %dma_wait3A_194 = arith.constant 384 : i32
      %dma_wait3A_195 = arith.constant 0 : i32
      %dma_wait3A_196 = tpu.memref_slice %arg11[%dma_wait3A_194, %dma_wait3A_195] : memref<1024x16xf32, #tpu.memory_space<vmem>> -> memref<128x16xf32, #tpu.memory_space<vmem>>
      %dma_wait3A_197 = arith.constant 384 : i32
      %dma_wait3A_198 = tpu.memref_slice %arg10[%dma_wait3A_197] : memref<1024xi32, #tpu.memory_space<vmem>> -> memref<128xi32, #tpu.memory_space<vmem>>
      %dma_wait3A_199 = arith.constant 0 : i32
      %dma_wait3A_200 = arith.constant 0 : i32
      %dma_wait3A_201 = tpu.memref_slice %arg4[%dma_wait3A_199, %dma_wait3A_200] : memref<62500x16xf32, #tpu.memory_space<hbm>> -> memref<62500x16xf32, #tpu.memory_space<hbm>>
      tpu.wait_indirect_dma semaphore(%arg15 : memref<!tpu.dma_semaphore, #tpu.memory_space<semaphore_mem>>) src(%dma_wait3A_201 : memref<62500x16xf32, #tpu.memory_space<hbm>>) dst(%dma_wait3A_196 : memref<128x16xf32, #tpu.memory_space<vmem>>)
      %dma_wait3A_202 = arith.constant 512 : i32
      %dma_wait3A_203 = arith.constant 0 : i32
      %dma_wait3A_204 = tpu.memref_slice %arg11[%dma_wait3A_202, %dma_wait3A_203] : memref<1024x16xf32, #tpu.memory_space<vmem>> -> memref<128x16xf32, #tpu.memory_space<vmem>>
      %dma_wait3A_205 = arith.constant 512 : i32
      %dma_wait3A_206 = tpu.memref_slice %arg10[%dma_wait3A_205] : memref<1024xi32, #tpu.memory_space<vmem>> -> memref<128xi32, #tpu.memory_space<vmem>>
      %dma_wait3A_207 = arith.constant 0 : i32
      %dma_wait3A_208 = arith.constant 0 : i32
      %dma_wait3A_209 = tpu.memref_slice %arg4[%dma_wait3A_207, %dma_wait3A_208] : memref<62500x16xf32, #tpu.memory_space<hbm>> -> memref<62500x16xf32, #tpu.memory_space<hbm>>
      tpu.wait_indirect_dma semaphore(%arg15 : memref<!tpu.dma_semaphore, #tpu.memory_space<semaphore_mem>>) src(%dma_wait3A_209 : memref<62500x16xf32, #tpu.memory_space<hbm>>) dst(%dma_wait3A_204 : memref<128x16xf32, #tpu.memory_space<vmem>>)
      %dma_wait3A_210 = arith.constant 640 : i32
      %dma_wait3A_211 = arith.constant 0 : i32
      %dma_wait3A_212 = tpu.memref_slice %arg11[%dma_wait3A_210, %dma_wait3A_211] : memref<1024x16xf32, #tpu.memory_space<vmem>> -> memref<128x16xf32, #tpu.memory_space<vmem>>
      %dma_wait3A_213 = arith.constant 640 : i32
      %dma_wait3A_214 = tpu.memref_slice %arg10[%dma_wait3A_213] : memref<1024xi32, #tpu.memory_space<vmem>> -> memref<128xi32, #tpu.memory_space<vmem>>
      %dma_wait3A_215 = arith.constant 0 : i32
      %dma_wait3A_216 = arith.constant 0 : i32
      %dma_wait3A_217 = tpu.memref_slice %arg4[%dma_wait3A_215, %dma_wait3A_216] : memref<62500x16xf32, #tpu.memory_space<hbm>> -> memref<62500x16xf32, #tpu.memory_space<hbm>>
      tpu.wait_indirect_dma semaphore(%arg15 : memref<!tpu.dma_semaphore, #tpu.memory_space<semaphore_mem>>) src(%dma_wait3A_217 : memref<62500x16xf32, #tpu.memory_space<hbm>>) dst(%dma_wait3A_212 : memref<128x16xf32, #tpu.memory_space<vmem>>)
      %dma_wait3A_218 = arith.constant 768 : i32
      %dma_wait3A_219 = arith.constant 0 : i32
      %dma_wait3A_220 = tpu.memref_slice %arg11[%dma_wait3A_218, %dma_wait3A_219] : memref<1024x16xf32, #tpu.memory_space<vmem>> -> memref<128x16xf32, #tpu.memory_space<vmem>>
      %dma_wait3A_221 = arith.constant 768 : i32
      %dma_wait3A_222 = tpu.memref_slice %arg10[%dma_wait3A_221] : memref<1024xi32, #tpu.memory_space<vmem>> -> memref<128xi32, #tpu.memory_space<vmem>>
      %dma_wait3A_223 = arith.constant 0 : i32
      %dma_wait3A_224 = arith.constant 0 : i32
      %dma_wait3A_225 = tpu.memref_slice %arg4[%dma_wait3A_223, %dma_wait3A_224] : memref<62500x16xf32, #tpu.memory_space<hbm>> -> memref<62500x16xf32, #tpu.memory_space<hbm>>
      tpu.wait_indirect_dma semaphore(%arg15 : memref<!tpu.dma_semaphore, #tpu.memory_space<semaphore_mem>>) src(%dma_wait3A_225 : memref<62500x16xf32, #tpu.memory_space<hbm>>) dst(%dma_wait3A_220 : memref<128x16xf32, #tpu.memory_space<vmem>>)
      %dma_wait3A_226 = arith.constant 896 : i32
      %dma_wait3A_227 = arith.constant 0 : i32
      %dma_wait3A_228 = tpu.memref_slice %arg11[%dma_wait3A_226, %dma_wait3A_227] : memref<1024x16xf32, #tpu.memory_space<vmem>> -> memref<128x16xf32, #tpu.memory_space<vmem>>
      %dma_wait3A_229 = arith.constant 896 : i32
      %dma_wait3A_230 = tpu.memref_slice %arg10[%dma_wait3A_229] : memref<1024xi32, #tpu.memory_space<vmem>> -> memref<128xi32, #tpu.memory_space<vmem>>
      %dma_wait3A_231 = arith.constant 0 : i32
      %dma_wait3A_232 = arith.constant 0 : i32
      %dma_wait3A_233 = tpu.memref_slice %arg4[%dma_wait3A_231, %dma_wait3A_232] : memref<62500x16xf32, #tpu.memory_space<hbm>> -> memref<62500x16xf32, #tpu.memory_space<hbm>>
      tpu.wait_indirect_dma semaphore(%arg15 : memref<!tpu.dma_semaphore, #tpu.memory_space<semaphore_mem>>) src(%dma_wait3A_233 : memref<62500x16xf32, #tpu.memory_space<hbm>>) dst(%dma_wait3A_228 : memref<128x16xf32, #tpu.memory_space<vmem>>)
      %scan3A_234 = arith.constant 0 : i32
      %scan3A_235 = arith.constant 0 : i32
      %scan3A_236 = arith.constant 64 : i32
      %scan3A_237 = arith.addi %scan3A_235, %scan3A_236 : i32
      %scan3A_238 = arith.constant 1 : i32
      %scan3A_239 = scf.for %scan3A_370 = %scan3A_235 to %scan3A_237 step %scan3A_238 iter_args(%scan3A_371 = %scan3A_234) -> (i32)  : i32 {
        %mul3A_372 = arith.constant 16 : i32
        %mul3A_373 = arith.muli %scan3A_370, %mul3A_372 : i32
        %get3A = arith.index_cast %mul3A_373 : i32 to index
        %get3A_374 = tpu.vector_load %arg9[%get3A] {strides = array<i32>} : memref<1024xf32, #tpu.memory_space<vmem>>, vector<16xf32>,
        %mul3A_375 = arith.mulf %get3A_374, %add3A_55 : vector<16xf32>
        %mul3A_376 = arith.constant 16 : i32
        %mul3A_377 = arith.muli %scan3A_370, %mul3A_376 : i32
        %get3A_378 = arith.index_cast %mul3A_377 : i32 to index
        %get3A_379 = tpu.vector_load %arg10[%get3A_378] {strides = array<i32>} : memref<1024xi32, #tpu.memory_space<vmem>>, vector<16xi32>,
        %mul3A_380 = arith.constant 16 : i32
        %mul3A_381 = arith.muli %scan3A_370, %mul3A_380 : i32
        %add3A_382 = vector.broadcast %mul3A_381 : i32 to vector<16xi32>
        %add3A_383 = arith.addi %add3A_382, %iota3A_83 : vector<16xi32>
        %broadcast_in_dim3A_384 = arith.constant 0 : i32
        %broadcast_in_dim3A_385 = vector.broadcast %broadcast_in_dim3A_384 : i32 to vector<16xi32>
        %broadcast_in_dim3A_386 = arith.constant 0 : i32
        %broadcast_in_dim3A_387 = vector.broadcast %broadcast_in_dim3A_386 : i32 to vector<16xi32>
        %gather3A_388 = tpu.vector_load_idx %arg11[%add3A_383, %broadcast_in_dim3A_387] : memref<1024x16xf32, #tpu.memory_space<vmem>>[vector<16xi32>, vector<16xi32>], vector<16xf32>,
        %lt3A_389 = arith.cmpf olt, %gather3A_388, %mul3A_375 : vector<16xf32>
        %jit3A_390 = arith.constant 1 : i32
        %jit3A_391 = arith.constant 0 : i32
        %broadcast_in_dim3A_392 = vector.broadcast %jit3A_390 : i32 to vector<16xi32>
        %broadcast_in_dim3A_393 = vector.broadcast %jit3A_391 : i32 to vector<16xi32>
        %select_n3A_394 = arith.select %lt3A_389, %broadcast_in_dim3A_392, %broadcast_in_dim3A_393 : vector<16xi1>, vector<16xi32>
        %add3A_395 = arith.addi %broadcast_in_dim3A_385, %select_n3A_394 : vector<16xi32>
        %broadcast_in_dim3A_396 = arith.constant 1 : i32
        %broadcast_in_dim3A_397 = vector.broadcast %broadcast_in_dim3A_396 : i32 to vector<16xi32>
        %gather3A_398 = tpu.vector_load_idx %arg11[%add3A_383, %broadcast_in_dim3A_397] : memref<1024x16xf32, #tpu.memory_space<vmem>>[vector<16xi32>, vector<16xi32>], vector<16xf32>,
        %lt3A_399 = arith.cmpf olt, %gather3A_398, %mul3A_375 : vector<16xf32>
        %jit3A_400 = arith.constant 1 : i32
        %jit3A_401 = arith.constant 0 : i32
        %broadcast_in_dim3A_402 = vector.broadcast %jit3A_400 : i32 to vector<16xi32>
        %broadcast_in_dim3A_403 = vector.broadcast %jit3A_401 : i32 to vector<16xi32>
        %select_n3A_404 = arith.select %lt3A_399, %broadcast_in_dim3A_402, %broadcast_in_dim3A_403 : vector<16xi1>, vector<16xi32>
        %add3A_405 = arith.addi %add3A_395, %select_n3A_404 : vector<16xi32>
        %broadcast_in_dim3A_406 = arith.constant 2 : i32
        %broadcast_in_dim3A_407 = vector.broadcast %broadcast_in_dim3A_406 : i32 to vector<16xi32>
        %gather3A_408 = tpu.vector_load_idx %arg11[%add3A_383, %broadcast_in_dim3A_407] : memref<1024x16xf32, #tpu.memory_space<vmem>>[vector<16xi32>, vector<16xi32>], vector<16xf32>,
        %lt3A_409 = arith.cmpf olt, %gather3A_408, %mul3A_375 : vector<16xf32>
        %jit3A_410 = arith.constant 1 : i32
        %jit3A_411 = arith.constant 0 : i32
        %broadcast_in_dim3A_412 = vector.broadcast %jit3A_410 : i32 to vector<16xi32>
        %broadcast_in_dim3A_413 = vector.broadcast %jit3A_411 : i32 to vector<16xi32>
        %select_n3A_414 = arith.select %lt3A_409, %broadcast_in_dim3A_412, %broadcast_in_dim3A_413 : vector<16xi1>, vector<16xi32>
        %add3A_415 = arith.addi %add3A_405, %select_n3A_414 : vector<16xi32>
        %broadcast_in_dim3A_416 = arith.constant 3 : i32
        %broadcast_in_dim3A_417 = vector.broadcast %broadcast_in_dim3A_416 : i32 to vector<16xi32>
        %gather3A_418 = tpu.vector_load_idx %arg11[%add3A_383, %broadcast_in_dim3A_417] : memref<1024x16xf32, #tpu.memory_space<vmem>>[vector<16xi32>, vector<16xi32>], vector<16xf32>,
        %lt3A_419 = arith.cmpf olt, %gather3A_418, %mul3A_375 : vector<16xf32>
        %jit3A_420 = arith.constant 1 : i32
        %jit3A_421 = arith.constant 0 : i32
        %broadcast_in_dim3A_422 = vector.broadcast %jit3A_420 : i32 to vector<16xi32>
        %broadcast_in_dim3A_423 = vector.broadcast %jit3A_421 : i32 to vector<16xi32>
        %select_n3A_424 = arith.select %lt3A_419, %broadcast_in_dim3A_422, %broadcast_in_dim3A_423 : vector<16xi1>, vector<16xi32>
        %add3A_425 = arith.addi %add3A_415, %select_n3A_424 : vector<16xi32>
        %broadcast_in_dim3A_426 = arith.constant 4 : i32
        %broadcast_in_dim3A_427 = vector.broadcast %broadcast_in_dim3A_426 : i32 to vector<16xi32>
        %gather3A_428 = tpu.vector_load_idx %arg11[%add3A_383, %broadcast_in_dim3A_427] : memref<1024x16xf32, #tpu.memory_space<vmem>>[vector<16xi32>, vector<16xi32>], vector<16xf32>,
        %lt3A_429 = arith.cmpf olt, %gather3A_428, %mul3A_375 : vector<16xf32>
        %jit3A_430 = arith.constant 1 : i32
        %jit3A_431 = arith.constant 0 : i32
        %broadcast_in_dim3A_432 = vector.broadcast %jit3A_430 : i32 to vector<16xi32>
        %broadcast_in_dim3A_433 = vector.broadcast %jit3A_431 : i32 to vector<16xi32>
        %select_n3A_434 = arith.select %lt3A_429, %broadcast_in_dim3A_432, %broadcast_in_dim3A_433 : vector<16xi1>, vector<16xi32>
        %add3A_435 = arith.addi %add3A_425, %select_n3A_434 : vector<16xi32>
        %broadcast_in_dim3A_436 = arith.constant 5 : i32
        %broadcast_in_dim3A_437 = vector.broadcast %broadcast_in_dim3A_436 : i32 to vector<16xi32>
        %gather3A_438 = tpu.vector_load_idx %arg11[%add3A_383, %broadcast_in_dim3A_437] : memref<1024x16xf32, #tpu.memory_space<vmem>>[vector<16xi32>, vector<16xi32>], vector<16xf32>,
        %lt3A_439 = arith.cmpf olt, %gather3A_438, %mul3A_375 : vector<16xf32>
        %jit3A_440 = arith.constant 1 : i32
        %jit3A_441 = arith.constant 0 : i32
        %broadcast_in_dim3A_442 = vector.broadcast %jit3A_440 : i32 to vector<16xi32>
        %broadcast_in_dim3A_443 = vector.broadcast %jit3A_441 : i32 to vector<16xi32>
        %select_n3A_444 = arith.select %lt3A_439, %broadcast_in_dim3A_442, %broadcast_in_dim3A_443 : vector<16xi1>, vector<16xi32>
        %add3A_445 = arith.addi %add3A_435, %select_n3A_444 : vector<16xi32>
        %broadcast_in_dim3A_446 = arith.constant 6 : i32
        %broadcast_in_dim3A_447 = vector.broadcast %broadcast_in_dim3A_446 : i32 to vector<16xi32>
        %gather3A_448 = tpu.vector_load_idx %arg11[%add3A_383, %broadcast_in_dim3A_447] : memref<1024x16xf32, #tpu.memory_space<vmem>>[vector<16xi32>, vector<16xi32>], vector<16xf32>,
        %lt3A_449 = arith.cmpf olt, %gather3A_448, %mul3A_375 : vector<16xf32>
        %jit3A_450 = arith.constant 1 : i32
        %jit3A_451 = arith.constant 0 : i32
        %broadcast_in_dim3A_452 = vector.broadcast %jit3A_450 : i32 to vector<16xi32>
        %broadcast_in_dim3A_453 = vector.broadcast %jit3A_451 : i32 to vector<16xi32>
        %select_n3A_454 = arith.select %lt3A_449, %broadcast_in_dim3A_452, %broadcast_in_dim3A_453 : vector<16xi1>, vector<16xi32>
        %add3A_455 = arith.addi %add3A_445, %select_n3A_454 : vector<16xi32>
        %broadcast_in_dim3A_456 = arith.constant 7 : i32
        %broadcast_in_dim3A_457 = vector.broadcast %broadcast_in_dim3A_456 : i32 to vector<16xi32>
        %gather3A_458 = tpu.vector_load_idx %arg11[%add3A_383, %broadcast_in_dim3A_457] : memref<1024x16xf32, #tpu.memory_space<vmem>>[vector<16xi32>, vector<16xi32>], vector<16xf32>,
        %lt3A_459 = arith.cmpf olt, %gather3A_458, %mul3A_375 : vector<16xf32>
        %jit3A_460 = arith.constant 1 : i32
        %jit3A_461 = arith.constant 0 : i32
        %broadcast_in_dim3A_462 = vector.broadcast %jit3A_460 : i32 to vector<16xi32>
        %broadcast_in_dim3A_463 = vector.broadcast %jit3A_461 : i32 to vector<16xi32>
        %select_n3A_464 = arith.select %lt3A_459, %broadcast_in_dim3A_462, %broadcast_in_dim3A_463 : vector<16xi1>, vector<16xi32>
        %add3A_465 = arith.addi %add3A_455, %select_n3A_464 : vector<16xi32>
        %broadcast_in_dim3A_466 = arith.constant 8 : i32
        %broadcast_in_dim3A_467 = vector.broadcast %broadcast_in_dim3A_466 : i32 to vector<16xi32>
        %gather3A_468 = tpu.vector_load_idx %arg11[%add3A_383, %broadcast_in_dim3A_467] : memref<1024x16xf32, #tpu.memory_space<vmem>>[vector<16xi32>, vector<16xi32>], vector<16xf32>,
        %lt3A_469 = arith.cmpf olt, %gather3A_468, %mul3A_375 : vector<16xf32>
        %jit3A_470 = arith.constant 1 : i32
        %jit3A_471 = arith.constant 0 : i32
        %broadcast_in_dim3A_472 = vector.broadcast %jit3A_470 : i32 to vector<16xi32>
        %broadcast_in_dim3A_473 = vector.broadcast %jit3A_471 : i32 to vector<16xi32>
        %select_n3A_474 = arith.select %lt3A_469, %broadcast_in_dim3A_472, %broadcast_in_dim3A_473 : vector<16xi1>, vector<16xi32>
        %add3A_475 = arith.addi %add3A_465, %select_n3A_474 : vector<16xi32>
        %broadcast_in_dim3A_476 = arith.constant 9 : i32
        %broadcast_in_dim3A_477 = vector.broadcast %broadcast_in_dim3A_476 : i32 to vector<16xi32>
        %gather3A_478 = tpu.vector_load_idx %arg11[%add3A_383, %broadcast_in_dim3A_477] : memref<1024x16xf32, #tpu.memory_space<vmem>>[vector<16xi32>, vector<16xi32>], vector<16xf32>,
        %lt3A_479 = arith.cmpf olt, %gather3A_478, %mul3A_375 : vector<16xf32>
        %jit3A_480 = arith.constant 1 : i32
        %jit3A_481 = arith.constant 0 : i32
        %broadcast_in_dim3A_482 = vector.broadcast %jit3A_480 : i32 to vector<16xi32>
        %broadcast_in_dim3A_483 = vector.broadcast %jit3A_481 : i32 to vector<16xi32>
        %select_n3A_484 = arith.select %lt3A_479, %broadcast_in_dim3A_482, %broadcast_in_dim3A_483 : vector<16xi1>, vector<16xi32>
        %add3A_485 = arith.addi %add3A_475, %select_n3A_484 : vector<16xi32>
        %broadcast_in_dim3A_486 = arith.constant 10 : i32
        %broadcast_in_dim3A_487 = vector.broadcast %broadcast_in_dim3A_486 : i32 to vector<16xi32>
        %gather3A_488 = tpu.vector_load_idx %arg11[%add3A_383, %broadcast_in_dim3A_487] : memref<1024x16xf32, #tpu.memory_space<vmem>>[vector<16xi32>, vector<16xi32>], vector<16xf32>,
        %lt3A_489 = arith.cmpf olt, %gather3A_488, %mul3A_375 : vector<16xf32>
        %jit3A_490 = arith.constant 1 : i32
        %jit3A_491 = arith.constant 0 : i32
        %broadcast_in_dim3A_492 = vector.broadcast %jit3A_490 : i32 to vector<16xi32>
        %broadcast_in_dim3A_493 = vector.broadcast %jit3A_491 : i32 to vector<16xi32>
        %select_n3A_494 = arith.select %lt3A_489, %broadcast_in_dim3A_492, %broadcast_in_dim3A_493 : vector<16xi1>, vector<16xi32>
        %add3A_495 = arith.addi %add3A_485, %select_n3A_494 : vector<16xi32>
        %broadcast_in_dim3A_496 = arith.constant 11 : i32
        %broadcast_in_dim3A_497 = vector.broadcast %broadcast_in_dim3A_496 : i32 to vector<16xi32>
        %gather3A_498 = tpu.vector_load_idx %arg11[%add3A_383, %broadcast_in_dim3A_497] : memref<1024x16xf32, #tpu.memory_space<vmem>>[vector<16xi32>, vector<16xi32>], vector<16xf32>,
        %lt3A_499 = arith.cmpf olt, %gather3A_498, %mul3A_375 : vector<16xf32>
        %jit3A_500 = arith.constant 1 : i32
        %jit3A_501 = arith.constant 0 : i32
        %broadcast_in_dim3A_502 = vector.broadcast %jit3A_500 : i32 to vector<16xi32>
        %broadcast_in_dim3A_503 = vector.broadcast %jit3A_501 : i32 to vector<16xi32>
        %select_n3A_504 = arith.select %lt3A_499, %broadcast_in_dim3A_502, %broadcast_in_dim3A_503 : vector<16xi1>, vector<16xi32>
        %add3A_505 = arith.addi %add3A_495, %select_n3A_504 : vector<16xi32>
        %broadcast_in_dim3A_506 = arith.constant 12 : i32
        %broadcast_in_dim3A_507 = vector.broadcast %broadcast_in_dim3A_506 : i32 to vector<16xi32>
        %gather3A_508 = tpu.vector_load_idx %arg11[%add3A_383, %broadcast_in_dim3A_507] : memref<1024x16xf32, #tpu.memory_space<vmem>>[vector<16xi32>, vector<16xi32>], vector<16xf32>,
        %lt3A_509 = arith.cmpf olt, %gather3A_508, %mul3A_375 : vector<16xf32>
        %jit3A_510 = arith.constant 1 : i32
        %jit3A_511 = arith.constant 0 : i32
        %broadcast_in_dim3A_512 = vector.broadcast %jit3A_510 : i32 to vector<16xi32>
        %broadcast_in_dim3A_513 = vector.broadcast %jit3A_511 : i32 to vector<16xi32>
        %select_n3A_514 = arith.select %lt3A_509, %broadcast_in_dim3A_512, %broadcast_in_dim3A_513 : vector<16xi1>, vector<16xi32>
        %add3A_515 = arith.addi %add3A_505, %select_n3A_514 : vector<16xi32>
        %broadcast_in_dim3A_516 = arith.constant 13 : i32
        %broadcast_in_dim3A_517 = vector.broadcast %broadcast_in_dim3A_516 : i32 to vector<16xi32>
        %gather3A_518 = tpu.vector_load_idx %arg11[%add3A_383, %broadcast_in_dim3A_517] : memref<1024x16xf32, #tpu.memory_space<vmem>>[vector<16xi32>, vector<16xi32>], vector<16xf32>,
        %lt3A_519 = arith.cmpf olt, %gather3A_518, %mul3A_375 : vector<16xf32>
        %jit3A_520 = arith.constant 1 : i32
        %jit3A_521 = arith.constant 0 : i32
        %broadcast_in_dim3A_522 = vector.broadcast %jit3A_520 : i32 to vector<16xi32>
        %broadcast_in_dim3A_523 = vector.broadcast %jit3A_521 : i32 to vector<16xi32>
        %select_n3A_524 = arith.select %lt3A_519, %broadcast_in_dim3A_522, %broadcast_in_dim3A_523 : vector<16xi1>, vector<16xi32>
        %add3A_525 = arith.addi %add3A_515, %select_n3A_524 : vector<16xi32>
        %broadcast_in_dim3A_526 = arith.constant 14 : i32
        %broadcast_in_dim3A_527 = vector.broadcast %broadcast_in_dim3A_526 : i32 to vector<16xi32>
        %gather3A_528 = tpu.vector_load_idx %arg11[%add3A_383, %broadcast_in_dim3A_527] : memref<1024x16xf32, #tpu.memory_space<vmem>>[vector<16xi32>, vector<16xi32>], vector<16xf32>,
        %lt3A_529 = arith.cmpf olt, %gather3A_528, %mul3A_375 : vector<16xf32>
        %jit3A_530 = arith.constant 1 : i32
        %jit3A_531 = arith.constant 0 : i32
        %broadcast_in_dim3A_532 = vector.broadcast %jit3A_530 : i32 to vector<16xi32>
        %broadcast_in_dim3A_533 = vector.broadcast %jit3A_531 : i32 to vector<16xi32>
        %select_n3A_534 = arith.select %lt3A_529, %broadcast_in_dim3A_532, %broadcast_in_dim3A_533 : vector<16xi1>, vector<16xi32>
        %add3A_535 = arith.addi %add3A_525, %select_n3A_534 : vector<16xi32>
        %broadcast_in_dim3A_536 = arith.constant 15 : i32
        %broadcast_in_dim3A_537 = vector.broadcast %broadcast_in_dim3A_536 : i32 to vector<16xi32>
        %gather3A_538 = tpu.vector_load_idx %arg11[%add3A_383, %broadcast_in_dim3A_537] : memref<1024x16xf32, #tpu.memory_space<vmem>>[vector<16xi32>, vector<16xi32>], vector<16xf32>,
        %lt3A_539 = arith.cmpf olt, %gather3A_538, %mul3A_375 : vector<16xf32>
        %jit3A_540 = arith.constant 1 : i32
        %jit3A_541 = arith.constant 0 : i32
        %broadcast_in_dim3A_542 = vector.broadcast %jit3A_540 : i32 to vector<16xi32>
        %broadcast_in_dim3A_543 = vector.broadcast %jit3A_541 : i32 to vector<16xi32>
        %select_n3A_544 = arith.select %lt3A_539, %broadcast_in_dim3A_542, %broadcast_in_dim3A_543 : vector<16xi1>, vector<16xi32>
        %add3A_545 = arith.addi %add3A_535, %select_n3A_544 : vector<16xi32>
        %mul3A_546 = arith.constant 16 : i32
        %mul3A_547 = vector.broadcast %mul3A_546 : i32 to vector<16xi32>
        %mul3A_548 = arith.muli %get3A_379, %mul3A_547 : vector<16xi32>
        %add3A_549 = arith.addi %mul3A_548, %add3A_545 : vector<16xi32>
        %min3A_550 = arith.constant 999999 : i32
        %min3A_551 = vector.broadcast %min3A_550 : i32 to vector<16xi32>
        %min3A_552 = arith.minsi %add3A_549, %min3A_551 : vector<16xi32>
        %mul3A_553 = arith.constant 16 : i32
        %mul3A_554 = arith.muli %scan3A_370, %mul3A_553 : i32
        %swap3A = arith.index_cast %mul3A_554 : i32 to index
        %swap3A_555 = tpu.vector_load %arg12[%swap3A] {strides = array<i32>} : memref<1024xi32, #tpu.memory_space<vmem>>, vector<16xi32>,
        tpu.vector_store %arg12[%swap3A], %min3A_552 {strides = array<i32>} : memref<1024xi32, #tpu.memory_space<vmem>>, vector<16xi32>,
        %scan3A_556 = arith.constant 0 : i32
        scf.yield %scan3A_556 : i32
      }
      %scan3A_240 = arith.constant 64 : i32
      %dma_start3A_241 = arith.constant 0 : i32
      %dma_start3A_242 = arith.constant 0 : i32
      %dma_start3A_243 = tpu.memref_slice %arg13[%dma_start3A_241, %dma_start3A_242] : memref<1024x8xf32, #tpu.memory_space<vmem>> -> memref<128x8xf32, #tpu.memory_space<vmem>>
      %dma_start3A_244 = arith.constant 0 : i32
      %dma_start3A_245 = tpu.memref_slice %arg12[%dma_start3A_244] : memref<1024xi32, #tpu.memory_space<vmem>> -> memref<128xi32, #tpu.memory_space<vmem>>
      %dma_start3A_246 = arith.constant 0 : i32
      %dma_start3A_247 = arith.constant 0 : i32
      %dma_start3A_248 = tpu.memref_slice %arg6[%dma_start3A_246, %dma_start3A_247] : memref<1000000x8xf32, #tpu.memory_space<hbm>> -> memref<1000000x8xf32, #tpu.memory_space<hbm>>
      tpu.enqueue_indirect_dma source(%dma_start3A_248 : memref<1000000x8xf32, #tpu.memory_space<hbm>>) target(%dma_start3A_243 : memref<128x8xf32, #tpu.memory_space<vmem>>) offsets(%dma_start3A_245 : memref<128xi32, #tpu.memory_space<vmem>>) semaphore(%arg15 : memref<!tpu.dma_semaphore, #tpu.memory_space<semaphore_mem>>)
      %dma_start3A_249 = arith.constant 128 : i32
      %dma_start3A_250 = arith.constant 0 : i32
      %dma_start3A_251 = tpu.memref_slice %arg13[%dma_start3A_249, %dma_start3A_250] : memref<1024x8xf32, #tpu.memory_space<vmem>> -> memref<128x8xf32, #tpu.memory_space<vmem>>
      %dma_start3A_252 = arith.constant 128 : i32
      %dma_start3A_253 = tpu.memref_slice %arg12[%dma_start3A_252] : memref<1024xi32, #tpu.memory_space<vmem>> -> memref<128xi32, #tpu.memory_space<vmem>>
      %dma_start3A_254 = arith.constant 0 : i32
      %dma_start3A_255 = arith.constant 0 : i32
      %dma_start3A_256 = tpu.memref_slice %arg6[%dma_start3A_254, %dma_start3A_255] : memref<1000000x8xf32, #tpu.memory_space<hbm>> -> memref<1000000x8xf32, #tpu.memory_space<hbm>>
      tpu.enqueue_indirect_dma source(%dma_start3A_256 : memref<1000000x8xf32, #tpu.memory_space<hbm>>) target(%dma_start3A_251 : memref<128x8xf32, #tpu.memory_space<vmem>>) offsets(%dma_start3A_253 : memref<128xi32, #tpu.memory_space<vmem>>) semaphore(%arg15 : memref<!tpu.dma_semaphore, #tpu.memory_space<semaphore_mem>>)
      %dma_start3A_257 = arith.constant 256 : i32
      %dma_start3A_258 = arith.constant 0 : i32
      %dma_start3A_259 = tpu.memref_slice %arg13[%dma_start3A_257, %dma_start3A_258] : memref<1024x8xf32, #tpu.memory_space<vmem>> -> memref<128x8xf32, #tpu.memory_space<vmem>>
      %dma_start3A_260 = arith.constant 256 : i32
      %dma_start3A_261 = tpu.memref_slice %arg12[%dma_start3A_260] : memref<1024xi32, #tpu.memory_space<vmem>> -> memref<128xi32, #tpu.memory_space<vmem>>
      %dma_start3A_262 = arith.constant 0 : i32
      %dma_start3A_263 = arith.constant 0 : i32
      %dma_start3A_264 = tpu.memref_slice %arg6[%dma_start3A_262, %dma_start3A_263] : memref<1000000x8xf32, #tpu.memory_space<hbm>> -> memref<1000000x8xf32, #tpu.memory_space<hbm>>
      tpu.enqueue_indirect_dma source(%dma_start3A_264 : memref<1000000x8xf32, #tpu.memory_space<hbm>>) target(%dma_start3A_259 : memref<128x8xf32, #tpu.memory_space<vmem>>) offsets(%dma_start3A_261 : memref<128xi32, #tpu.memory_space<vmem>>) semaphore(%arg15 : memref<!tpu.dma_semaphore, #tpu.memory_space<semaphore_mem>>)
      %dma_start3A_265 = arith.constant 384 : i32
      %dma_start3A_266 = arith.constant 0 : i32
      %dma_start3A_267 = tpu.memref_slice %arg13[%dma_start3A_265, %dma_start3A_266] : memref<1024x8xf32, #tpu.memory_space<vmem>> -> memref<128x8xf32, #tpu.memory_space<vmem>>
      %dma_start3A_268 = arith.constant 384 : i32
      %dma_start3A_269 = tpu.memref_slice %arg12[%dma_start3A_268] : memref<1024xi32, #tpu.memory_space<vmem>> -> memref<128xi32, #tpu.memory_space<vmem>>
      %dma_start3A_270 = arith.constant 0 : i32
      %dma_start3A_271 = arith.constant 0 : i32
      %dma_start3A_272 = tpu.memref_slice %arg6[%dma_start3A_270, %dma_start3A_271] : memref<1000000x8xf32, #tpu.memory_space<hbm>> -> memref<1000000x8xf32, #tpu.memory_space<hbm>>
      tpu.enqueue_indirect_dma source(%dma_start3A_272 : memref<1000000x8xf32, #tpu.memory_space<hbm>>) target(%dma_start3A_267 : memref<128x8xf32, #tpu.memory_space<vmem>>) offsets(%dma_start3A_269 : memref<128xi32, #tpu.memory_space<vmem>>) semaphore(%arg15 : memref<!tpu.dma_semaphore, #tpu.memory_space<semaphore_mem>>)
      %dma_start3A_273 = arith.constant 512 : i32
      %dma_start3A_274 = arith.constant 0 : i32
      %dma_start3A_275 = tpu.memref_slice %arg13[%dma_start3A_273, %dma_start3A_274] : memref<1024x8xf32, #tpu.memory_space<vmem>> -> memref<128x8xf32, #tpu.memory_space<vmem>>
      %dma_start3A_276 = arith.constant 512 : i32
      %dma_start3A_277 = tpu.memref_slice %arg12[%dma_start3A_276] : memref<1024xi32, #tpu.memory_space<vmem>> -> memref<128xi32, #tpu.memory_space<vmem>>
      %dma_start3A_278 = arith.constant 0 : i32
      %dma_start3A_279 = arith.constant 0 : i32
      %dma_start3A_280 = tpu.memref_slice %arg6[%dma_start3A_278, %dma_start3A_279] : memref<1000000x8xf32, #tpu.memory_space<hbm>> -> memref<1000000x8xf32, #tpu.memory_space<hbm>>
      tpu.enqueue_indirect_dma source(%dma_start3A_280 : memref<1000000x8xf32, #tpu.memory_space<hbm>>) target(%dma_start3A_275 : memref<128x8xf32, #tpu.memory_space<vmem>>) offsets(%dma_start3A_277 : memref<128xi32, #tpu.memory_space<vmem>>) semaphore(%arg15 : memref<!tpu.dma_semaphore, #tpu.memory_space<semaphore_mem>>)
      %dma_start3A_281 = arith.constant 640 : i32
      %dma_start3A_282 = arith.constant 0 : i32
      %dma_start3A_283 = tpu.memref_slice %arg13[%dma_start3A_281, %dma_start3A_282] : memref<1024x8xf32, #tpu.memory_space<vmem>> -> memref<128x8xf32, #tpu.memory_space<vmem>>
      %dma_start3A_284 = arith.constant 640 : i32
      %dma_start3A_285 = tpu.memref_slice %arg12[%dma_start3A_284] : memref<1024xi32, #tpu.memory_space<vmem>> -> memref<128xi32, #tpu.memory_space<vmem>>
      %dma_start3A_286 = arith.constant 0 : i32
      %dma_start3A_287 = arith.constant 0 : i32
      %dma_start3A_288 = tpu.memref_slice %arg6[%dma_start3A_286, %dma_start3A_287] : memref<1000000x8xf32, #tpu.memory_space<hbm>> -> memref<1000000x8xf32, #tpu.memory_space<hbm>>
      tpu.enqueue_indirect_dma source(%dma_start3A_288 : memref<1000000x8xf32, #tpu.memory_space<hbm>>) target(%dma_start3A_283 : memref<128x8xf32, #tpu.memory_space<vmem>>) offsets(%dma_start3A_285 : memref<128xi32, #tpu.memory_space<vmem>>) semaphore(%arg15 : memref<!tpu.dma_semaphore, #tpu.memory_space<semaphore_mem>>)
      %dma_start3A_289 = arith.constant 768 : i32
      %dma_start3A_290 = arith.constant 0 : i32
      %dma_start3A_291 = tpu.memref_slice %arg13[%dma_start3A_289, %dma_start3A_290] : memref<1024x8xf32, #tpu.memory_space<vmem>> -> memref<128x8xf32, #tpu.memory_space<vmem>>
      %dma_start3A_292 = arith.constant 768 : i32
      %dma_start3A_293 = tpu.memref_slice %arg12[%dma_start3A_292] : memref<1024xi32, #tpu.memory_space<vmem>> -> memref<128xi32, #tpu.memory_space<vmem>>
      %dma_start3A_294 = arith.constant 0 : i32
      %dma_start3A_295 = arith.constant 0 : i32
      %dma_start3A_296 = tpu.memref_slice %arg6[%dma_start3A_294, %dma_start3A_295] : memref<1000000x8xf32, #tpu.memory_space<hbm>> -> memref<1000000x8xf32, #tpu.memory_space<hbm>>
      tpu.enqueue_indirect_dma source(%dma_start3A_296 : memref<1000000x8xf32, #tpu.memory_space<hbm>>) target(%dma_start3A_291 : memref<128x8xf32, #tpu.memory_space<vmem>>) offsets(%dma_start3A_293 : memref<128xi32, #tpu.memory_space<vmem>>) semaphore(%arg15 : memref<!tpu.dma_semaphore, #tpu.memory_space<semaphore_mem>>)
      %dma_start3A_297 = arith.constant 896 : i32
      %dma_start3A_298 = arith.constant 0 : i32
      %dma_start3A_299 = tpu.memref_slice %arg13[%dma_start3A_297, %dma_start3A_298] : memref<1024x8xf32, #tpu.memory_space<vmem>> -> memref<128x8xf32, #tpu.memory_space<vmem>>
      %dma_start3A_300 = arith.constant 896 : i32
      %dma_start3A_301 = tpu.memref_slice %arg12[%dma_start3A_300] : memref<1024xi32, #tpu.memory_space<vmem>> -> memref<128xi32, #tpu.memory_space<vmem>>
      %dma_start3A_302 = arith.constant 0 : i32
      %dma_start3A_303 = arith.constant 0 : i32
      %dma_start3A_304 = tpu.memref_slice %arg6[%dma_start3A_302, %dma_start3A_303] : memref<1000000x8xf32, #tpu.memory_space<hbm>> -> memref<1000000x8xf32, #tpu.memory_space<hbm>>
      tpu.enqueue_indirect_dma source(%dma_start3A_304 : memref<1000000x8xf32, #tpu.memory_space<hbm>>) target(%dma_start3A_299 : memref<128x8xf32, #tpu.memory_space<vmem>>) offsets(%dma_start3A_301 : memref<128xi32, #tpu.memory_space<vmem>>) semaphore(%arg15 : memref<!tpu.dma_semaphore, #tpu.memory_space<semaphore_mem>>)
      %dma_wait3A_305 = arith.constant 0 : i32
      %dma_wait3A_306 = arith.constant 0 : i32
      %dma_wait3A_307 = tpu.memref_slice %arg13[%dma_wait3A_305, %dma_wait3A_306] : memref<1024x8xf32, #tpu.memory_space<vmem>> -> memref<128x8xf32, #tpu.memory_space<vmem>>
      %dma_wait3A_308 = arith.constant 0 : i32
      %dma_wait3A_309 = tpu.memref_slice %arg12[%dma_wait3A_308] : memref<1024xi32, #tpu.memory_space<vmem>> -> memref<128xi32, #tpu.memory_space<vmem>>
      %dma_wait3A_310 = arith.constant 0 : i32
      %dma_wait3A_311 = arith.constant 0 : i32
      %dma_wait3A_312 = tpu.memref_slice %arg6[%dma_wait3A_310, %dma_wait3A_311] : memref<1000000x8xf32, #tpu.memory_space<hbm>> -> memref<1000000x8xf32, #tpu.memory_space<hbm>>
      tpu.wait_indirect_dma semaphore(%arg15 : memref<!tpu.dma_semaphore, #tpu.memory_space<semaphore_mem>>) src(%dma_wait3A_312 : memref<1000000x8xf32, #tpu.memory_space<hbm>>) dst(%dma_wait3A_307 : memref<128x8xf32, #tpu.memory_space<vmem>>)
      %dma_wait3A_313 = arith.constant 128 : i32
      %dma_wait3A_314 = arith.constant 0 : i32
      %dma_wait3A_315 = tpu.memref_slice %arg13[%dma_wait3A_313, %dma_wait3A_314] : memref<1024x8xf32, #tpu.memory_space<vmem>> -> memref<128x8xf32, #tpu.memory_space<vmem>>
      %dma_wait3A_316 = arith.constant 128 : i32
      %dma_wait3A_317 = tpu.memref_slice %arg12[%dma_wait3A_316] : memref<1024xi32, #tpu.memory_space<vmem>> -> memref<128xi32, #tpu.memory_space<vmem>>
      %dma_wait3A_318 = arith.constant 0 : i32
      %dma_wait3A_319 = arith.constant 0 : i32
      %dma_wait3A_320 = tpu.memref_slice %arg6[%dma_wait3A_318, %dma_wait3A_319] : memref<1000000x8xf32, #tpu.memory_space<hbm>> -> memref<1000000x8xf32, #tpu.memory_space<hbm>>
      tpu.wait_indirect_dma semaphore(%arg15 : memref<!tpu.dma_semaphore, #tpu.memory_space<semaphore_mem>>) src(%dma_wait3A_320 : memref<1000000x8xf32, #tpu.memory_space<hbm>>) dst(%dma_wait3A_315 : memref<128x8xf32, #tpu.memory_space<vmem>>)
      %dma_wait3A_321 = arith.constant 256 : i32
      %dma_wait3A_322 = arith.constant 0 : i32
      %dma_wait3A_323 = tpu.memref_slice %arg13[%dma_wait3A_321, %dma_wait3A_322] : memref<1024x8xf32, #tpu.memory_space<vmem>> -> memref<128x8xf32, #tpu.memory_space<vmem>>
      %dma_wait3A_324 = arith.constant 256 : i32
      %dma_wait3A_325 = tpu.memref_slice %arg12[%dma_wait3A_324] : memref<1024xi32, #tpu.memory_space<vmem>> -> memref<128xi32, #tpu.memory_space<vmem>>
      %dma_wait3A_326 = arith.constant 0 : i32
      %dma_wait3A_327 = arith.constant 0 : i32
      %dma_wait3A_328 = tpu.memref_slice %arg6[%dma_wait3A_326, %dma_wait3A_327] : memref<1000000x8xf32, #tpu.memory_space<hbm>> -> memref<1000000x8xf32, #tpu.memory_space<hbm>>
      tpu.wait_indirect_dma semaphore(%arg15 : memref<!tpu.dma_semaphore, #tpu.memory_space<semaphore_mem>>) src(%dma_wait3A_328 : memref<1000000x8xf32, #tpu.memory_space<hbm>>) dst(%dma_wait3A_323 : memref<128x8xf32, #tpu.memory_space<vmem>>)
      %dma_wait3A_329 = arith.constant 384 : i32
      %dma_wait3A_330 = arith.constant 0 : i32
      %dma_wait3A_331 = tpu.memref_slice %arg13[%dma_wait3A_329, %dma_wait3A_330] : memref<1024x8xf32, #tpu.memory_space<vmem>> -> memref<128x8xf32, #tpu.memory_space<vmem>>
      %dma_wait3A_332 = arith.constant 384 : i32
      %dma_wait3A_333 = tpu.memref_slice %arg12[%dma_wait3A_332] : memref<1024xi32, #tpu.memory_space<vmem>> -> memref<128xi32, #tpu.memory_space<vmem>>
      %dma_wait3A_334 = arith.constant 0 : i32
      %dma_wait3A_335 = arith.constant 0 : i32
      %dma_wait3A_336 = tpu.memref_slice %arg6[%dma_wait3A_334, %dma_wait3A_335] : memref<1000000x8xf32, #tpu.memory_space<hbm>> -> memref<1000000x8xf32, #tpu.memory_space<hbm>>
      tpu.wait_indirect_dma semaphore(%arg15 : memref<!tpu.dma_semaphore, #tpu.memory_space<semaphore_mem>>) src(%dma_wait3A_336 : memref<1000000x8xf32, #tpu.memory_space<hbm>>) dst(%dma_wait3A_331 : memref<128x8xf32, #tpu.memory_space<vmem>>)
      %dma_wait3A_337 = arith.constant 512 : i32
      %dma_wait3A_338 = arith.constant 0 : i32
      %dma_wait3A_339 = tpu.memref_slice %arg13[%dma_wait3A_337, %dma_wait3A_338] : memref<1024x8xf32, #tpu.memory_space<vmem>> -> memref<128x8xf32, #tpu.memory_space<vmem>>
      %dma_wait3A_340 = arith.constant 512 : i32
      %dma_wait3A_341 = tpu.memref_slice %arg12[%dma_wait3A_340] : memref<1024xi32, #tpu.memory_space<vmem>> -> memref<128xi32, #tpu.memory_space<vmem>>
      %dma_wait3A_342 = arith.constant 0 : i32
      %dma_wait3A_343 = arith.constant 0 : i32
      %dma_wait3A_344 = tpu.memref_slice %arg6[%dma_wait3A_342, %dma_wait3A_343] : memref<1000000x8xf32, #tpu.memory_space<hbm>> -> memref<1000000x8xf32, #tpu.memory_space<hbm>>
      tpu.wait_indirect_dma semaphore(%arg15 : memref<!tpu.dma_semaphore, #tpu.memory_space<semaphore_mem>>) src(%dma_wait3A_344 : memref<1000000x8xf32, #tpu.memory_space<hbm>>) dst(%dma_wait3A_339 : memref<128x8xf32, #tpu.memory_space<vmem>>)
      %dma_wait3A_345 = arith.constant 640 : i32
      %dma_wait3A_346 = arith.constant 0 : i32
      %dma_wait3A_347 = tpu.memref_slice %arg13[%dma_wait3A_345, %dma_wait3A_346] : memref<1024x8xf32, #tpu.memory_space<vmem>> -> memref<128x8xf32, #tpu.memory_space<vmem>>
      %dma_wait3A_348 = arith.constant 640 : i32
      %dma_wait3A_349 = tpu.memref_slice %arg12[%dma_wait3A_348] : memref<1024xi32, #tpu.memory_space<vmem>> -> memref<128xi32, #tpu.memory_space<vmem>>
      %dma_wait3A_350 = arith.constant 0 : i32
      %dma_wait3A_351 = arith.constant 0 : i32
      %dma_wait3A_352 = tpu.memref_slice %arg6[%dma_wait3A_350, %dma_wait3A_351] : memref<1000000x8xf32, #tpu.memory_space<hbm>> -> memref<1000000x8xf32, #tpu.memory_space<hbm>>
      tpu.wait_indirect_dma semaphore(%arg15 : memref<!tpu.dma_semaphore, #tpu.memory_space<semaphore_mem>>) src(%dma_wait3A_352 : memref<1000000x8xf32, #tpu.memory_space<hbm>>) dst(%dma_wait3A_347 : memref<128x8xf32, #tpu.memory_space<vmem>>)
      %dma_wait3A_353 = arith.constant 768 : i32
      %dma_wait3A_354 = arith.constant 0 : i32
      %dma_wait3A_355 = tpu.memref_slice %arg13[%dma_wait3A_353, %dma_wait3A_354] : memref<1024x8xf32, #tpu.memory_space<vmem>> -> memref<128x8xf32, #tpu.memory_space<vmem>>
      %dma_wait3A_356 = arith.constant 768 : i32
      %dma_wait3A_357 = tpu.memref_slice %arg12[%dma_wait3A_356] : memref<1024xi32, #tpu.memory_space<vmem>> -> memref<128xi32, #tpu.memory_space<vmem>>
      %dma_wait3A_358 = arith.constant 0 : i32
      %dma_wait3A_359 = arith.constant 0 : i32
      %dma_wait3A_360 = tpu.memref_slice %arg6[%dma_wait3A_358, %dma_wait3A_359] : memref<1000000x8xf32, #tpu.memory_space<hbm>> -> memref<1000000x8xf32, #tpu.memory_space<hbm>>
      tpu.wait_indirect_dma semaphore(%arg15 : memref<!tpu.dma_semaphore, #tpu.memory_space<semaphore_mem>>) src(%dma_wait3A_360 : memref<1000000x8xf32, #tpu.memory_space<hbm>>) dst(%dma_wait3A_355 : memref<128x8xf32, #tpu.memory_space<vmem>>)
      %dma_wait3A_361 = arith.constant 896 : i32
      %dma_wait3A_362 = arith.constant 0 : i32
      %dma_wait3A_363 = tpu.memref_slice %arg13[%dma_wait3A_361, %dma_wait3A_362] : memref<1024x8xf32, #tpu.memory_space<vmem>> -> memref<128x8xf32, #tpu.memory_space<vmem>>
      %dma_wait3A_364 = arith.constant 896 : i32
      %dma_wait3A_365 = tpu.memref_slice %arg12[%dma_wait3A_364] : memref<1024xi32, #tpu.memory_space<vmem>> -> memref<128xi32, #tpu.memory_space<vmem>>
      %dma_wait3A_366 = arith.constant 0 : i32
      %dma_wait3A_367 = arith.constant 0 : i32
      %dma_wait3A_368 = tpu.memref_slice %arg6[%dma_wait3A_366, %dma_wait3A_367] : memref<1000000x8xf32, #tpu.memory_space<hbm>> -> memref<1000000x8xf32, #tpu.memory_space<hbm>>
      tpu.wait_indirect_dma semaphore(%arg15 : memref<!tpu.dma_semaphore, #tpu.memory_space<semaphore_mem>>) src(%dma_wait3A_368 : memref<1000000x8xf32, #tpu.memory_space<hbm>>) dst(%dma_wait3A_363 : memref<128x8xf32, #tpu.memory_space<vmem>>)
      "tpu.region"() ({
        %run_scoped3A = tpu.sem_alloc : memref<!tpu.dma_semaphore, #tpu.memory_space<semaphore_mem>>
        %dma_start3A_370 = arith.constant 0 : i32
        %dma_start3A_371 = tpu.memref_slice %arg7[%add3A_101, %dma_start3A_370] : memref<1000000x8xf32, #tpu.memory_space<hbm>> -> memref<1024x8xf32, #tpu.memory_space<hbm>>
        %dma_start3A_372 = arith.constant 0 : i32
        %dma_start3A_373 = tpu.memref_slice %arg7[%add3A_101, %dma_start3A_372] : memref<1000000x8xf32, #tpu.memory_space<hbm>> -> memref<1024x8xf32, #tpu.memory_space<hbm>>
        tpu.enqueue_dma source(%arg13 : memref<1024x8xf32, #tpu.memory_space<vmem>>) target(%dma_start3A_373 : memref<1024x8xf32, #tpu.memory_space<hbm>>) target_semaphore(%run_scoped3A : memref<!tpu.dma_semaphore, #tpu.memory_space<semaphore_mem>>)
        %dma_wait3A_374 = arith.constant 0 : i32
        %dma_wait3A_375 = tpu.memref_slice %arg7[%add3A_101, %dma_wait3A_374] : memref<1000000x8xf32, #tpu.memory_space<hbm>> -> memref<1024x8xf32, #tpu.memory_space<hbm>>
        %dma_wait3A_376 = arith.constant 0 : i32
        %dma_wait3A_377 = tpu.memref_slice %arg7[%add3A_101, %dma_wait3A_376] : memref<1000000x8xf32, #tpu.memory_space<hbm>> -> memref<1024x8xf32, #tpu.memory_space<hbm>>
        tpu.wait_dma2 semaphore(%run_scoped3A : memref<!tpu.dma_semaphore, #tpu.memory_space<semaphore_mem>>) src(%arg13 : memref<1024x8xf32, #tpu.memory_space<vmem>>) dst(%dma_wait3A_377 : memref<1024x8xf32, #tpu.memory_space<hbm>>)
        tpu.yield
      }) : () -> ()
      %while3A_369 = arith.constant 0 : i32
      scf.yield %while3A_369 : i32
    }
    %while3A_93 = arith.constant 1 : i32
    %while3A_94 = scf.for %while3A_95 = %while3A_90 to %while3A_86 step %while3A_93 iter_args(%while3A_96 = %while3A_92) -> (i32)  : i32 {
      %mul3A_97 = arith.constant 1024 : i32
      %mul3A_98 = arith.muli %while3A_95, %mul3A_97 : i32
      %sub3A_99 = arith.constant 1024 : i32
      %sub3A_100 = arith.subi %select_n3A_60, %sub3A_99 : i32
      %min3A = arith.minsi %mul3A_98, %sub3A_100 : i32
      %add3A_101 = arith.addi %mul3A_57, %min3A : i32
      "tpu.region"() ({
        %run_scoped3A = tpu.sem_alloc : memref<!tpu.dma_semaphore, #tpu.memory_space<semaphore_mem>>
        %dma_start3A_370 = tpu.memref_slice %arg2[%add3A_101] : memref<1000000xf32, #tpu.memory_space<hbm>> -> memref<1024xf32, #tpu.memory_space<hbm>>
        %dma_start3A_371 = tpu.memref_slice %arg2[%add3A_101] : memref<1000000xf32, #tpu.memory_space<hbm>> -> memref<1024xf32, #tpu.memory_space<hbm>>
        tpu.enqueue_dma source(%dma_start3A_371 : memref<1024xf32, #tpu.memory_space<hbm>>) target(%arg9 : memref<1024xf32, #tpu.memory_space<vmem>>) target_semaphore(%run_scoped3A : memref<!tpu.dma_semaphore, #tpu.memory_space<semaphore_mem>>)
        %dma_wait3A_372 = tpu.memref_slice %arg2[%add3A_101] : memref<1000000xf32, #tpu.memory_space<hbm>> -> memref<1024xf32, #tpu.memory_space<hbm>>
        %dma_wait3A_373 = tpu.memref_slice %arg2[%add3A_101] : memref<1000000xf32, #tpu.memory_space<hbm>> -> memref<1024xf32, #tpu.memory_space<hbm>>
        tpu.wait_dma2 semaphore(%run_scoped3A : memref<!tpu.dma_semaphore, #tpu.memory_space<semaphore_mem>>) src(%dma_wait3A_373 : memref<1024xf32, #tpu.memory_space<hbm>>) dst(%arg9 : memref<1024xf32, #tpu.memory_space<vmem>>)
        tpu.yield
      }) : () -> ()
      %scan3A = arith.constant 0 : i32
      %scan3A_102 = arith.constant 0 : i32
      %scan3A_103 = arith.constant 64 : i32
      %scan3A_104 = arith.addi %scan3A_102, %scan3A_103 : i32
      %scan3A_105 = arith.constant 1 : i32
      %scan3A_106 = scf.for %scan3A_370 = %scan3A_102 to %scan3A_104 step %scan3A_105 iter_args(%scan3A_371 = %scan3A) -> (i32)  : i32 {
        %mul3A_372 = arith.constant 16 : i32
        %mul3A_373 = arith.muli %scan3A_370, %mul3A_372 : i32
        %get3A = arith.index_cast %mul3A_373 : i32 to index
        %get3A_374 = tpu.vector_load %arg9[%get3A] {strides = array<i32>} : memref<1024xf32, #tpu.memory_space<vmem>>, vector<16xf32>,
        %mul3A_375 = arith.mulf %get3A_374, %add3A_55 : vector<16xf32>
        %broadcast_in_dim3A_376 = arith.constant 0 : i32
        %broadcast_in_dim3A_377 = vector.broadcast %broadcast_in_dim3A_376 : i32 to vector<16xi32>
        %broadcast_in_dim3A_378 = arith.constant 62500 : i32
        %broadcast_in_dim3A_379 = vector.broadcast %broadcast_in_dim3A_378 : i32 to vector<16xi32>
        %scan3A_380 = arith.constant 0 : i32
        %scan3A_381 = arith.constant 16 : i32
        %scan3A_382 = arith.addi %scan3A_380, %scan3A_381 : i32
        %scan3A_383 = arith.constant 1 : i32
        %scan3A_384:2 = scf.for %scan3A_393 = %scan3A_380 to %scan3A_382 step %scan3A_383 iter_args(%scan3A_394 = %broadcast_in_dim3A_377, %scan3A_395 = %broadcast_in_dim3A_379) -> (vector<16xi32>, vector<16xi32>)  : i32 {
          %add3A_396 = arith.addi %scan3A_394, %scan3A_395 : vector<16xi32>
          %shift_right_arithmetic3A = arith.constant 1 : i32
          %shift_right_arithmetic3A_397 = vector.broadcast %shift_right_arithmetic3A : i32 to vector<16xi32>
          %shift_right_arithmetic3A_398 = arith.shrsi %add3A_396, %shift_right_arithmetic3A_397 : vector<16xi32>
          %min3A_399 = arith.constant 62499 : i32
          %min3A_400 = vector.broadcast %min3A_399 : i32 to vector<16xi32>
          %min3A_401 = arith.minsi %shift_right_arithmetic3A_398, %min3A_400 : vector<16xi32>
          %gather3A_402 = tpu.vector_load_idx %arg8[%min3A_401] : memref<62528xf32, #tpu.memory_space<vmem>>[vector<16xi32>], vector<16xf32>,
          %lt3A_403 = arith.cmpf olt, %gather3A_402, %mul3A_375 : vector<16xf32>
          %lt3A_404 = arith.cmpi slt, %scan3A_394, %scan3A_395 : vector<16xi32>
          %and3A_405 = arith.andi %lt3A_403, %lt3A_404 : vector<16xi1>
          %add3A_406 = arith.constant 1 : i32
          %add3A_407 = vector.broadcast %add3A_406 : i32 to vector<16xi32>
          %add3A_408 = arith.addi %shift_right_arithmetic3A_398, %add3A_407 : vector<16xi32>
          %select_n3A_409 = arith.select %and3A_405, %add3A_408, %scan3A_394 : vector<16xi1>, vector<16xi32>
          %lt3A_410 = arith.cmpi slt, %scan3A_394, %scan3A_395 : vector<16xi32>
          %lt3A_411 = arith.cmpf olt, %gather3A_402, %mul3A_375 : vector<16xf32>
          %not3A = arith.constant dense<true> : vector<16xi1>
          %not3A_412 = arith.xori %lt3A_411, %not3A : vector<16xi1>
          %and3A_413 = arith.andi %lt3A_410, %not3A_412 : vector<16xi1>
          %select_n3A_414 = arith.select %and3A_413, %shift_right_arithmetic3A_398, %scan3A_395 : vector<16xi1>, vector<16xi32>
          scf.yield %select_n3A_409, %select_n3A_414 : vector<16xi32>, vector<16xi32>
        }
        %scan3A_385 = arith.constant 16 : i32
        %min3A_386 = arith.constant 62499 : i32
        %min3A_387 = vector.broadcast %min3A_386 : i32 to vector<16xi32>
        %min3A_388 = arith.minsi %scan3A_384#0, %min3A_387 : vector<16xi32>
        %mul3A_389 = arith.constant 16 : i32
        %mul3A_390 = arith.muli %scan3A_370, %mul3A_389 : i32
        %swap3A = arith.index_cast %mul3A_390 : i32 to index
        %swap3A_391 = tpu.vector_load %arg10[%swap3A] {strides = array<i32>} : memref<1024xi32, #tpu.memory_space<vmem>>, vector<16xi32>,
        tpu.vector_store %arg10[%swap3A], %min3A_388 {strides = array<i32>} : memref<1024xi32, #tpu.memory_space<vmem>>, vector<16xi32>,
        %scan3A_392 = arith.constant 0 : i32
        scf.yield %scan3A_392 : i32
      }
      %scan3A_107 = arith.constant 64 : i32
      %dma_start3A = arith.constant 0 : i32
      %dma_start3A_108 = arith.constant 0 : i32
      %dma_start3A_109 = tpu.memref_slice %arg11[%dma_start3A, %dma_start3A_108] : memref<1024x16xf32, #tpu.memory_space<vmem>> -> memref<128x16xf32, #tpu.memory_space<vmem>>
      %dma_start3A_110 = arith.constant 0 : i32
      %dma_start3A_111 = tpu.memref_slice %arg10[%dma_start3A_110] : memref<1024xi32, #tpu.memory_space<vmem>> -> memref<128xi32, #tpu.memory_space<vmem>>
      %dma_start3A_112 = arith.constant 0 : i32
      %dma_start3A_113 = arith.constant 0 : i32
      %dma_start3A_114 = tpu.memref_slice %arg4[%dma_start3A_112, %dma_start3A_113] : memref<62500x16xf32, #tpu.memory_space<hbm>> -> memref<62500x16xf32, #tpu.memory_space<hbm>>
      tpu.enqueue_indirect_dma source(%dma_start3A_114 : memref<62500x16xf32, #tpu.memory_space<hbm>>) target(%dma_start3A_109 : memref<128x16xf32, #tpu.memory_space<vmem>>) offsets(%dma_start3A_111 : memref<128xi32, #tpu.memory_space<vmem>>) semaphore(%arg15 : memref<!tpu.dma_semaphore, #tpu.memory_space<semaphore_mem>>)
      %dma_start3A_115 = arith.constant 128 : i32
      %dma_start3A_116 = arith.constant 0 : i32
      %dma_start3A_117 = tpu.memref_slice %arg11[%dma_start3A_115, %dma_start3A_116] : memref<1024x16xf32, #tpu.memory_space<vmem>> -> memref<128x16xf32, #tpu.memory_space<vmem>>
      %dma_start3A_118 = arith.constant 128 : i32
      %dma_start3A_119 = tpu.memref_slice %arg10[%dma_start3A_118] : memref<1024xi32, #tpu.memory_space<vmem>> -> memref<128xi32, #tpu.memory_space<vmem>>
      %dma_start3A_120 = arith.constant 0 : i32
      %dma_start3A_121 = arith.constant 0 : i32
      %dma_start3A_122 = tpu.memref_slice %arg4[%dma_start3A_120, %dma_start3A_121] : memref<62500x16xf32, #tpu.memory_space<hbm>> -> memref<62500x16xf32, #tpu.memory_space<hbm>>
      tpu.enqueue_indirect_dma source(%dma_start3A_122 : memref<62500x16xf32, #tpu.memory_space<hbm>>) target(%dma_start3A_117 : memref<128x16xf32, #tpu.memory_space<vmem>>) offsets(%dma_start3A_119 : memref<128xi32, #tpu.memory_space<vmem>>) semaphore(%arg15 : memref<!tpu.dma_semaphore, #tpu.memory_space<semaphore_mem>>)
      %dma_start3A_123 = arith.constant 256 : i32
      %dma_start3A_124 = arith.constant 0 : i32
      %dma_start3A_125 = tpu.memref_slice %arg11[%dma_start3A_123, %dma_start3A_124] : memref<1024x16xf32, #tpu.memory_space<vmem>> -> memref<128x16xf32, #tpu.memory_space<vmem>>
      %dma_start3A_126 = arith.constant 256 : i32
      %dma_start3A_127 = tpu.memref_slice %arg10[%dma_start3A_126] : memref<1024xi32, #tpu.memory_space<vmem>> -> memref<128xi32, #tpu.memory_space<vmem>>
      %dma_start3A_128 = arith.constant 0 : i32
      %dma_start3A_129 = arith.constant 0 : i32
      %dma_start3A_130 = tpu.memref_slice %arg4[%dma_start3A_128, %dma_start3A_129] : memref<62500x16xf32, #tpu.memory_space<hbm>> -> memref<62500x16xf32, #tpu.memory_space<hbm>>
      tpu.enqueue_indirect_dma source(%dma_start3A_130 : memref<62500x16xf32, #tpu.memory_space<hbm>>) target(%dma_start3A_125 : memref<128x16xf32, #tpu.memory_space<vmem>>) offsets(%dma_start3A_127 : memref<128xi32, #tpu.memory_space<vmem>>) semaphore(%arg15 : memref<!tpu.dma_semaphore, #tpu.memory_space<semaphore_mem>>)
      %dma_start3A_131 = arith.constant 384 : i32
      %dma_start3A_132 = arith.constant 0 : i32
      %dma_start3A_133 = tpu.memref_slice %arg11[%dma_start3A_131, %dma_start3A_132] : memref<1024x16xf32, #tpu.memory_space<vmem>> -> memref<128x16xf32, #tpu.memory_space<vmem>>
      %dma_start3A_134 = arith.constant 384 : i32
      %dma_start3A_135 = tpu.memref_slice %arg10[%dma_start3A_134] : memref<1024xi32, #tpu.memory_space<vmem>> -> memref<128xi32, #tpu.memory_space<vmem>>
      %dma_start3A_136 = arith.constant 0 : i32
      %dma_start3A_137 = arith.constant 0 : i32
      %dma_start3A_138 = tpu.memref_slice %arg4[%dma_start3A_136, %dma_start3A_137] : memref<62500x16xf32, #tpu.memory_space<hbm>> -> memref<62500x16xf32, #tpu.memory_space<hbm>>
      tpu.enqueue_indirect_dma source(%dma_start3A_138 : memref<62500x16xf32, #tpu.memory_space<hbm>>) target(%dma_start3A_133 : memref<128x16xf32, #tpu.memory_space<vmem>>) offsets(%dma_start3A_135 : memref<128xi32, #tpu.memory_space<vmem>>) semaphore(%arg15 : memref<!tpu.dma_semaphore, #tpu.memory_space<semaphore_mem>>)
      %dma_start3A_139 = arith.constant 512 : i32
      %dma_start3A_140 = arith.constant 0 : i32
      %dma_start3A_141 = tpu.memref_slice %arg11[%dma_start3A_139, %dma_start3A_140] : memref<1024x16xf32, #tpu.memory_space<vmem>> -> memref<128x16xf32, #tpu.memory_space<vmem>>
      %dma_start3A_142 = arith.constant 512 : i32
      %dma_start3A_143 = tpu.memref_slice %arg10[%dma_start3A_142] : memref<1024xi32, #tpu.memory_space<vmem>> -> memref<128xi32, #tpu.memory_space<vmem>>
      %dma_start3A_144 = arith.constant 0 : i32
      %dma_start3A_145 = arith.constant 0 : i32
      %dma_start3A_146 = tpu.memref_slice %arg4[%dma_start3A_144, %dma_start3A_145] : memref<62500x16xf32, #tpu.memory_space<hbm>> -> memref<62500x16xf32, #tpu.memory_space<hbm>>
      tpu.enqueue_indirect_dma source(%dma_start3A_146 : memref<62500x16xf32, #tpu.memory_space<hbm>>) target(%dma_start3A_141 : memref<128x16xf32, #tpu.memory_space<vmem>>) offsets(%dma_start3A_143 : memref<128xi32, #tpu.memory_space<vmem>>) semaphore(%arg15 : memref<!tpu.dma_semaphore, #tpu.memory_space<semaphore_mem>>)
      %dma_start3A_147 = arith.constant 640 : i32
      %dma_start3A_148 = arith.constant 0 : i32
      %dma_start3A_149 = tpu.memref_slice %arg11[%dma_start3A_147, %dma_start3A_148] : memref<1024x16xf32, #tpu.memory_space<vmem>> -> memref<128x16xf32, #tpu.memory_space<vmem>>
      %dma_start3A_150 = arith.constant 640 : i32
      %dma_start3A_151 = tpu.memref_slice %arg10[%dma_start3A_150] : memref<1024xi32, #tpu.memory_space<vmem>> -> memref<128xi32, #tpu.memory_space<vmem>>
      %dma_start3A_152 = arith.constant 0 : i32
      %dma_start3A_153 = arith.constant 0 : i32
      %dma_start3A_154 = tpu.memref_slice %arg4[%dma_start3A_152, %dma_start3A_153] : memref<62500x16xf32, #tpu.memory_space<hbm>> -> memref<62500x16xf32, #tpu.memory_space<hbm>>
      tpu.enqueue_indirect_dma source(%dma_start3A_154 : memref<62500x16xf32, #tpu.memory_space<hbm>>) target(%dma_start3A_149 : memref<128x16xf32, #tpu.memory_space<vmem>>) offsets(%dma_start3A_151 : memref<128xi32, #tpu.memory_space<vmem>>) semaphore(%arg15 : memref<!tpu.dma_semaphore, #tpu.memory_space<semaphore_mem>>)
      %dma_start3A_155 = arith.constant 768 : i32
      %dma_start3A_156 = arith.constant 0 : i32
      %dma_start3A_157 = tpu.memref_slice %arg11[%dma_start3A_155, %dma_start3A_156] : memref<1024x16xf32, #tpu.memory_space<vmem>> -> memref<128x16xf32, #tpu.memory_space<vmem>>
      %dma_start3A_158 = arith.constant 768 : i32
      %dma_start3A_159 = tpu.memref_slice %arg10[%dma_start3A_158] : memref<1024xi32, #tpu.memory_space<vmem>> -> memref<128xi32, #tpu.memory_space<vmem>>
      %dma_start3A_160 = arith.constant 0 : i32
      %dma_start3A_161 = arith.constant 0 : i32
      %dma_start3A_162 = tpu.memref_slice %arg4[%dma_start3A_160, %dma_start3A_161] : memref<62500x16xf32, #tpu.memory_space<hbm>> -> memref<62500x16xf32, #tpu.memory_space<hbm>>
      tpu.enqueue_indirect_dma source(%dma_start3A_162 : memref<62500x16xf32, #tpu.memory_space<hbm>>) target(%dma_start3A_157 : memref<128x16xf32, #tpu.memory_space<vmem>>) offsets(%dma_start3A_159 : memref<128xi32, #tpu.memory_space<vmem>>) semaphore(%arg15 : memref<!tpu.dma_semaphore, #tpu.memory_space<semaphore_mem>>)
      %dma_start3A_163 = arith.constant 896 : i32
      %dma_start3A_164 = arith.constant 0 : i32
      %dma_start3A_165 = tpu.memref_slice %arg11[%dma_start3A_163, %dma_start3A_164] : memref<1024x16xf32, #tpu.memory_space<vmem>> -> memref<128x16xf32, #tpu.memory_space<vmem>>
      %dma_start3A_166 = arith.constant 896 : i32
      %dma_start3A_167 = tpu.memref_slice %arg10[%dma_start3A_166] : memref<1024xi32, #tpu.memory_space<vmem>> -> memref<128xi32, #tpu.memory_space<vmem>>
      %dma_start3A_168 = arith.constant 0 : i32
      %dma_start3A_169 = arith.constant 0 : i32
      %dma_start3A_170 = tpu.memref_slice %arg4[%dma_start3A_168, %dma_start3A_169] : memref<62500x16xf32, #tpu.memory_space<hbm>> -> memref<62500x16xf32, #tpu.memory_space<hbm>>
      tpu.enqueue_indirect_dma source(%dma_start3A_170 : memref<62500x16xf32, #tpu.memory_space<hbm>>) target(%dma_start3A_165 : memref<128x16xf32, #tpu.memory_space<vmem>>) offsets(%dma_start3A_167 : memref<128xi32, #tpu.memory_space<vmem>>) semaphore(%arg15 : memref<!tpu.dma_semaphore, #tpu.memory_space<semaphore_mem>>)
      %dma_wait3A = arith.constant 0 : i32
      %dma_wait3A_171 = arith.constant 0 : i32
      %dma_wait3A_172 = tpu.memref_slice %arg11[%dma_wait3A, %dma_wait3A_171] : memref<1024x16xf32, #tpu.memory_space<vmem>> -> memref<128x16xf32, #tpu.memory_space<vmem>>
      %dma_wait3A_173 = arith.constant 0 : i32
      %dma_wait3A_174 = tpu.memref_slice %arg10[%dma_wait3A_173] : memref<1024xi32, #tpu.memory_space<vmem>> -> memref<128xi32, #tpu.memory_space<vmem>>
      %dma_wait3A_175 = arith.constant 0 : i32
      %dma_wait3A_176 = arith.constant 0 : i32
      %dma_wait3A_177 = tpu.memref_slice %arg4[%dma_wait3A_175, %dma_wait3A_176] : memref<62500x16xf32, #tpu.memory_space<hbm>> -> memref<62500x16xf32, #tpu.memory_space<hbm>>
      tpu.wait_indirect_dma semaphore(%arg15 : memref<!tpu.dma_semaphore, #tpu.memory_space<semaphore_mem>>) src(%dma_wait3A_177 : memref<62500x16xf32, #tpu.memory_space<hbm>>) dst(%dma_wait3A_172 : memref<128x16xf32, #tpu.memory_space<vmem>>)
      %dma_wait3A_178 = arith.constant 128 : i32
      %dma_wait3A_179 = arith.constant 0 : i32
      %dma_wait3A_180 = tpu.memref_slice %arg11[%dma_wait3A_178, %dma_wait3A_179] : memref<1024x16xf32, #tpu.memory_space<vmem>> -> memref<128x16xf32, #tpu.memory_space<vmem>>
      %dma_wait3A_181 = arith.constant 128 : i32
      %dma_wait3A_182 = tpu.memref_slice %arg10[%dma_wait3A_181] : memref<1024xi32, #tpu.memory_space<vmem>> -> memref<128xi32, #tpu.memory_space<vmem>>
      %dma_wait3A_183 = arith.constant 0 : i32
      %dma_wait3A_184 = arith.constant 0 : i32
      %dma_wait3A_185 = tpu.memref_slice %arg4[%dma_wait3A_183, %dma_wait3A_184] : memref<62500x16xf32, #tpu.memory_space<hbm>> -> memref<62500x16xf32, #tpu.memory_space<hbm>>
      tpu.wait_indirect_dma semaphore(%arg15 : memref<!tpu.dma_semaphore, #tpu.memory_space<semaphore_mem>>) src(%dma_wait3A_185 : memref<62500x16xf32, #tpu.memory_space<hbm>>) dst(%dma_wait3A_180 : memref<128x16xf32, #tpu.memory_space<vmem>>)
      %dma_wait3A_186 = arith.constant 256 : i32
      %dma_wait3A_187 = arith.constant 0 : i32
      %dma_wait3A_188 = tpu.memref_slice %arg11[%dma_wait3A_186, %dma_wait3A_187] : memref<1024x16xf32, #tpu.memory_space<vmem>> -> memref<128x16xf32, #tpu.memory_space<vmem>>
      %dma_wait3A_189 = arith.constant 256 : i32
      %dma_wait3A_190 = tpu.memref_slice %arg10[%dma_wait3A_189] : memref<1024xi32, #tpu.memory_space<vmem>> -> memref<128xi32, #tpu.memory_space<vmem>>
      %dma_wait3A_191 = arith.constant 0 : i32
      %dma_wait3A_192 = arith.constant 0 : i32
      %dma_wait3A_193 = tpu.memref_slice %arg4[%dma_wait3A_191, %dma_wait3A_192] : memref<62500x16xf32, #tpu.memory_space<hbm>> -> memref<62500x16xf32, #tpu.memory_space<hbm>>
      tpu.wait_indirect_dma semaphore(%arg15 : memref<!tpu.dma_semaphore, #tpu.memory_space<semaphore_mem>>) src(%dma_wait3A_193 : memref<62500x16xf32, #tpu.memory_space<hbm>>) dst(%dma_wait3A_188 : memref<128x16xf32, #tpu.memory_space<vmem>>)
      %dma_wait3A_194 = arith.constant 384 : i32
      %dma_wait3A_195 = arith.constant 0 : i32
      %dma_wait3A_196 = tpu.memref_slice %arg11[%dma_wait3A_194, %dma_wait3A_195] : memref<1024x16xf32, #tpu.memory_space<vmem>> -> memref<128x16xf32, #tpu.memory_space<vmem>>
      %dma_wait3A_197 = arith.constant 384 : i32
      %dma_wait3A_198 = tpu.memref_slice %arg10[%dma_wait3A_197] : memref<1024xi32, #tpu.memory_space<vmem>> -> memref<128xi32, #tpu.memory_space<vmem>>
      %dma_wait3A_199 = arith.constant 0 : i32
      %dma_wait3A_200 = arith.constant 0 : i32
      %dma_wait3A_201 = tpu.memref_slice %arg4[%dma_wait3A_199, %dma_wait3A_200] : memref<62500x16xf32, #tpu.memory_space<hbm>> -> memref<62500x16xf32, #tpu.memory_space<hbm>>
      tpu.wait_indirect_dma semaphore(%arg15 : memref<!tpu.dma_semaphore, #tpu.memory_space<semaphore_mem>>) src(%dma_wait3A_201 : memref<62500x16xf32, #tpu.memory_space<hbm>>) dst(%dma_wait3A_196 : memref<128x16xf32, #tpu.memory_space<vmem>>)
      %dma_wait3A_202 = arith.constant 512 : i32
      %dma_wait3A_203 = arith.constant 0 : i32
      %dma_wait3A_204 = tpu.memref_slice %arg11[%dma_wait3A_202, %dma_wait3A_203] : memref<1024x16xf32, #tpu.memory_space<vmem>> -> memref<128x16xf32, #tpu.memory_space<vmem>>
      %dma_wait3A_205 = arith.constant 512 : i32
      %dma_wait3A_206 = tpu.memref_slice %arg10[%dma_wait3A_205] : memref<1024xi32, #tpu.memory_space<vmem>> -> memref<128xi32, #tpu.memory_space<vmem>>
      %dma_wait3A_207 = arith.constant 0 : i32
      %dma_wait3A_208 = arith.constant 0 : i32
      %dma_wait3A_209 = tpu.memref_slice %arg4[%dma_wait3A_207, %dma_wait3A_208] : memref<62500x16xf32, #tpu.memory_space<hbm>> -> memref<62500x16xf32, #tpu.memory_space<hbm>>
      tpu.wait_indirect_dma semaphore(%arg15 : memref<!tpu.dma_semaphore, #tpu.memory_space<semaphore_mem>>) src(%dma_wait3A_209 : memref<62500x16xf32, #tpu.memory_space<hbm>>) dst(%dma_wait3A_204 : memref<128x16xf32, #tpu.memory_space<vmem>>)
      %dma_wait3A_210 = arith.constant 640 : i32
      %dma_wait3A_211 = arith.constant 0 : i32
      %dma_wait3A_212 = tpu.memref_slice %arg11[%dma_wait3A_210, %dma_wait3A_211] : memref<1024x16xf32, #tpu.memory_space<vmem>> -> memref<128x16xf32, #tpu.memory_space<vmem>>
      %dma_wait3A_213 = arith.constant 640 : i32
      %dma_wait3A_214 = tpu.memref_slice %arg10[%dma_wait3A_213] : memref<1024xi32, #tpu.memory_space<vmem>> -> memref<128xi32, #tpu.memory_space<vmem>>
      %dma_wait3A_215 = arith.constant 0 : i32
      %dma_wait3A_216 = arith.constant 0 : i32
      %dma_wait3A_217 = tpu.memref_slice %arg4[%dma_wait3A_215, %dma_wait3A_216] : memref<62500x16xf32, #tpu.memory_space<hbm>> -> memref<62500x16xf32, #tpu.memory_space<hbm>>
      tpu.wait_indirect_dma semaphore(%arg15 : memref<!tpu.dma_semaphore, #tpu.memory_space<semaphore_mem>>) src(%dma_wait3A_217 : memref<62500x16xf32, #tpu.memory_space<hbm>>) dst(%dma_wait3A_212 : memref<128x16xf32, #tpu.memory_space<vmem>>)
      %dma_wait3A_218 = arith.constant 768 : i32
      %dma_wait3A_219 = arith.constant 0 : i32
      %dma_wait3A_220 = tpu.memref_slice %arg11[%dma_wait3A_218, %dma_wait3A_219] : memref<1024x16xf32, #tpu.memory_space<vmem>> -> memref<128x16xf32, #tpu.memory_space<vmem>>
      %dma_wait3A_221 = arith.constant 768 : i32
      %dma_wait3A_222 = tpu.memref_slice %arg10[%dma_wait3A_221] : memref<1024xi32, #tpu.memory_space<vmem>> -> memref<128xi32, #tpu.memory_space<vmem>>
      %dma_wait3A_223 = arith.constant 0 : i32
      %dma_wait3A_224 = arith.constant 0 : i32
      %dma_wait3A_225 = tpu.memref_slice %arg4[%dma_wait3A_223, %dma_wait3A_224] : memref<62500x16xf32, #tpu.memory_space<hbm>> -> memref<62500x16xf32, #tpu.memory_space<hbm>>
      tpu.wait_indirect_dma semaphore(%arg15 : memref<!tpu.dma_semaphore, #tpu.memory_space<semaphore_mem>>) src(%dma_wait3A_225 : memref<62500x16xf32, #tpu.memory_space<hbm>>) dst(%dma_wait3A_220 : memref<128x16xf32, #tpu.memory_space<vmem>>)
      %dma_wait3A_226 = arith.constant 896 : i32
      %dma_wait3A_227 = arith.constant 0 : i32
      %dma_wait3A_228 = tpu.memref_slice %arg11[%dma_wait3A_226, %dma_wait3A_227] : memref<1024x16xf32, #tpu.memory_space<vmem>> -> memref<128x16xf32, #tpu.memory_space<vmem>>
      %dma_wait3A_229 = arith.constant 896 : i32
      %dma_wait3A_230 = tpu.memref_slice %arg10[%dma_wait3A_229] : memref<1024xi32, #tpu.memory_space<vmem>> -> memref<128xi32, #tpu.memory_space<vmem>>
      %dma_wait3A_231 = arith.constant 0 : i32
      %dma_wait3A_232 = arith.constant 0 : i32
      %dma_wait3A_233 = tpu.memref_slice %arg4[%dma_wait3A_231, %dma_wait3A_232] : memref<62500x16xf32, #tpu.memory_space<hbm>> -> memref<62500x16xf32, #tpu.memory_space<hbm>>
      tpu.wait_indirect_dma semaphore(%arg15 : memref<!tpu.dma_semaphore, #tpu.memory_space<semaphore_mem>>) src(%dma_wait3A_233 : memref<62500x16xf32, #tpu.memory_space<hbm>>) dst(%dma_wait3A_228 : memref<128x16xf32, #tpu.memory_space<vmem>>)
      %scan3A_234 = arith.constant 0 : i32
      %scan3A_235 = arith.constant 0 : i32
      %scan3A_236 = arith.constant 64 : i32
      %scan3A_237 = arith.addi %scan3A_235, %scan3A_236 : i32
      %scan3A_238 = arith.constant 1 : i32
      %scan3A_239 = scf.for %scan3A_370 = %scan3A_235 to %scan3A_237 step %scan3A_238 iter_args(%scan3A_371 = %scan3A_234) -> (i32)  : i32 {
        %mul3A_372 = arith.constant 16 : i32
        %mul3A_373 = arith.muli %scan3A_370, %mul3A_372 : i32
        %get3A = arith.index_cast %mul3A_373 : i32 to index
        %get3A_374 = tpu.vector_load %arg9[%get3A] {strides = array<i32>} : memref<1024xf32, #tpu.memory_space<vmem>>, vector<16xf32>,
        %mul3A_375 = arith.mulf %get3A_374, %add3A_55 : vector<16xf32>
        %mul3A_376 = arith.constant 16 : i32
        %mul3A_377 = arith.muli %scan3A_370, %mul3A_376 : i32
        %get3A_378 = arith.index_cast %mul3A_377 : i32 to index
        %get3A_379 = tpu.vector_load %arg10[%get3A_378] {strides = array<i32>} : memref<1024xi32, #tpu.memory_space<vmem>>, vector<16xi32>,
        %mul3A_380 = arith.constant 16 : i32
        %mul3A_381 = arith.muli %scan3A_370, %mul3A_380 : i32
        %add3A_382 = vector.broadcast %mul3A_381 : i32 to vector<16xi32>
        %add3A_383 = arith.addi %add3A_382, %iota3A_83 : vector<16xi32>
        %broadcast_in_dim3A_384 = arith.constant 0 : i32
        %broadcast_in_dim3A_385 = vector.broadcast %broadcast_in_dim3A_384 : i32 to vector<16xi32>
        %broadcast_in_dim3A_386 = arith.constant 0 : i32
        %broadcast_in_dim3A_387 = vector.broadcast %broadcast_in_dim3A_386 : i32 to vector<16xi32>
        %gather3A_388 = tpu.vector_load_idx %arg11[%add3A_383, %broadcast_in_dim3A_387] : memref<1024x16xf32, #tpu.memory_space<vmem>>[vector<16xi32>, vector<16xi32>], vector<16xf32>,
        %lt3A_389 = arith.cmpf olt, %gather3A_388, %mul3A_375 : vector<16xf32>
        %jit3A_390 = arith.constant 1 : i32
        %jit3A_391 = arith.constant 0 : i32
        %broadcast_in_dim3A_392 = vector.broadcast %jit3A_390 : i32 to vector<16xi32>
        %broadcast_in_dim3A_393 = vector.broadcast %jit3A_391 : i32 to vector<16xi32>
        %select_n3A_394 = arith.select %lt3A_389, %broadcast_in_dim3A_392, %broadcast_in_dim3A_393 : vector<16xi1>, vector<16xi32>
        %add3A_395 = arith.addi %broadcast_in_dim3A_385, %select_n3A_394 : vector<16xi32>
        %broadcast_in_dim3A_396 = arith.constant 1 : i32
        %broadcast_in_dim3A_397 = vector.broadcast %broadcast_in_dim3A_396 : i32 to vector<16xi32>
        %gather3A_398 = tpu.vector_load_idx %arg11[%add3A_383, %broadcast_in_dim3A_397] : memref<1024x16xf32, #tpu.memory_space<vmem>>[vector<16xi32>, vector<16xi32>], vector<16xf32>,
        %lt3A_399 = arith.cmpf olt, %gather3A_398, %mul3A_375 : vector<16xf32>
        %jit3A_400 = arith.constant 1 : i32
        %jit3A_401 = arith.constant 0 : i32
        %broadcast_in_dim3A_402 = vector.broadcast %jit3A_400 : i32 to vector<16xi32>
        %broadcast_in_dim3A_403 = vector.broadcast %jit3A_401 : i32 to vector<16xi32>
        %select_n3A_404 = arith.select %lt3A_399, %broadcast_in_dim3A_402, %broadcast_in_dim3A_403 : vector<16xi1>, vector<16xi32>
        %add3A_405 = arith.addi %add3A_395, %select_n3A_404 : vector<16xi32>
        %broadcast_in_dim3A_406 = arith.constant 2 : i32
        %broadcast_in_dim3A_407 = vector.broadcast %broadcast_in_dim3A_406 : i32 to vector<16xi32>
        %gather3A_408 = tpu.vector_load_idx %arg11[%add3A_383, %broadcast_in_dim3A_407] : memref<1024x16xf32, #tpu.memory_space<vmem>>[vector<16xi32>, vector<16xi32>], vector<16xf32>,
        %lt3A_409 = arith.cmpf olt, %gather3A_408, %mul3A_375 : vector<16xf32>
        %jit3A_410 = arith.constant 1 : i32
        %jit3A_411 = arith.constant 0 : i32
        %broadcast_in_dim3A_412 = vector.broadcast %jit3A_410 : i32 to vector<16xi32>
        %broadcast_in_dim3A_413 = vector.broadcast %jit3A_411 : i32 to vector<16xi32>
        %select_n3A_414 = arith.select %lt3A_409, %broadcast_in_dim3A_412, %broadcast_in_dim3A_413 : vector<16xi1>, vector<16xi32>
        %add3A_415 = arith.addi %add3A_405, %select_n3A_414 : vector<16xi32>
        %broadcast_in_dim3A_416 = arith.constant 3 : i32
        %broadcast_in_dim3A_417 = vector.broadcast %broadcast_in_dim3A_416 : i32 to vector<16xi32>
        %gather3A_418 = tpu.vector_load_idx %arg11[%add3A_383, %broadcast_in_dim3A_417] : memref<1024x16xf32, #tpu.memory_space<vmem>>[vector<16xi32>, vector<16xi32>], vector<16xf32>,
        %lt3A_419 = arith.cmpf olt, %gather3A_418, %mul3A_375 : vector<16xf32>
        %jit3A_420 = arith.constant 1 : i32
        %jit3A_421 = arith.constant 0 : i32
        %broadcast_in_dim3A_422 = vector.broadcast %jit3A_420 : i32 to vector<16xi32>
        %broadcast_in_dim3A_423 = vector.broadcast %jit3A_421 : i32 to vector<16xi32>
        %select_n3A_424 = arith.select %lt3A_419, %broadcast_in_dim3A_422, %broadcast_in_dim3A_423 : vector<16xi1>, vector<16xi32>
        %add3A_425 = arith.addi %add3A_415, %select_n3A_424 : vector<16xi32>
        %broadcast_in_dim3A_426 = arith.constant 4 : i32
        %broadcast_in_dim3A_427 = vector.broadcast %broadcast_in_dim3A_426 : i32 to vector<16xi32>
        %gather3A_428 = tpu.vector_load_idx %arg11[%add3A_383, %broadcast_in_dim3A_427] : memref<1024x16xf32, #tpu.memory_space<vmem>>[vector<16xi32>, vector<16xi32>], vector<16xf32>,
        %lt3A_429 = arith.cmpf olt, %gather3A_428, %mul3A_375 : vector<16xf32>
        %jit3A_430 = arith.constant 1 : i32
        %jit3A_431 = arith.constant 0 : i32
        %broadcast_in_dim3A_432 = vector.broadcast %jit3A_430 : i32 to vector<16xi32>
        %broadcast_in_dim3A_433 = vector.broadcast %jit3A_431 : i32 to vector<16xi32>
        %select_n3A_434 = arith.select %lt3A_429, %broadcast_in_dim3A_432, %broadcast_in_dim3A_433 : vector<16xi1>, vector<16xi32>
        %add3A_435 = arith.addi %add3A_425, %select_n3A_434 : vector<16xi32>
        %broadcast_in_dim3A_436 = arith.constant 5 : i32
        %broadcast_in_dim3A_437 = vector.broadcast %broadcast_in_dim3A_436 : i32 to vector<16xi32>
        %gather3A_438 = tpu.vector_load_idx %arg11[%add3A_383, %broadcast_in_dim3A_437] : memref<1024x16xf32, #tpu.memory_space<vmem>>[vector<16xi32>, vector<16xi32>], vector<16xf32>,
        %lt3A_439 = arith.cmpf olt, %gather3A_438, %mul3A_375 : vector<16xf32>
        %jit3A_440 = arith.constant 1 : i32
        %jit3A_441 = arith.constant 0 : i32
        %broadcast_in_dim3A_442 = vector.broadcast %jit3A_440 : i32 to vector<16xi32>
        %broadcast_in_dim3A_443 = vector.broadcast %jit3A_441 : i32 to vector<16xi32>
        %select_n3A_444 = arith.select %lt3A_439, %broadcast_in_dim3A_442, %broadcast_in_dim3A_443 : vector<16xi1>, vector<16xi32>
        %add3A_445 = arith.addi %add3A_435, %select_n3A_444 : vector<16xi32>
        %broadcast_in_dim3A_446 = arith.constant 6 : i32
        %broadcast_in_dim3A_447 = vector.broadcast %broadcast_in_dim3A_446 : i32 to vector<16xi32>
        %gather3A_448 = tpu.vector_load_idx %arg11[%add3A_383, %broadcast_in_dim3A_447] : memref<1024x16xf32, #tpu.memory_space<vmem>>[vector<16xi32>, vector<16xi32>], vector<16xf32>,
        %lt3A_449 = arith.cmpf olt, %gather3A_448, %mul3A_375 : vector<16xf32>
        %jit3A_450 = arith.constant 1 : i32
        %jit3A_451 = arith.constant 0 : i32
        %broadcast_in_dim3A_452 = vector.broadcast %jit3A_450 : i32 to vector<16xi32>
        %broadcast_in_dim3A_453 = vector.broadcast %jit3A_451 : i32 to vector<16xi32>
        %select_n3A_454 = arith.select %lt3A_449, %broadcast_in_dim3A_452, %broadcast_in_dim3A_453 : vector<16xi1>, vector<16xi32>
        %add3A_455 = arith.addi %add3A_445, %select_n3A_454 : vector<16xi32>
        %broadcast_in_dim3A_456 = arith.constant 7 : i32
        %broadcast_in_dim3A_457 = vector.broadcast %broadcast_in_dim3A_456 : i32 to vector<16xi32>
        %gather3A_458 = tpu.vector_load_idx %arg11[%add3A_383, %broadcast_in_dim3A_457] : memref<1024x16xf32, #tpu.memory_space<vmem>>[vector<16xi32>, vector<16xi32>], vector<16xf32>,
        %lt3A_459 = arith.cmpf olt, %gather3A_458, %mul3A_375 : vector<16xf32>
        %jit3A_460 = arith.constant 1 : i32
        %jit3A_461 = arith.constant 0 : i32
        %broadcast_in_dim3A_462 = vector.broadcast %jit3A_460 : i32 to vector<16xi32>
        %broadcast_in_dim3A_463 = vector.broadcast %jit3A_461 : i32 to vector<16xi32>
        %select_n3A_464 = arith.select %lt3A_459, %broadcast_in_dim3A_462, %broadcast_in_dim3A_463 : vector<16xi1>, vector<16xi32>
        %add3A_465 = arith.addi %add3A_455, %select_n3A_464 : vector<16xi32>
        %broadcast_in_dim3A_466 = arith.constant 8 : i32
        %broadcast_in_dim3A_467 = vector.broadcast %broadcast_in_dim3A_466 : i32 to vector<16xi32>
        %gather3A_468 = tpu.vector_load_idx %arg11[%add3A_383, %broadcast_in_dim3A_467] : memref<1024x16xf32, #tpu.memory_space<vmem>>[vector<16xi32>, vector<16xi32>], vector<16xf32>,
        %lt3A_469 = arith.cmpf olt, %gather3A_468, %mul3A_375 : vector<16xf32>
        %jit3A_470 = arith.constant 1 : i32
        %jit3A_471 = arith.constant 0 : i32
        %broadcast_in_dim3A_472 = vector.broadcast %jit3A_470 : i32 to vector<16xi32>
        %broadcast_in_dim3A_473 = vector.broadcast %jit3A_471 : i32 to vector<16xi32>
        %select_n3A_474 = arith.select %lt3A_469, %broadcast_in_dim3A_472, %broadcast_in_dim3A_473 : vector<16xi1>, vector<16xi32>
        %add3A_475 = arith.addi %add3A_465, %select_n3A_474 : vector<16xi32>
        %broadcast_in_dim3A_476 = arith.constant 9 : i32
        %broadcast_in_dim3A_477 = vector.broadcast %broadcast_in_dim3A_476 : i32 to vector<16xi32>
        %gather3A_478 = tpu.vector_load_idx %arg11[%add3A_383, %broadcast_in_dim3A_477] : memref<1024x16xf32, #tpu.memory_space<vmem>>[vector<16xi32>, vector<16xi32>], vector<16xf32>,
        %lt3A_479 = arith.cmpf olt, %gather3A_478, %mul3A_375 : vector<16xf32>
        %jit3A_480 = arith.constant 1 : i32
        %jit3A_481 = arith.constant 0 : i32
        %broadcast_in_dim3A_482 = vector.broadcast %jit3A_480 : i32 to vector<16xi32>
        %broadcast_in_dim3A_483 = vector.broadcast %jit3A_481 : i32 to vector<16xi32>
        %select_n3A_484 = arith.select %lt3A_479, %broadcast_in_dim3A_482, %broadcast_in_dim3A_483 : vector<16xi1>, vector<16xi32>
        %add3A_485 = arith.addi %add3A_475, %select_n3A_484 : vector<16xi32>
        %broadcast_in_dim3A_486 = arith.constant 10 : i32
        %broadcast_in_dim3A_487 = vector.broadcast %broadcast_in_dim3A_486 : i32 to vector<16xi32>
        %gather3A_488 = tpu.vector_load_idx %arg11[%add3A_383, %broadcast_in_dim3A_487] : memref<1024x16xf32, #tpu.memory_space<vmem>>[vector<16xi32>, vector<16xi32>], vector<16xf32>,
        %lt3A_489 = arith.cmpf olt, %gather3A_488, %mul3A_375 : vector<16xf32>
        %jit3A_490 = arith.constant 1 : i32
        %jit3A_491 = arith.constant 0 : i32
        %broadcast_in_dim3A_492 = vector.broadcast %jit3A_490 : i32 to vector<16xi32>
        %broadcast_in_dim3A_493 = vector.broadcast %jit3A_491 : i32 to vector<16xi32>
        %select_n3A_494 = arith.select %lt3A_489, %broadcast_in_dim3A_492, %broadcast_in_dim3A_493 : vector<16xi1>, vector<16xi32>
        %add3A_495 = arith.addi %add3A_485, %select_n3A_494 : vector<16xi32>
        %broadcast_in_dim3A_496 = arith.constant 11 : i32
        %broadcast_in_dim3A_497 = vector.broadcast %broadcast_in_dim3A_496 : i32 to vector<16xi32>
        %gather3A_498 = tpu.vector_load_idx %arg11[%add3A_383, %broadcast_in_dim3A_497] : memref<1024x16xf32, #tpu.memory_space<vmem>>[vector<16xi32>, vector<16xi32>], vector<16xf32>,
        %lt3A_499 = arith.cmpf olt, %gather3A_498, %mul3A_375 : vector<16xf32>
        %jit3A_500 = arith.constant 1 : i32
        %jit3A_501 = arith.constant 0 : i32
        %broadcast_in_dim3A_502 = vector.broadcast %jit3A_500 : i32 to vector<16xi32>
        %broadcast_in_dim3A_503 = vector.broadcast %jit3A_501 : i32 to vector<16xi32>
        %select_n3A_504 = arith.select %lt3A_499, %broadcast_in_dim3A_502, %broadcast_in_dim3A_503 : vector<16xi1>, vector<16xi32>
        %add3A_505 = arith.addi %add3A_495, %select_n3A_504 : vector<16xi32>
        %broadcast_in_dim3A_506 = arith.constant 12 : i32
        %broadcast_in_dim3A_507 = vector.broadcast %broadcast_in_dim3A_506 : i32 to vector<16xi32>
        %gather3A_508 = tpu.vector_load_idx %arg11[%add3A_383, %broadcast_in_dim3A_507] : memref<1024x16xf32, #tpu.memory_space<vmem>>[vector<16xi32>, vector<16xi32>], vector<16xf32>,
        %lt3A_509 = arith.cmpf olt, %gather3A_508, %mul3A_375 : vector<16xf32>
        %jit3A_510 = arith.constant 1 : i32
        %jit3A_511 = arith.constant 0 : i32
        %broadcast_in_dim3A_512 = vector.broadcast %jit3A_510 : i32 to vector<16xi32>
        %broadcast_in_dim3A_513 = vector.broadcast %jit3A_511 : i32 to vector<16xi32>
        %select_n3A_514 = arith.select %lt3A_509, %broadcast_in_dim3A_512, %broadcast_in_dim3A_513 : vector<16xi1>, vector<16xi32>
        %add3A_515 = arith.addi %add3A_505, %select_n3A_514 : vector<16xi32>
        %broadcast_in_dim3A_516 = arith.constant 13 : i32
        %broadcast_in_dim3A_517 = vector.broadcast %broadcast_in_dim3A_516 : i32 to vector<16xi32>
        %gather3A_518 = tpu.vector_load_idx %arg11[%add3A_383, %broadcast_in_dim3A_517] : memref<1024x16xf32, #tpu.memory_space<vmem>>[vector<16xi32>, vector<16xi32>], vector<16xf32>,
        %lt3A_519 = arith.cmpf olt, %gather3A_518, %mul3A_375 : vector<16xf32>
        %jit3A_520 = arith.constant 1 : i32
        %jit3A_521 = arith.constant 0 : i32
        %broadcast_in_dim3A_522 = vector.broadcast %jit3A_520 : i32 to vector<16xi32>
        %broadcast_in_dim3A_523 = vector.broadcast %jit3A_521 : i32 to vector<16xi32>
        %select_n3A_524 = arith.select %lt3A_519, %broadcast_in_dim3A_522, %broadcast_in_dim3A_523 : vector<16xi1>, vector<16xi32>
        %add3A_525 = arith.addi %add3A_515, %select_n3A_524 : vector<16xi32>
        %broadcast_in_dim3A_526 = arith.constant 14 : i32
        %broadcast_in_dim3A_527 = vector.broadcast %broadcast_in_dim3A_526 : i32 to vector<16xi32>
        %gather3A_528 = tpu.vector_load_idx %arg11[%add3A_383, %broadcast_in_dim3A_527] : memref<1024x16xf32, #tpu.memory_space<vmem>>[vector<16xi32>, vector<16xi32>], vector<16xf32>,
        %lt3A_529 = arith.cmpf olt, %gather3A_528, %mul3A_375 : vector<16xf32>
        %jit3A_530 = arith.constant 1 : i32
        %jit3A_531 = arith.constant 0 : i32
        %broadcast_in_dim3A_532 = vector.broadcast %jit3A_530 : i32 to vector<16xi32>
        %broadcast_in_dim3A_533 = vector.broadcast %jit3A_531 : i32 to vector<16xi32>
        %select_n3A_534 = arith.select %lt3A_529, %broadcast_in_dim3A_532, %broadcast_in_dim3A_533 : vector<16xi1>, vector<16xi32>
        %add3A_535 = arith.addi %add3A_525, %select_n3A_534 : vector<16xi32>
        %broadcast_in_dim3A_536 = arith.constant 15 : i32
        %broadcast_in_dim3A_537 = vector.broadcast %broadcast_in_dim3A_536 : i32 to vector<16xi32>
        %gather3A_538 = tpu.vector_load_idx %arg11[%add3A_383, %broadcast_in_dim3A_537] : memref<1024x16xf32, #tpu.memory_space<vmem>>[vector<16xi32>, vector<16xi32>], vector<16xf32>,
        %lt3A_539 = arith.cmpf olt, %gather3A_538, %mul3A_375 : vector<16xf32>
        %jit3A_540 = arith.constant 1 : i32
        %jit3A_541 = arith.constant 0 : i32
        %broadcast_in_dim3A_542 = vector.broadcast %jit3A_540 : i32 to vector<16xi32>
        %broadcast_in_dim3A_543 = vector.broadcast %jit3A_541 : i32 to vector<16xi32>
        %select_n3A_544 = arith.select %lt3A_539, %broadcast_in_dim3A_542, %broadcast_in_dim3A_543 : vector<16xi1>, vector<16xi32>
        %add3A_545 = arith.addi %add3A_535, %select_n3A_544 : vector<16xi32>
        %mul3A_546 = arith.constant 16 : i32
        %mul3A_547 = vector.broadcast %mul3A_546 : i32 to vector<16xi32>
        %mul3A_548 = arith.muli %get3A_379, %mul3A_547 : vector<16xi32>
        %add3A_549 = arith.addi %mul3A_548, %add3A_545 : vector<16xi32>
        %min3A_550 = arith.constant 999999 : i32
        %min3A_551 = vector.broadcast %min3A_550 : i32 to vector<16xi32>
        %min3A_552 = arith.minsi %add3A_549, %min3A_551 : vector<16xi32>
        %mul3A_553 = arith.constant 16 : i32
        %mul3A_554 = arith.muli %scan3A_370, %mul3A_553 : i32
        %swap3A = arith.index_cast %mul3A_554 : i32 to index
        %swap3A_555 = tpu.vector_load %arg12[%swap3A] {strides = array<i32>} : memref<1024xi32, #tpu.memory_space<vmem>>, vector<16xi32>,
        tpu.vector_store %arg12[%swap3A], %min3A_552 {strides = array<i32>} : memref<1024xi32, #tpu.memory_space<vmem>>, vector<16xi32>,
        %scan3A_556 = arith.constant 0 : i32
        scf.yield %scan3A_556 : i32
      }
      %scan3A_240 = arith.constant 64 : i32
      %dma_start3A_241 = arith.constant 0 : i32
      %dma_start3A_242 = arith.constant 0 : i32
      %dma_start3A_243 = tpu.memref_slice %arg13[%dma_start3A_241, %dma_start3A_242] : memref<1024x8xf32, #tpu.memory_space<vmem>> -> memref<128x8xf32, #tpu.memory_space<vmem>>
      %dma_start3A_244 = arith.constant 0 : i32
      %dma_start3A_245 = tpu.memref_slice %arg12[%dma_start3A_244] : memref<1024xi32, #tpu.memory_space<vmem>> -> memref<128xi32, #tpu.memory_space<vmem>>
      %dma_start3A_246 = arith.constant 0 : i32
      %dma_start3A_247 = arith.constant 0 : i32
      %dma_start3A_248 = tpu.memref_slice %arg6[%dma_start3A_246, %dma_start3A_247] : memref<1000000x8xf32, #tpu.memory_space<hbm>> -> memref<1000000x8xf32, #tpu.memory_space<hbm>>
      tpu.enqueue_indirect_dma source(%dma_start3A_248 : memref<1000000x8xf32, #tpu.memory_space<hbm>>) target(%dma_start3A_243 : memref<128x8xf32, #tpu.memory_space<vmem>>) offsets(%dma_start3A_245 : memref<128xi32, #tpu.memory_space<vmem>>) semaphore(%arg15 : memref<!tpu.dma_semaphore, #tpu.memory_space<semaphore_mem>>)
      %dma_start3A_249 = arith.constant 128 : i32
      %dma_start3A_250 = arith.constant 0 : i32
      %dma_start3A_251 = tpu.memref_slice %arg13[%dma_start3A_249, %dma_start3A_250] : memref<1024x8xf32, #tpu.memory_space<vmem>> -> memref<128x8xf32, #tpu.memory_space<vmem>>
      %dma_start3A_252 = arith.constant 128 : i32
      %dma_start3A_253 = tpu.memref_slice %arg12[%dma_start3A_252] : memref<1024xi32, #tpu.memory_space<vmem>> -> memref<128xi32, #tpu.memory_space<vmem>>
      %dma_start3A_254 = arith.constant 0 : i32
      %dma_start3A_255 = arith.constant 0 : i32
      %dma_start3A_256 = tpu.memref_slice %arg6[%dma_start3A_254, %dma_start3A_255] : memref<1000000x8xf32, #tpu.memory_space<hbm>> -> memref<1000000x8xf32, #tpu.memory_space<hbm>>
      tpu.enqueue_indirect_dma source(%dma_start3A_256 : memref<1000000x8xf32, #tpu.memory_space<hbm>>) target(%dma_start3A_251 : memref<128x8xf32, #tpu.memory_space<vmem>>) offsets(%dma_start3A_253 : memref<128xi32, #tpu.memory_space<vmem>>) semaphore(%arg15 : memref<!tpu.dma_semaphore, #tpu.memory_space<semaphore_mem>>)
      %dma_start3A_257 = arith.constant 256 : i32
      %dma_start3A_258 = arith.constant 0 : i32
      %dma_start3A_259 = tpu.memref_slice %arg13[%dma_start3A_257, %dma_start3A_258] : memref<1024x8xf32, #tpu.memory_space<vmem>> -> memref<128x8xf32, #tpu.memory_space<vmem>>
      %dma_start3A_260 = arith.constant 256 : i32
      %dma_start3A_261 = tpu.memref_slice %arg12[%dma_start3A_260] : memref<1024xi32, #tpu.memory_space<vmem>> -> memref<128xi32, #tpu.memory_space<vmem>>
      %dma_start3A_262 = arith.constant 0 : i32
      %dma_start3A_263 = arith.constant 0 : i32
      %dma_start3A_264 = tpu.memref_slice %arg6[%dma_start3A_262, %dma_start3A_263] : memref<1000000x8xf32, #tpu.memory_space<hbm>> -> memref<1000000x8xf32, #tpu.memory_space<hbm>>
      tpu.enqueue_indirect_dma source(%dma_start3A_264 : memref<1000000x8xf32, #tpu.memory_space<hbm>>) target(%dma_start3A_259 : memref<128x8xf32, #tpu.memory_space<vmem>>) offsets(%dma_start3A_261 : memref<128xi32, #tpu.memory_space<vmem>>) semaphore(%arg15 : memref<!tpu.dma_semaphore, #tpu.memory_space<semaphore_mem>>)
      %dma_start3A_265 = arith.constant 384 : i32
      %dma_start3A_266 = arith.constant 0 : i32
      %dma_start3A_267 = tpu.memref_slice %arg13[%dma_start3A_265, %dma_start3A_266] : memref<1024x8xf32, #tpu.memory_space<vmem>> -> memref<128x8xf32, #tpu.memory_space<vmem>>
      %dma_start3A_268 = arith.constant 384 : i32
      %dma_start3A_269 = tpu.memref_slice %arg12[%dma_start3A_268] : memref<1024xi32, #tpu.memory_space<vmem>> -> memref<128xi32, #tpu.memory_space<vmem>>
      %dma_start3A_270 = arith.constant 0 : i32
      %dma_start3A_271 = arith.constant 0 : i32
      %dma_start3A_272 = tpu.memref_slice %arg6[%dma_start3A_270, %dma_start3A_271] : memref<1000000x8xf32, #tpu.memory_space<hbm>> -> memref<1000000x8xf32, #tpu.memory_space<hbm>>
      tpu.enqueue_indirect_dma source(%dma_start3A_272 : memref<1000000x8xf32, #tpu.memory_space<hbm>>) target(%dma_start3A_267 : memref<128x8xf32, #tpu.memory_space<vmem>>) offsets(%dma_start3A_269 : memref<128xi32, #tpu.memory_space<vmem>>) semaphore(%arg15 : memref<!tpu.dma_semaphore, #tpu.memory_space<semaphore_mem>>)
      %dma_start3A_273 = arith.constant 512 : i32
      %dma_start3A_274 = arith.constant 0 : i32
      %dma_start3A_275 = tpu.memref_slice %arg13[%dma_start3A_273, %dma_start3A_274] : memref<1024x8xf32, #tpu.memory_space<vmem>> -> memref<128x8xf32, #tpu.memory_space<vmem>>
      %dma_start3A_276 = arith.constant 512 : i32
      %dma_start3A_277 = tpu.memref_slice %arg12[%dma_start3A_276] : memref<1024xi32, #tpu.memory_space<vmem>> -> memref<128xi32, #tpu.memory_space<vmem>>
      %dma_start3A_278 = arith.constant 0 : i32
      %dma_start3A_279 = arith.constant 0 : i32
      %dma_start3A_280 = tpu.memref_slice %arg6[%dma_start3A_278, %dma_start3A_279] : memref<1000000x8xf32, #tpu.memory_space<hbm>> -> memref<1000000x8xf32, #tpu.memory_space<hbm>>
      tpu.enqueue_indirect_dma source(%dma_start3A_280 : memref<1000000x8xf32, #tpu.memory_space<hbm>>) target(%dma_start3A_275 : memref<128x8xf32, #tpu.memory_space<vmem>>) offsets(%dma_start3A_277 : memref<128xi32, #tpu.memory_space<vmem>>) semaphore(%arg15 : memref<!tpu.dma_semaphore, #tpu.memory_space<semaphore_mem>>)
      %dma_start3A_281 = arith.constant 640 : i32
      %dma_start3A_282 = arith.constant 0 : i32
      %dma_start3A_283 = tpu.memref_slice %arg13[%dma_start3A_281, %dma_start3A_282] : memref<1024x8xf32, #tpu.memory_space<vmem>> -> memref<128x8xf32, #tpu.memory_space<vmem>>
      %dma_start3A_284 = arith.constant 640 : i32
      %dma_start3A_285 = tpu.memref_slice %arg12[%dma_start3A_284] : memref<1024xi32, #tpu.memory_space<vmem>> -> memref<128xi32, #tpu.memory_space<vmem>>
      %dma_start3A_286 = arith.constant 0 : i32
      %dma_start3A_287 = arith.constant 0 : i32
      %dma_start3A_288 = tpu.memref_slice %arg6[%dma_start3A_286, %dma_start3A_287] : memref<1000000x8xf32, #tpu.memory_space<hbm>> -> memref<1000000x8xf32, #tpu.memory_space<hbm>>
      tpu.enqueue_indirect_dma source(%dma_start3A_288 : memref<1000000x8xf32, #tpu.memory_space<hbm>>) target(%dma_start3A_283 : memref<128x8xf32, #tpu.memory_space<vmem>>) offsets(%dma_start3A_285 : memref<128xi32, #tpu.memory_space<vmem>>) semaphore(%arg15 : memref<!tpu.dma_semaphore, #tpu.memory_space<semaphore_mem>>)
      %dma_start3A_289 = arith.constant 768 : i32
      %dma_start3A_290 = arith.constant 0 : i32
      %dma_start3A_291 = tpu.memref_slice %arg13[%dma_start3A_289, %dma_start3A_290] : memref<1024x8xf32, #tpu.memory_space<vmem>> -> memref<128x8xf32, #tpu.memory_space<vmem>>
      %dma_start3A_292 = arith.constant 768 : i32
      %dma_start3A_293 = tpu.memref_slice %arg12[%dma_start3A_292] : memref<1024xi32, #tpu.memory_space<vmem>> -> memref<128xi32, #tpu.memory_space<vmem>>
      %dma_start3A_294 = arith.constant 0 : i32
      %dma_start3A_295 = arith.constant 0 : i32
      %dma_start3A_296 = tpu.memref_slice %arg6[%dma_start3A_294, %dma_start3A_295] : memref<1000000x8xf32, #tpu.memory_space<hbm>> -> memref<1000000x8xf32, #tpu.memory_space<hbm>>
      tpu.enqueue_indirect_dma source(%dma_start3A_296 : memref<1000000x8xf32, #tpu.memory_space<hbm>>) target(%dma_start3A_291 : memref<128x8xf32, #tpu.memory_space<vmem>>) offsets(%dma_start3A_293 : memref<128xi32, #tpu.memory_space<vmem>>) semaphore(%arg15 : memref<!tpu.dma_semaphore, #tpu.memory_space<semaphore_mem>>)
      %dma_start3A_297 = arith.constant 896 : i32
      %dma_start3A_298 = arith.constant 0 : i32
      %dma_start3A_299 = tpu.memref_slice %arg13[%dma_start3A_297, %dma_start3A_298] : memref<1024x8xf32, #tpu.memory_space<vmem>> -> memref<128x8xf32, #tpu.memory_space<vmem>>
      %dma_start3A_300 = arith.constant 896 : i32
      %dma_start3A_301 = tpu.memref_slice %arg12[%dma_start3A_300] : memref<1024xi32, #tpu.memory_space<vmem>> -> memref<128xi32, #tpu.memory_space<vmem>>
      %dma_start3A_302 = arith.constant 0 : i32
      %dma_start3A_303 = arith.constant 0 : i32
      %dma_start3A_304 = tpu.memref_slice %arg6[%dma_start3A_302, %dma_start3A_303] : memref<1000000x8xf32, #tpu.memory_space<hbm>> -> memref<1000000x8xf32, #tpu.memory_space<hbm>>
      tpu.enqueue_indirect_dma source(%dma_start3A_304 : memref<1000000x8xf32, #tpu.memory_space<hbm>>) target(%dma_start3A_299 : memref<128x8xf32, #tpu.memory_space<vmem>>) offsets(%dma_start3A_301 : memref<128xi32, #tpu.memory_space<vmem>>) semaphore(%arg15 : memref<!tpu.dma_semaphore, #tpu.memory_space<semaphore_mem>>)
      %dma_wait3A_305 = arith.constant 0 : i32
      %dma_wait3A_306 = arith.constant 0 : i32
      %dma_wait3A_307 = tpu.memref_slice %arg13[%dma_wait3A_305, %dma_wait3A_306] : memref<1024x8xf32, #tpu.memory_space<vmem>> -> memref<128x8xf32, #tpu.memory_space<vmem>>
      %dma_wait3A_308 = arith.constant 0 : i32
      %dma_wait3A_309 = tpu.memref_slice %arg12[%dma_wait3A_308] : memref<1024xi32, #tpu.memory_space<vmem>> -> memref<128xi32, #tpu.memory_space<vmem>>
      %dma_wait3A_310 = arith.constant 0 : i32
      %dma_wait3A_311 = arith.constant 0 : i32
      %dma_wait3A_312 = tpu.memref_slice %arg6[%dma_wait3A_310, %dma_wait3A_311] : memref<1000000x8xf32, #tpu.memory_space<hbm>> -> memref<1000000x8xf32, #tpu.memory_space<hbm>>
      tpu.wait_indirect_dma semaphore(%arg15 : memref<!tpu.dma_semaphore, #tpu.memory_space<semaphore_mem>>) src(%dma_wait3A_312 : memref<1000000x8xf32, #tpu.memory_space<hbm>>) dst(%dma_wait3A_307 : memref<128x8xf32, #tpu.memory_space<vmem>>)
      %dma_wait3A_313 = arith.constant 128 : i32
      %dma_wait3A_314 = arith.constant 0 : i32
      %dma_wait3A_315 = tpu.memref_slice %arg13[%dma_wait3A_313, %dma_wait3A_314] : memref<1024x8xf32, #tpu.memory_space<vmem>> -> memref<128x8xf32, #tpu.memory_space<vmem>>
      %dma_wait3A_316 = arith.constant 128 : i32
      %dma_wait3A_317 = tpu.memref_slice %arg12[%dma_wait3A_316] : memref<1024xi32, #tpu.memory_space<vmem>> -> memref<128xi32, #tpu.memory_space<vmem>>
      %dma_wait3A_318 = arith.constant 0 : i32
      %dma_wait3A_319 = arith.constant 0 : i32
      %dma_wait3A_320 = tpu.memref_slice %arg6[%dma_wait3A_318, %dma_wait3A_319] : memref<1000000x8xf32, #tpu.memory_space<hbm>> -> memref<1000000x8xf32, #tpu.memory_space<hbm>>
      tpu.wait_indirect_dma semaphore(%arg15 : memref<!tpu.dma_semaphore, #tpu.memory_space<semaphore_mem>>) src(%dma_wait3A_320 : memref<1000000x8xf32, #tpu.memory_space<hbm>>) dst(%dma_wait3A_315 : memref<128x8xf32, #tpu.memory_space<vmem>>)
      %dma_wait3A_321 = arith.constant 256 : i32
      %dma_wait3A_322 = arith.constant 0 : i32
      %dma_wait3A_323 = tpu.memref_slice %arg13[%dma_wait3A_321, %dma_wait3A_322] : memref<1024x8xf32, #tpu.memory_space<vmem>> -> memref<128x8xf32, #tpu.memory_space<vmem>>
      %dma_wait3A_324 = arith.constant 256 : i32
      %dma_wait3A_325 = tpu.memref_slice %arg12[%dma_wait3A_324] : memref<1024xi32, #tpu.memory_space<vmem>> -> memref<128xi32, #tpu.memory_space<vmem>>
      %dma_wait3A_326 = arith.constant 0 : i32
      %dma_wait3A_327 = arith.constant 0 : i32
      %dma_wait3A_328 = tpu.memref_slice %arg6[%dma_wait3A_326, %dma_wait3A_327] : memref<1000000x8xf32, #tpu.memory_space<hbm>> -> memref<1000000x8xf32, #tpu.memory_space<hbm>>
      tpu.wait_indirect_dma semaphore(%arg15 : memref<!tpu.dma_semaphore, #tpu.memory_space<semaphore_mem>>) src(%dma_wait3A_328 : memref<1000000x8xf32, #tpu.memory_space<hbm>>) dst(%dma_wait3A_323 : memref<128x8xf32, #tpu.memory_space<vmem>>)
      %dma_wait3A_329 = arith.constant 384 : i32
      %dma_wait3A_330 = arith.constant 0 : i32
      %dma_wait3A_331 = tpu.memref_slice %arg13[%dma_wait3A_329, %dma_wait3A_330] : memref<1024x8xf32, #tpu.memory_space<vmem>> -> memref<128x8xf32, #tpu.memory_space<vmem>>
      %dma_wait3A_332 = arith.constant 384 : i32
      %dma_wait3A_333 = tpu.memref_slice %arg12[%dma_wait3A_332] : memref<1024xi32, #tpu.memory_space<vmem>> -> memref<128xi32, #tpu.memory_space<vmem>>
      %dma_wait3A_334 = arith.constant 0 : i32
      %dma_wait3A_335 = arith.constant 0 : i32
      %dma_wait3A_336 = tpu.memref_slice %arg6[%dma_wait3A_334, %dma_wait3A_335] : memref<1000000x8xf32, #tpu.memory_space<hbm>> -> memref<1000000x8xf32, #tpu.memory_space<hbm>>
      tpu.wait_indirect_dma semaphore(%arg15 : memref<!tpu.dma_semaphore, #tpu.memory_space<semaphore_mem>>) src(%dma_wait3A_336 : memref<1000000x8xf32, #tpu.memory_space<hbm>>) dst(%dma_wait3A_331 : memref<128x8xf32, #tpu.memory_space<vmem>>)
      %dma_wait3A_337 = arith.constant 512 : i32
      %dma_wait3A_338 = arith.constant 0 : i32
      %dma_wait3A_339 = tpu.memref_slice %arg13[%dma_wait3A_337, %dma_wait3A_338] : memref<1024x8xf32, #tpu.memory_space<vmem>> -> memref<128x8xf32, #tpu.memory_space<vmem>>
      %dma_wait3A_340 = arith.constant 512 : i32
      %dma_wait3A_341 = tpu.memref_slice %arg12[%dma_wait3A_340] : memref<1024xi32, #tpu.memory_space<vmem>> -> memref<128xi32, #tpu.memory_space<vmem>>
      %dma_wait3A_342 = arith.constant 0 : i32
      %dma_wait3A_343 = arith.constant 0 : i32
      %dma_wait3A_344 = tpu.memref_slice %arg6[%dma_wait3A_342, %dma_wait3A_343] : memref<1000000x8xf32, #tpu.memory_space<hbm>> -> memref<1000000x8xf32, #tpu.memory_space<hbm>>
      tpu.wait_indirect_dma semaphore(%arg15 : memref<!tpu.dma_semaphore, #tpu.memory_space<semaphore_mem>>) src(%dma_wait3A_344 : memref<1000000x8xf32, #tpu.memory_space<hbm>>) dst(%dma_wait3A_339 : memref<128x8xf32, #tpu.memory_space<vmem>>)
      %dma_wait3A_345 = arith.constant 640 : i32
      %dma_wait3A_346 = arith.constant 0 : i32
      %dma_wait3A_347 = tpu.memref_slice %arg13[%dma_wait3A_345, %dma_wait3A_346] : memref<1024x8xf32, #tpu.memory_space<vmem>> -> memref<128x8xf32, #tpu.memory_space<vmem>>
      %dma_wait3A_348 = arith.constant 640 : i32
      %dma_wait3A_349 = tpu.memref_slice %arg12[%dma_wait3A_348] : memref<1024xi32, #tpu.memory_space<vmem>> -> memref<128xi32, #tpu.memory_space<vmem>>
      %dma_wait3A_350 = arith.constant 0 : i32
      %dma_wait3A_351 = arith.constant 0 : i32
      %dma_wait3A_352 = tpu.memref_slice %arg6[%dma_wait3A_350, %dma_wait3A_351] : memref<1000000x8xf32, #tpu.memory_space<hbm>> -> memref<1000000x8xf32, #tpu.memory_space<hbm>>
      tpu.wait_indirect_dma semaphore(%arg15 : memref<!tpu.dma_semaphore, #tpu.memory_space<semaphore_mem>>) src(%dma_wait3A_352 : memref<1000000x8xf32, #tpu.memory_space<hbm>>) dst(%dma_wait3A_347 : memref<128x8xf32, #tpu.memory_space<vmem>>)
      %dma_wait3A_353 = arith.constant 768 : i32
      %dma_wait3A_354 = arith.constant 0 : i32
      %dma_wait3A_355 = tpu.memref_slice %arg13[%dma_wait3A_353, %dma_wait3A_354] : memref<1024x8xf32, #tpu.memory_space<vmem>> -> memref<128x8xf32, #tpu.memory_space<vmem>>
      %dma_wait3A_356 = arith.constant 768 : i32
      %dma_wait3A_357 = tpu.memref_slice %arg12[%dma_wait3A_356] : memref<1024xi32, #tpu.memory_space<vmem>> -> memref<128xi32, #tpu.memory_space<vmem>>
      %dma_wait3A_358 = arith.constant 0 : i32
      %dma_wait3A_359 = arith.constant 0 : i32
      %dma_wait3A_360 = tpu.memref_slice %arg6[%dma_wait3A_358, %dma_wait3A_359] : memref<1000000x8xf32, #tpu.memory_space<hbm>> -> memref<1000000x8xf32, #tpu.memory_space<hbm>>
      tpu.wait_indirect_dma semaphore(%arg15 : memref<!tpu.dma_semaphore, #tpu.memory_space<semaphore_mem>>) src(%dma_wait3A_360 : memref<1000000x8xf32, #tpu.memory_space<hbm>>) dst(%dma_wait3A_355 : memref<128x8xf32, #tpu.memory_space<vmem>>)
      %dma_wait3A_361 = arith.constant 896 : i32
      %dma_wait3A_362 = arith.constant 0 : i32
      %dma_wait3A_363 = tpu.memref_slice %arg13[%dma_wait3A_361, %dma_wait3A_362] : memref<1024x8xf32, #tpu.memory_space<vmem>> -> memref<128x8xf32, #tpu.memory_space<vmem>>
      %dma_wait3A_364 = arith.constant 896 : i32
      %dma_wait3A_365 = tpu.memref_slice %arg12[%dma_wait3A_364] : memref<1024xi32, #tpu.memory_space<vmem>> -> memref<128xi32, #tpu.memory_space<vmem>>
      %dma_wait3A_366 = arith.constant 0 : i32
      %dma_wait3A_367 = arith.constant 0 : i32
      %dma_wait3A_368 = tpu.memref_slice %arg6[%dma_wait3A_366, %dma_wait3A_367] : memref<1000000x8xf32, #tpu.memory_space<hbm>> -> memref<1000000x8xf32, #tpu.memory_space<hbm>>
      tpu.wait_indirect_dma semaphore(%arg15 : memref<!tpu.dma_semaphore, #tpu.memory_space<semaphore_mem>>) src(%dma_wait3A_368 : memref<1000000x8xf32, #tpu.memory_space<hbm>>) dst(%dma_wait3A_363 : memref<128x8xf32, #tpu.memory_space<vmem>>)
      "tpu.region"() ({
        %run_scoped3A = tpu.sem_alloc : memref<!tpu.dma_semaphore, #tpu.memory_space<semaphore_mem>>
        %dma_start3A_370 = arith.constant 0 : i32
        %dma_start3A_371 = tpu.memref_slice %arg7[%add3A_101, %dma_start3A_370] : memref<1000000x8xf32, #tpu.memory_space<hbm>> -> memref<1024x8xf32, #tpu.memory_space<hbm>>
        %dma_start3A_372 = arith.constant 0 : i32
        %dma_start3A_373 = tpu.memref_slice %arg7[%add3A_101, %dma_start3A_372] : memref<1000000x8xf32, #tpu.memory_space<hbm>> -> memref<1024x8xf32, #tpu.memory_space<hbm>>
        tpu.enqueue_dma source(%arg13 : memref<1024x8xf32, #tpu.memory_space<vmem>>) target(%dma_start3A_373 : memref<1024x8xf32, #tpu.memory_space<hbm>>) target_semaphore(%run_scoped3A : memref<!tpu.dma_semaphore, #tpu.memory_space<semaphore_mem>>)
        %dma_wait3A_374 = arith.constant 0 : i32
        %dma_wait3A_375 = tpu.memref_slice %arg7[%add3A_101, %dma_wait3A_374] : memref<1000000x8xf32, #tpu.memory_space<hbm>> -> memref<1024x8xf32, #tpu.memory_space<hbm>>
        %dma_wait3A_376 = arith.constant 0 : i32
        %dma_wait3A_377 = tpu.memref_slice %arg7[%add3A_101, %dma_wait3A_376] : memref<1000000x8xf32, #tpu.memory_space<hbm>> -> memref<1024x8xf32, #tpu.memory_space<hbm>>
        tpu.wait_dma2 semaphore(%run_scoped3A : memref<!tpu.dma_semaphore, #tpu.memory_space<semaphore_mem>>) src(%arg13 : memref<1024x8xf32, #tpu.memory_space<vmem>>) dst(%dma_wait3A_377 : memref<1024x8xf32, #tpu.memory_space<hbm>>)
        tpu.yield
      }) : () -> ()
      %while3A_369 = arith.constant 0 : i32
      scf.yield %while3A_369 : i32
    }
    return
  }
}

module attributes {stable_mosaic.version = 14 : i64} {
  func.func @_max_body(%arg0: memref<1000x1000xf32, #tpu.memory_space<vmem>>, %arg1: memref<1x1xf32, #tpu.memory_space<smem>>) attributes {dimension_semantics = [], scalar_prefetch = 0 : i64, scratch_operands = 0 : i64, tpu.core_type = #tpu.core_type<tc>} {
    %get3A = arith.constant 0 : index
    %get3A_0 = arith.constant 0 : index
    %get3A_1 = vector.load %arg0[%get3A, %get3A_0] : memref<1000x1000xf32, #tpu.memory_space<vmem>>, vector<1000x1000xf32>
    %reduce_max3A = vector.shape_cast %get3A_1 : vector<1000x1000xf32> to vector<1x1000x1000xf32>
    %reduce_max3A_2 = arith.constant dense<0xFF800000> : vector<1xf32>
    %reduce_max3A_3 = vector.multi_reduction <maximumf>, %reduce_max3A, %reduce_max3A_2 [1, 2] : vector<1x1000x1000xf32> to vector<1xf32>
    %reduce_max3A_4 = vector.shape_cast %reduce_max3A_3 : vector<1xf32> to vector<1x1x1xf32>
    %reduce_max3A_5 = vector.extract %reduce_max3A_4[0, 0, 0] : f32 from vector<1x1x1xf32>
    %swap3A = arith.constant 0 : index
    %swap3A_6 = arith.constant 0 : index
    %swap3A_7 = memref.load %arg1[%swap3A, %swap3A_6] : memref<1x1xf32, #tpu.memory_space<smem>>
    memref.store %reduce_max3A_5, %arg1[%swap3A, %swap3A_6] : memref<1x1xf32, #tpu.memory_space<smem>>
    return
  }
}

module attributes {stable_mosaic.version = 14 : i64} {
  func.func @_moments_body(%arg0: i32, %arg1: memref<3125x128xf32, #tpu.memory_space<vmem>>, %arg2: memref<3125x128xf32, #tpu.memory_space<vmem>>, %arg3: memref<128x128xf32, #tpu.memory_space<vmem>>, %arg4: memref<128x64xf32, #tpu.memory_space<vmem>>, %arg5: memref<64x16xf32, #tpu.memory_space<vmem>>, %arg6: memref<16x128xf32, #tpu.memory_space<vmem>>, %arg7: memref<1x64xf32, #tpu.memory_space<vmem>>, %arg8: memref<1x2xf32, #tpu.memory_space<smem>>, %arg9: memref<1x8xf32, #tpu.memory_space<vmem>>, %arg10: memref<8x8xf32, #tpu.memory_space<vmem>>, %arg11: memref<1x1xf32, #tpu.memory_space<smem>>, %arg12: memref<1x1xf32, #tpu.memory_space<smem>>, %arg13: memref<1x128xf32, #tpu.memory_space<vmem>>, %arg14: memref<128x128xf32, #tpu.memory_space<vmem>>) attributes {dimension_semantics = [#tpu.dimension_semantics<arbitrary>], iteration_bounds = array<i64: 20>, scalar_prefetch = 0 : i64, scratch_operands = 4 : i64, tpu.core_type = #tpu.core_type<tc>, window_params = [{transform_indices = @transform_0, window_bounds = array<i64: 3125, 128>}, {transform_indices = @transform_1, window_bounds = array<i64: 3125, 128>}, {pipeline_mode = #tpu.pipeline_mode<synchronous>, transform_indices = @transform_2, window_bounds = array<i64: 128, 128>}, {pipeline_mode = #tpu.pipeline_mode<synchronous>, transform_indices = @transform_3, window_bounds = array<i64: 128, 64>}, {pipeline_mode = #tpu.pipeline_mode<synchronous>, transform_indices = @transform_4, window_bounds = array<i64: 64, 16>}, {pipeline_mode = #tpu.pipeline_mode<synchronous>, transform_indices = @transform_5, window_bounds = array<i64: 16, 128>}, {pipeline_mode = #tpu.pipeline_mode<synchronous>, transform_indices = @transform_6, window_bounds = array<i64: 1, 64>}, {transform_indices = @transform_7, window_bounds = array<i64: 1, 2>}, {pipeline_mode = #tpu.pipeline_mode<synchronous>, transform_indices = @transform_8, window_bounds = array<i64: 1, 8>}, {pipeline_mode = #tpu.pipeline_mode<synchronous>, transform_indices = @transform_9, window_bounds = array<i64: 8, 8>}]} {
    %eq3A = arith.constant 0 : i32
    %eq3A_0 = arith.cmpi eq, %arg0, %eq3A : i32
    %convert_element_type3A = arith.extui %eq3A_0 : i1 to i32
    %cond3A = arith.constant 0 : i32
    %cond3A_1 = arith.cmpi ne, %convert_element_type3A, %cond3A : i32
    scf.if %cond3A_1 {
      %swap3A_94 = arith.constant 0xFF800000 : f32
      %swap3A_95 = arith.constant 0 : index
      %swap3A_96 = arith.constant 0 : index
      %swap3A_97 = memref.load %arg11[%swap3A_95, %swap3A_96] : memref<1x1xf32, #tpu.memory_space<smem>>
      memref.store %swap3A_94, %arg11[%swap3A_95, %swap3A_96] : memref<1x1xf32, #tpu.memory_space<smem>>
      %swap3A_98 = arith.constant 0.000000e+00 : f32
      %swap3A_99 = arith.constant 0 : index
      %swap3A_100 = arith.constant 0 : index
      %swap3A_101 = memref.load %arg12[%swap3A_99, %swap3A_100] : memref<1x1xf32, #tpu.memory_space<smem>>
      memref.store %swap3A_98, %arg12[%swap3A_99, %swap3A_100] : memref<1x1xf32, #tpu.memory_space<smem>>
      %broadcast_in_dim3A_102 = arith.constant 0.000000e+00 : f32
      %broadcast_in_dim3A_103 = vector.broadcast %broadcast_in_dim3A_102 : f32 to vector<1x128xf32>
      %swap3A_104 = arith.constant 0 : index
      %swap3A_105 = arith.constant 0 : index
      %swap3A_106 = vector.load %arg13[%swap3A_104, %swap3A_105] : memref<1x128xf32, #tpu.memory_space<vmem>>, vector<1x128xf32>
      tpu.vector_store %arg13[%swap3A_104, %swap3A_105], %broadcast_in_dim3A_103 {strides = array<i32>} : memref<1x128xf32, #tpu.memory_space<vmem>>, vector<1x128xf32>,
      %broadcast_in_dim3A_107 = arith.constant 0.000000e+00 : f32
      %broadcast_in_dim3A_108 = vector.broadcast %broadcast_in_dim3A_107 : f32 to vector<128x128xf32>
      %swap3A_109 = arith.constant 0 : index
      %swap3A_110 = arith.constant 0 : index
      %swap3A_111 = vector.load %arg14[%swap3A_109, %swap3A_110] : memref<128x128xf32, #tpu.memory_space<vmem>>, vector<128x128xf32>
      tpu.vector_store %arg14[%swap3A_109, %swap3A_110], %broadcast_in_dim3A_108 {strides = array<i32>} : memref<128x128xf32, #tpu.memory_space<vmem>>, vector<128x128xf32>,
    } else {
    }
    %get3A = arith.constant 0 : index
    %get3A_2 = arith.constant 0 : index
    %get3A_3 = memref.load %arg8[%get3A, %get3A_2] : memref<1x2xf32, #tpu.memory_space<smem>>
    %get3A_4 = arith.constant 0 : index
    %get3A_5 = arith.constant 1 : index
    %get3A_6 = memref.load %arg8[%get3A_4, %get3A_5] : memref<1x2xf32, #tpu.memory_space<smem>>
    %get3A_7 = arith.constant 0 : index
    %get3A_8 = arith.constant 0 : index
    %get3A_9 = vector.load %arg1[%get3A_7, %get3A_8] : memref<3125x128xf32, #tpu.memory_space<vmem>>, vector<3125x128xf32>
    %get3A_10 = arith.constant 0 : index
    %get3A_11 = arith.constant 0 : index
    %get3A_12 = vector.load %arg3[%get3A_10, %get3A_11] : memref<128x128xf32, #tpu.memory_space<vmem>>, vector<128x128xf32>
    %dot_general3A = arith.constant dense<0.000000e+00> : vector<3125x128xf32>
    %dot_general3A_13 = tpu.matmul %get3A_9, %get3A_12, %dot_general3A {dimension_numbers = #tpu.dot_dimension_numbers<[1], [0], [0], [1], [0, 0, 1, 1], [], []>, transpose_lhs_hint = false} : vector<3125x128xf32>, vector<128x128xf32>, vector<3125x128xf32> -> vector<3125x128xf32>
    %get3A_14 = arith.constant 0 : index
    %get3A_15 = arith.constant 0 : index
    %get3A_16 = vector.load %arg2[%get3A_14, %get3A_15] : memref<3125x128xf32, #tpu.memory_space<vmem>>, vector<3125x128xf32>
    %mul3A = vector.broadcast %get3A_3 : f32 to vector<3125x128xf32>
    %mul3A_17 = arith.mulf %mul3A, %get3A_16 : vector<3125x128xf32>
    %add3A = arith.addf %dot_general3A_13, %mul3A_17 : vector<3125x128xf32>
    %get3A_18 = arith.constant 0 : index
    %get3A_19 = arith.constant 0 : index
    %get3A_20 = vector.load %arg7[%get3A_18, %get3A_19] : memref<1x64xf32, #tpu.memory_space<vmem>>, vector<1x64xf32>
    %get3A_21 = arith.constant 0 : index
    %get3A_22 = arith.constant 0 : index
    %get3A_23 = vector.load %arg4[%get3A_21, %get3A_22] : memref<128x64xf32, #tpu.memory_space<vmem>>, vector<128x64xf32>
    %dot_general3A_24 = arith.constant dense<0.000000e+00> : vector<3125x64xf32>
    %dot_general3A_25 = tpu.matmul %add3A, %get3A_23, %dot_general3A_24 {dimension_numbers = #tpu.dot_dimension_numbers<[1], [0], [0], [1], [0, 0, 1, 1], [], []>, transpose_lhs_hint = false} : vector<3125x128xf32>, vector<128x64xf32>, vector<3125x64xf32> -> vector<3125x64xf32>
    %sub3A = vector.broadcast %get3A_20 : vector<1x64xf32> to vector<3125x64xf32>
    %sub3A_26 = arith.subf %sub3A, %dot_general3A_25 : vector<3125x64xf32>
    %mul3A_27 = arith.mulf %sub3A_26, %sub3A_26 : vector<3125x64xf32>
    %get3A_28 = arith.constant 0 : index
    %get3A_29 = arith.constant 0 : index
    %get3A_30 = vector.load %arg5[%get3A_28, %get3A_29] : memref<64x16xf32, #tpu.memory_space<vmem>>, vector<64x16xf32>
    %dot_general3A_31 = arith.constant dense<0.000000e+00> : vector<3125x16xf32>
    %dot_general3A_32 = tpu.matmul %mul3A_27, %get3A_30, %dot_general3A_31 {dimension_numbers = #tpu.dot_dimension_numbers<[1], [0], [0], [1], [0, 0, 1, 1], [], []>, transpose_lhs_hint = false} : vector<3125x64xf32>, vector<64x16xf32>, vector<3125x16xf32> -> vector<3125x16xf32>
    %neg3A = arith.constant 0.000000e+00 : f32
    %neg3A_33 = arith.subf %neg3A, %get3A_6 : f32
    %mul3A_34 = vector.broadcast %neg3A_33 : f32 to vector<3125x16xf32>
    %mul3A_35 = arith.mulf %mul3A_34, %dot_general3A_32 : vector<3125x16xf32>
    %get3A_36 = arith.constant 0 : index
    %get3A_37 = arith.constant 0 : index
    %get3A_38 = memref.load %arg11[%get3A_36, %get3A_37] : memref<1x1xf32, #tpu.memory_space<smem>>
    %reduce_max3A = vector.shape_cast %mul3A_35 : vector<3125x16xf32> to vector<1x3125x16xf32>
    %reduce_max3A_39 = arith.constant dense<0xFF800000> : vector<1xf32>
    %reduce_max3A_40 = vector.multi_reduction <maximumf>, %reduce_max3A, %reduce_max3A_39 [1, 2] : vector<1x3125x16xf32> to vector<1xf32>
    %reduce_max3A_41 = vector.shape_cast %reduce_max3A_40 : vector<1xf32> to vector<1x1x1xf32>
    %reduce_max3A_42 = vector.extract %reduce_max3A_41[0, 0, 0] : f32 from vector<1x1x1xf32>
    %max3A = arith.maximumf %get3A_38, %reduce_max3A_42 : f32
    %sub3A_43 = arith.subf %get3A_38, %max3A : f32
    %exp3A = math.exp %sub3A_43 : f32
    %sub3A_44 = vector.broadcast %max3A : f32 to vector<3125x16xf32>
    %sub3A_45 = arith.subf %mul3A_35, %sub3A_44 : vector<3125x16xf32>
    %exp3A_46 = math.exp %sub3A_45 : vector<3125x16xf32>
    %get3A_47 = arith.constant 0 : index
    %get3A_48 = arith.constant 0 : index
    %get3A_49 = vector.load %arg6[%get3A_47, %get3A_48] : memref<16x128xf32, #tpu.memory_space<vmem>>, vector<16x128xf32>
    %dot_general3A_50 = arith.constant dense<0.000000e+00> : vector<3125x128xf32>
    %dot_general3A_51 = tpu.matmul %exp3A_46, %get3A_49, %dot_general3A_50 {dimension_numbers = #tpu.dot_dimension_numbers<[1], [0], [0], [1], [0, 0, 1, 1], [], []>, transpose_lhs_hint = false} : vector<3125x16xf32>, vector<16x128xf32>, vector<3125x128xf32> -> vector<3125x128xf32>
    %mul3A_52 = arith.mulf %add3A, %dot_general3A_51 : vector<3125x128xf32>
    %swap3A = arith.constant 0 : index
    %swap3A_53 = arith.constant 0 : index
    %swap3A_54 = memref.load %arg11[%swap3A, %swap3A_53] : memref<1x1xf32, #tpu.memory_space<smem>>
    memref.store %max3A, %arg11[%swap3A, %swap3A_53] : memref<1x1xf32, #tpu.memory_space<smem>>
    %get3A_55 = arith.constant 0 : index
    %get3A_56 = arith.constant 0 : index
    %get3A_57 = memref.load %arg12[%get3A_55, %get3A_56] : memref<1x1xf32, #tpu.memory_space<smem>>
    %mul3A_58 = arith.mulf %get3A_57, %exp3A : f32
    %reduce_sum3A = vector.shape_cast %exp3A_46 : vector<3125x16xf32> to vector<1x3125x16xf32>
    %reduce_sum3A_59 = arith.constant dense<0.000000e+00> : vector<1xf32>
    %reduce_sum3A_60 = vector.multi_reduction <add>, %reduce_sum3A, %reduce_sum3A_59 [1, 2] : vector<1x3125x16xf32> to vector<1xf32>
    %reduce_sum3A_61 = vector.shape_cast %reduce_sum3A_60 : vector<1xf32> to vector<1x1x1xf32>
    %reduce_sum3A_62 = vector.extract %reduce_sum3A_61[0, 0, 0] : f32 from vector<1x1x1xf32>
    %add3A_63 = arith.addf %mul3A_58, %reduce_sum3A_62 : f32
    %swap3A_64 = arith.constant 0 : index
    %swap3A_65 = arith.constant 0 : index
    %swap3A_66 = memref.load %arg12[%swap3A_64, %swap3A_65] : memref<1x1xf32, #tpu.memory_space<smem>>
    memref.store %add3A_63, %arg12[%swap3A_64, %swap3A_65] : memref<1x1xf32, #tpu.memory_space<smem>>
    %get3A_67 = arith.constant 0 : index
    %get3A_68 = arith.constant 0 : index
    %get3A_69 = vector.load %arg13[%get3A_67, %get3A_68] : memref<1x128xf32, #tpu.memory_space<vmem>>, vector<1x128xf32>
    %mul3A_70 = vector.broadcast %exp3A : f32 to vector<1x128xf32>
    %mul3A_71 = arith.mulf %get3A_69, %mul3A_70 : vector<1x128xf32>
    %reduce_sum3A_72 = arith.constant dense<0.000000e+00> : vector<128xf32>
    %reduce_sum3A_73 = vector.multi_reduction <add>, %mul3A_52, %reduce_sum3A_72 [0] : vector<3125x128xf32> to vector<128xf32>
    %broadcast_in_dim3A = vector.shape_cast %reduce_sum3A_73 : vector<128xf32> to vector<1x128xf32>
    %add3A_74 = arith.addf %mul3A_71, %broadcast_in_dim3A : vector<1x128xf32>
    %swap3A_75 = arith.constant 0 : index
    %swap3A_76 = arith.constant 0 : index
    %swap3A_77 = vector.load %arg13[%swap3A_75, %swap3A_76] : memref<1x128xf32, #tpu.memory_space<vmem>>, vector<1x128xf32>
    tpu.vector_store %arg13[%swap3A_75, %swap3A_76], %add3A_74 {strides = array<i32>} : memref<1x128xf32, #tpu.memory_space<vmem>>, vector<1x128xf32>,
    %get3A_78 = arith.constant 0 : index
    %get3A_79 = arith.constant 0 : index
    %get3A_80 = vector.load %arg14[%get3A_78, %get3A_79] : memref<128x128xf32, #tpu.memory_space<vmem>>, vector<128x128xf32>
    %mul3A_81 = vector.broadcast %exp3A : f32 to vector<128x128xf32>
    %mul3A_82 = arith.mulf %get3A_80, %mul3A_81 : vector<128x128xf32>
    %dot_general3A_83 = arith.constant dense<0.000000e+00> : vector<128x128xf32>
    %dot_general3A_84 = tpu.matmul %mul3A_52, %add3A, %dot_general3A_83 {dimension_numbers = #tpu.dot_dimension_numbers<[0], [0], [1], [1], [0, 1, 1, 1], [], []>, transpose_lhs_hint = false} : vector<3125x128xf32>, vector<3125x128xf32>, vector<128x128xf32> -> vector<128x128xf32>
    %add3A_85 = arith.addf %mul3A_82, %dot_general3A_84 : vector<128x128xf32>
    %swap3A_86 = arith.constant 0 : index
    %swap3A_87 = arith.constant 0 : index
    %swap3A_88 = vector.load %arg14[%swap3A_86, %swap3A_87] : memref<128x128xf32, #tpu.memory_space<vmem>>, vector<128x128xf32>
    tpu.vector_store %arg14[%swap3A_86, %swap3A_87], %add3A_85 {strides = array<i32>} : memref<128x128xf32, #tpu.memory_space<vmem>>, vector<128x128xf32>,
    %eq3A_89 = arith.constant 19 : i32
    %eq3A_90 = arith.cmpi eq, %arg0, %eq3A_89 : i32
    %convert_element_type3A_91 = arith.extui %eq3A_90 : i1 to i32
    %cond3A_92 = arith.constant 0 : i32
    %cond3A_93 = arith.cmpi ne, %convert_element_type3A_91, %cond3A_92 : i32
    scf.if %cond3A_93 {
      %get3A_94 = arith.constant 0 : index
      %get3A_95 = arith.constant 0 : index
      %get3A_96 = memref.load %arg12[%get3A_94, %get3A_95] : memref<1x1xf32, #tpu.memory_space<smem>>
      %get3A_97 = arith.constant 0 : index
      %get3A_98 = arith.constant 0 : index
      %get3A_99 = vector.load %arg13[%get3A_97, %get3A_98] : memref<1x128xf32, #tpu.memory_space<vmem>>, vector<1x128xf32>
      %broadcast_in_dim3A_100 = arith.constant 0.000000e+00 : f32
      %broadcast_in_dim3A_101 = vector.broadcast %broadcast_in_dim3A_100 : f32 to vector<1x8xf32>
      %broadcast_in_dim3A_102 = arith.constant 0.000000e+00 : f32
      %broadcast_in_dim3A_103 = vector.broadcast %broadcast_in_dim3A_102 : f32 to vector<8x8xf32>
      %slice3A = vector.extract_strided_slice %get3A_99 {offsets = [0, 0], sizes = [1, 8], strides = [1, 1]} : vector<1x128xf32> to vector<1x8xf32>
      %add3A_104 = arith.addf %broadcast_in_dim3A_101, %slice3A : vector<1x8xf32>
      %get3A_105 = arith.constant 0 : index
      %get3A_106 = arith.constant 0 : index
      %get3A_107 = vector.load %arg14[%get3A_105, %get3A_106] : memref<128x128xf32, #tpu.memory_space<vmem>>, vector<8x8xf32>
      %add3A_108 = arith.addf %broadcast_in_dim3A_103, %get3A_107 : vector<8x8xf32>
      %slice3A_109 = vector.extract_strided_slice %get3A_99 {offsets = [0, 8], sizes = [1, 8], strides = [1, 1]} : vector<1x128xf32> to vector<1x8xf32>
      %add3A_110 = arith.addf %add3A_104, %slice3A_109 : vector<1x8xf32>
      %get3A_111 = arith.constant 8 : index
      %get3A_112 = arith.constant 8 : index
      %get3A_113 = vector.load %arg14[%get3A_111, %get3A_112] : memref<128x128xf32, #tpu.memory_space<vmem>>, vector<8x8xf32>
      %add3A_114 = arith.addf %add3A_108, %get3A_113 : vector<8x8xf32>
      %slice3A_115 = vector.extract_strided_slice %get3A_99 {offsets = [0, 16], sizes = [1, 8], strides = [1, 1]} : vector<1x128xf32> to vector<1x8xf32>
      %add3A_116 = arith.addf %add3A_110, %slice3A_115 : vector<1x8xf32>
      %get3A_117 = arith.constant 16 : index
      %get3A_118 = arith.constant 16 : index
      %get3A_119 = vector.load %arg14[%get3A_117, %get3A_118] : memref<128x128xf32, #tpu.memory_space<vmem>>, vector<8x8xf32>
      %add3A_120 = arith.addf %add3A_114, %get3A_119 : vector<8x8xf32>
      %slice3A_121 = vector.extract_strided_slice %get3A_99 {offsets = [0, 24], sizes = [1, 8], strides = [1, 1]} : vector<1x128xf32> to vector<1x8xf32>
      %add3A_122 = arith.addf %add3A_116, %slice3A_121 : vector<1x8xf32>
      %get3A_123 = arith.constant 24 : index
      %get3A_124 = arith.constant 24 : index
      %get3A_125 = vector.load %arg14[%get3A_123, %get3A_124] : memref<128x128xf32, #tpu.memory_space<vmem>>, vector<8x8xf32>
      %add3A_126 = arith.addf %add3A_120, %get3A_125 : vector<8x8xf32>
      %slice3A_127 = vector.extract_strided_slice %get3A_99 {offsets = [0, 32], sizes = [1, 8], strides = [1, 1]} : vector<1x128xf32> to vector<1x8xf32>
      %add3A_128 = arith.addf %add3A_122, %slice3A_127 : vector<1x8xf32>
      %get3A_129 = arith.constant 32 : index
      %get3A_130 = arith.constant 32 : index
      %get3A_131 = vector.load %arg14[%get3A_129, %get3A_130] : memref<128x128xf32, #tpu.memory_space<vmem>>, vector<8x8xf32>
      %add3A_132 = arith.addf %add3A_126, %get3A_131 : vector<8x8xf32>
      %slice3A_133 = vector.extract_strided_slice %get3A_99 {offsets = [0, 40], sizes = [1, 8], strides = [1, 1]} : vector<1x128xf32> to vector<1x8xf32>
      %add3A_134 = arith.addf %add3A_128, %slice3A_133 : vector<1x8xf32>
      %get3A_135 = arith.constant 40 : index
      %get3A_136 = arith.constant 40 : index
      %get3A_137 = vector.load %arg14[%get3A_135, %get3A_136] : memref<128x128xf32, #tpu.memory_space<vmem>>, vector<8x8xf32>
      %add3A_138 = arith.addf %add3A_132, %get3A_137 : vector<8x8xf32>
      %slice3A_139 = vector.extract_strided_slice %get3A_99 {offsets = [0, 48], sizes = [1, 8], strides = [1, 1]} : vector<1x128xf32> to vector<1x8xf32>
      %add3A_140 = arith.addf %add3A_134, %slice3A_139 : vector<1x8xf32>
      %get3A_141 = arith.constant 48 : index
      %get3A_142 = arith.constant 48 : index
      %get3A_143 = vector.load %arg14[%get3A_141, %get3A_142] : memref<128x128xf32, #tpu.memory_space<vmem>>, vector<8x8xf32>
      %add3A_144 = arith.addf %add3A_138, %get3A_143 : vector<8x8xf32>
      %slice3A_145 = vector.extract_strided_slice %get3A_99 {offsets = [0, 56], sizes = [1, 8], strides = [1, 1]} : vector<1x128xf32> to vector<1x8xf32>
      %add3A_146 = arith.addf %add3A_140, %slice3A_145 : vector<1x8xf32>
      %get3A_147 = arith.constant 56 : index
      %get3A_148 = arith.constant 56 : index
      %get3A_149 = vector.load %arg14[%get3A_147, %get3A_148] : memref<128x128xf32, #tpu.memory_space<vmem>>, vector<8x8xf32>
      %add3A_150 = arith.addf %add3A_144, %get3A_149 : vector<8x8xf32>
      %slice3A_151 = vector.extract_strided_slice %get3A_99 {offsets = [0, 64], sizes = [1, 8], strides = [1, 1]} : vector<1x128xf32> to vector<1x8xf32>
      %add3A_152 = arith.addf %add3A_146, %slice3A_151 : vector<1x8xf32>
      %get3A_153 = arith.constant 64 : index
      %get3A_154 = arith.constant 64 : index
      %get3A_155 = vector.load %arg14[%get3A_153, %get3A_154] : memref<128x128xf32, #tpu.memory_space<vmem>>, vector<8x8xf32>
      %add3A_156 = arith.addf %add3A_150, %get3A_155 : vector<8x8xf32>
      %slice3A_157 = vector.extract_strided_slice %get3A_99 {offsets = [0, 72], sizes = [1, 8], strides = [1, 1]} : vector<1x128xf32> to vector<1x8xf32>
      %add3A_158 = arith.addf %add3A_152, %slice3A_157 : vector<1x8xf32>
      %get3A_159 = arith.constant 72 : index
      %get3A_160 = arith.constant 72 : index
      %get3A_161 = vector.load %arg14[%get3A_159, %get3A_160] : memref<128x128xf32, #tpu.memory_space<vmem>>, vector<8x8xf32>
      %add3A_162 = arith.addf %add3A_156, %get3A_161 : vector<8x8xf32>
      %slice3A_163 = vector.extract_strided_slice %get3A_99 {offsets = [0, 80], sizes = [1, 8], strides = [1, 1]} : vector<1x128xf32> to vector<1x8xf32>
      %add3A_164 = arith.addf %add3A_158, %slice3A_163 : vector<1x8xf32>
      %get3A_165 = arith.constant 80 : index
      %get3A_166 = arith.constant 80 : index
      %get3A_167 = vector.load %arg14[%get3A_165, %get3A_166] : memref<128x128xf32, #tpu.memory_space<vmem>>, vector<8x8xf32>
      %add3A_168 = arith.addf %add3A_162, %get3A_167 : vector<8x8xf32>
      %slice3A_169 = vector.extract_strided_slice %get3A_99 {offsets = [0, 88], sizes = [1, 8], strides = [1, 1]} : vector<1x128xf32> to vector<1x8xf32>
      %add3A_170 = arith.addf %add3A_164, %slice3A_169 : vector<1x8xf32>
      %get3A_171 = arith.constant 88 : index
      %get3A_172 = arith.constant 88 : index
      %get3A_173 = vector.load %arg14[%get3A_171, %get3A_172] : memref<128x128xf32, #tpu.memory_space<vmem>>, vector<8x8xf32>
      %add3A_174 = arith.addf %add3A_168, %get3A_173 : vector<8x8xf32>
      %slice3A_175 = vector.extract_strided_slice %get3A_99 {offsets = [0, 96], sizes = [1, 8], strides = [1, 1]} : vector<1x128xf32> to vector<1x8xf32>
      %add3A_176 = arith.addf %add3A_170, %slice3A_175 : vector<1x8xf32>
      %get3A_177 = arith.constant 96 : index
      %get3A_178 = arith.constant 96 : index
      %get3A_179 = vector.load %arg14[%get3A_177, %get3A_178] : memref<128x128xf32, #tpu.memory_space<vmem>>, vector<8x8xf32>
      %add3A_180 = arith.addf %add3A_174, %get3A_179 : vector<8x8xf32>
      %slice3A_181 = vector.extract_strided_slice %get3A_99 {offsets = [0, 104], sizes = [1, 8], strides = [1, 1]} : vector<1x128xf32> to vector<1x8xf32>
      %add3A_182 = arith.addf %add3A_176, %slice3A_181 : vector<1x8xf32>
      %get3A_183 = arith.constant 104 : index
      %get3A_184 = arith.constant 104 : index
      %get3A_185 = vector.load %arg14[%get3A_183, %get3A_184] : memref<128x128xf32, #tpu.memory_space<vmem>>, vector<8x8xf32>
      %add3A_186 = arith.addf %add3A_180, %get3A_185 : vector<8x8xf32>
      %slice3A_187 = vector.extract_strided_slice %get3A_99 {offsets = [0, 112], sizes = [1, 8], strides = [1, 1]} : vector<1x128xf32> to vector<1x8xf32>
      %add3A_188 = arith.addf %add3A_182, %slice3A_187 : vector<1x8xf32>
      %get3A_189 = arith.constant 112 : index
      %get3A_190 = arith.constant 112 : index
      %get3A_191 = vector.load %arg14[%get3A_189, %get3A_190] : memref<128x128xf32, #tpu.memory_space<vmem>>, vector<8x8xf32>
      %add3A_192 = arith.addf %add3A_186, %get3A_191 : vector<8x8xf32>
      %slice3A_193 = vector.extract_strided_slice %get3A_99 {offsets = [0, 120], sizes = [1, 8], strides = [1, 1]} : vector<1x128xf32> to vector<1x8xf32>
      %add3A_194 = arith.addf %add3A_188, %slice3A_193 : vector<1x8xf32>
      %get3A_195 = arith.constant 120 : index
      %get3A_196 = arith.constant 120 : index
      %get3A_197 = vector.load %arg14[%get3A_195, %get3A_196] : memref<128x128xf32, #tpu.memory_space<vmem>>, vector<8x8xf32>
      %add3A_198 = arith.addf %add3A_192, %get3A_197 : vector<8x8xf32>
      %div3A = vector.broadcast %get3A_96 : f32 to vector<1x8xf32>
      %div3A_199 = arith.divf %add3A_194, %div3A : vector<1x8xf32>
      %div3A_200 = vector.broadcast %get3A_96 : f32 to vector<8x8xf32>
      %div3A_201 = arith.divf %add3A_198, %div3A_200 : vector<8x8xf32>
      %transpose3A = tpu.transpose %div3A_199, [1, 0] : vector<1x8xf32> -> vector<8x1xf32>
      %mul3A_202 = vector.broadcast %transpose3A : vector<8x1xf32> to vector<8x8xf32>
      %mul3A_203 = vector.broadcast %div3A_199 : vector<1x8xf32> to vector<8x8xf32>
      %mul3A_204 = arith.mulf %mul3A_202, %mul3A_203 : vector<8x8xf32>
      %sub3A_205 = arith.subf %div3A_201, %mul3A_204 : vector<8x8xf32>
      %swap3A_206 = arith.constant 0 : index
      %swap3A_207 = arith.constant 0 : index
      %swap3A_208 = vector.load %arg9[%swap3A_206, %swap3A_207] : memref<1x8xf32, #tpu.memory_space<vmem>>, vector<1x8xf32>
      tpu.vector_store %arg9[%swap3A_206, %swap3A_207], %div3A_199 {strides = array<i32>} : memref<1x8xf32, #tpu.memory_space<vmem>>, vector<1x8xf32>,
      %swap3A_209 = arith.constant 0 : index
      %swap3A_210 = arith.constant 0 : index
      %swap3A_211 = vector.load %arg10[%swap3A_209, %swap3A_210] : memref<8x8xf32, #tpu.memory_space<vmem>>, vector<8x8xf32>
      tpu.vector_store %arg10[%swap3A_209, %swap3A_210], %sub3A_205 {strides = array<i32>} : memref<8x8xf32, #tpu.memory_space<vmem>>, vector<8x8xf32>,
    } else {
    }
    return
  }
  func.func @transform_0(%arg0: i32) -> (i32, i32) {
    %c0_i32 = arith.constant 0 : i32
    %c0_i32_0 = arith.constant 0 : i32
    return %c0_i32, %arg0 : i32, i32
  }
  func.func @transform_1(%arg0: i32) -> (i32, i32) {
    %c0_i32 = arith.constant 0 : i32
    %c0_i32_0 = arith.constant 0 : i32
    return %c0_i32, %arg0 : i32, i32
  }
  func.func @transform_2(%arg0: i32) -> (i32, i32) {
    %c0_i32 = arith.constant 0 : i32
    %c0_i32_0 = arith.constant 0 : i32
    %c0_i32_1 = arith.constant 0 : i32
    return %c0_i32, %c0_i32_0 : i32, i32
  }
  func.func @transform_3(%arg0: i32) -> (i32, i32) {
    %c0_i32 = arith.constant 0 : i32
    %c0_i32_0 = arith.constant 0 : i32
    %c0_i32_1 = arith.constant 0 : i32
    return %c0_i32, %c0_i32_0 : i32, i32
  }
  func.func @transform_4(%arg0: i32) -> (i32, i32) {
    %c0_i32 = arith.constant 0 : i32
    %c0_i32_0 = arith.constant 0 : i32
    %c0_i32_1 = arith.constant 0 : i32
    return %c0_i32, %c0_i32_0 : i32, i32
  }
  func.func @transform_5(%arg0: i32) -> (i32, i32) {
    %c0_i32 = arith.constant 0 : i32
    %c0_i32_0 = arith.constant 0 : i32
    %c0_i32_1 = arith.constant 0 : i32
    return %c0_i32, %c0_i32_0 : i32, i32
  }
  func.func @transform_6(%arg0: i32) -> (i32, i32) {
    %c0_i32 = arith.constant 0 : i32
    %c0_i32_0 = arith.constant 0 : i32
    %c0_i32_1 = arith.constant 0 : i32
    return %c0_i32, %c0_i32_0 : i32, i32
  }
  func.func @transform_7(%arg0: i32) -> (i32, i32) {
    %c0_i32 = arith.constant 0 : i32
    %c0_i32_0 = arith.constant 0 : i32
    %c0_i32_1 = arith.constant 0 : i32
    return %c0_i32, %c0_i32_0 : i32, i32
  }
  func.func @transform_8(%arg0: i32) -> (i32, i32) {
    %c0_i32 = arith.constant 0 : i32
    %c0_i32_0 = arith.constant 0 : i32
    %c0_i32_1 = arith.constant 0 : i32
    return %c0_i32, %c0_i32_0 : i32, i32
  }
  func.func @transform_9(%arg0: i32) -> (i32, i32) {
    %c0_i32 = arith.constant 0 : i32
    %c0_i32_0 = arith.constant 0 : i32
    %c0_i32_1 = arith.constant 0 : i32
    return %c0_i32, %c0_i32_0 : i32, i32
  }
}

</mosaic_0001>

<sc_bundles>
// kernel: kernel.10.cloned.1.call-start
scs
__scs_entry_jumppad:
0x0: {  	(pc) =	sbr.rel $0x88, $3  }
0x1: {  	(tag) =	ssettag $0x0;
	lr =	simm.s32 $0x1  }
0x2: {  	[smem:$0x3F98] =	sst lr;
	_ =	strace $0xD0000000  }
0x3: {  	_ = 	snop  }
0x4: {  	_ = 	snop  }
0x5: {  	_ = 	snop  }
0x6: {  	_ = 	snop  }
0x7: {  	_ = 	snop  }
__scs_overlays_trampoline_lowered:
0x8: {  	[smem:$0x3FA7] =	sst s0  }
0x9: {  	[smem:$0x3FA8] =	sst s1  }
0xa: {  	[smem:$0x3FA9] =	sst s2  }
0xb: {  	[smem:$0x3FAA] =	sst s3  }
0xc: {  	[smem:$0x3FAB] =	sst s4  }
0xd: {  	[smem:$0x3FAC] =	sst s5  }
0xe: {  	[smem:$0x3FAD] =	sst s6  }
0xf: {  	[smem:$0x3FAE] =	sst s7  }
0x10: {  	[smem:$0x3FAF] =	sst s8  }
0x11: {  	[smem:$0x3FB0] =	sst s9;
	s0 =	simm.s32 @!p0 $0x0  }
0x12: {  	s1 =	sld [smem:$0x3F96];
	s0 =	simm.s32 @p0 $0x1  }
0x13: {  	[smem:$0x3FB1] =	sst s0;
	s0 =	simm.s32 @!p1 $0x0  }
0x14: {  	s2 =	sld [smem:$0x3F95];
	s0 =	simm.s32 @p1 $0x1  }
0x15: {  	[smem:$0x3FB2] =	sst s0;
	s0 =	simm.s32 @!p2 $0x0  }
0x16: {  	s3 =	sld [smem:$0x3FDB];
	s0 =	simm.s32 @p2 $0x1  }
0x17: {  	s4 =	simm.s32 $0x1BF5;
	[smem:$0x3FB4] =	sst s0  }
0x18: {  	s0 =	sld [smem:$0x3F97];
	_ =	swait.ge [sflag:s4], $0x0  }
0x19: {  	s7 =	sld [smem:$0x3F98]  }
0x1a: {  	s8 =	sadd.s32 $0xFFFFE003, lr  }
0x1b: {  	s9 =	sadd.s32 $0xFFFFFEF7, lr;
	s5 =	simm.s32 $0xFFFFFFFF;
	p2 =	slt.u32 s8, $0xFFFFF086  }
0x1c: {  	p1 =	slt.u32 s9, $0xF7A;
	s5 =	simm.s32 @!p2 $0x0  }
0x1d: {  	s5 =	simm.s32 @p1 $0x1;
	p0 =	seq.s32 s7, s2  }
0x1e: {  	s7 =	smul.u32 @!p0 $0xF7A, s2;
	p2 =	seq.s32 @!p0 s5, $0x0  }
0x1f: {  	s9 =	smul.u32 $0xF7A, s1;
	s8 =	simm.s32 @!p0 $0x1BF5;
	p2 =	por !p2, p0  }
0x20: {  	[sflag:s8] =	ssyncset.s32 @!p0 $0xFFFFF086;
	s6 =	sadd.s32 @!p0 s3, s7;
	s7 =	simm.s32 @!p0 $0x108  }
0x21: {  	s3 =	sadd.s32 s3, s9;
	s6 =	sadd.s32 @!p0 $0x88, s6;
	s7 =	simm.s32 @p2 $0x1082  }
0x22: {  	[simem:s7], [sflag:s8] =	dma.local @!p0 [hbm:s6], $0xF7A  }
0x23: {  	s9 =	sor.u32 $0xD0000000, s2;
	s6 =	simm.s32 $0x108;
	_ =	swait.ge @!p0 [sflag:s8], $0x0  }
0x24: {  	s3 =	sadd.s32 $0x88, s3;
	s6 =	simm.s32 @!p1 $0x1082;
	[sflag:s4] =	ssyncset.s32 $0xFFFFF086  }
0x25: {  	[simem:s6], [sflag:s4] =	dma.local [hbm:s3], $0xF7A  }
0x26: {  	[smem:$0x3F98] =	sst s1;
	(tag) =	ssettag s2;
	_ =	strace s9  }
0x27: {  	s1 =	sld [smem:$0x3FA8]  }
0x28: {  	s2 =	sld [smem:$0x3FA9]  }
0x29: {  	s4 =	sld [smem:$0x3FAB]  }
0x2a: {  	p0 =	seq.s32 s5, $0x0;
	s5 =	sld [smem:$0x3FAC]  }
0x2b: {  	s6 =	sld [smem:$0x3FAD]  }
0x2c: {  	s7 =	sld [smem:$0x3FAE]  }
0x2d: {  	s3 =	simm.s32 $0x108;
	s8 =	sld [smem:$0x3FAF]  }
0x2e: {  	s3 =	simm.s32 @!p0 $0x1082;
	s9 =	sld [smem:$0x3FB0]  }
0x2f: {  	lr =	sadd.s32 s0, s3;
	s0 =	sld [smem:$0x3FA7]  }
0x30: {  	s3 =	sld [smem:$0x3FAA]  }
0x31: {  	[smem:$0x3FB3] =	sst s10  }
0x32: {  	s10 =	sld [smem:$0x3FB1];
	_ =	sdelay $0x3  }
0x33: {  	p0 =	seq.s32 s10, $0x1;
	s10 =	sld [smem:$0x3FB3];
	_ =	sdelay $0x3  }
0x34: {  	[smem:$0x3FB3] =	sst s10  }
0x35: {  	s10 =	sld [smem:$0x3FB2];
	_ =	sdelay $0x3  }
0x36: {  	p1 =	seq.s32 s10, $0x1;
	s10 =	sld [smem:$0x3FB3];
	_ =	sdelay $0x3  }
0x37: {  	[smem:$0x3FB3] =	sst s10  }
0x38: {  	s10 =	sld [smem:$0x3FB4]  }
0x39: {  	_ = 	snop;
	(pc) =	sbr.ind lr, $3  }
0x3a: {  	_ = 	snop  }
0x3b: {  	_ = 	snop  }
0x3c: {  	p2 =	seq.s32 s10, $0x1;
	s10 =	sld [smem:$0x3FB3]  }
0x3d: {  	_ =	shalt  }
0x3e: {  	_ =	shalt  }
0x3f: {  	_ =	shalt  }
0x40: {  	_ =	shalt  }
0x41: {  	_ =	shalt  }
0x42: {  	_ =	shalt  }
0x43: {  	_ =	shalt  }
0x44: {  	_ =	shalt  }
0x45: {  	_ =	shalt  }
0x46: {  	_ =	shalt  }
0x47: {  	_ =	shalt  }
0x48: {  	_ =	shalt  }
0x49: {  	_ =	shalt  }
0x4a: {  	_ =	shalt  }
0x4b: {  	_ =	shalt  }
0x4c: {  	_ =	shalt  }
0x4d: {  	_ =	shalt  }
0x4e: {  	_ =	shalt  }
0x4f: {  	_ =	shalt  }
0x50: {  	_ =	shalt  }
0x51: {  	_ =	shalt  }
0x52: {  	_ =	shalt  }
0x53: {  	_ =	shalt  }
0x54: {  	_ =	shalt  }
0x55: {  	_ =	shalt  }
0x56: {  	_ =	shalt  }
0x57: {  	_ =	shalt  }
0x58: {  	_ =	shalt  }
0x59: {  	_ =	shalt  }
0x5a: {  	_ =	shalt  }
0x5b: {  	_ =	shalt  }
0x5c: {  	_ =	shalt  }
0x5d: {  	_ =	shalt  }
0x5e: {  	_ =	shalt  }
0x5f: {  	_ =	shalt  }
0x60: {  	_ =	shalt  }
0x61: {  	_ =	shalt  }
0x62: {  	_ =	shalt  }
0x63: {  	_ =	shalt  }
0x64: {  	_ =	shalt  }
0x65: {  	_ =	shalt  }
0x66: {  	_ =	shalt  }
0x67: {  	_ =	shalt  }
0x68: {  	_ =	shalt  }
0x69: {  	_ =	shalt  }
0x6a: {  	_ =	shalt  }
0x6b: {  	_ =	shalt  }
0x6c: {  	_ =	shalt  }
0x6d: {  	_ =	shalt  }
0x6e: {  	_ =	shalt  }
0x6f: {  	_ =	shalt  }
0x70: {  	_ =	shalt  }
0x71: {  	_ =	shalt  }
0x72: {  	_ =	shalt  }
0x73: {  	_ =	shalt  }
0x74: {  	_ =	shalt  }
0x75: {  	_ =	shalt  }
0x76: {  	_ =	shalt  }
0x77: {  	_ =	shalt  }
0x78: {  	_ =	shalt  }
0x79: {  	_ =	shalt  }
0x7a: {  	_ =	shalt  }
0x7b: {  	_ =	shalt  }
0x7c: {  	_ =	shalt  }
0x7d: {  	_ =	shalt  }
0x7e: {  	_ =	shalt  }
0x7f: {  	_ =	shalt  }
0x80: {  	_ =	shalt  }
0x81: {  	_ =	shalt  }
0x82: {  	_ =	shalt  }
0x83: {  	_ =	shalt  }
0x84: {  	_ =	shalt  }
0x85: {  	_ =	shalt  }
0x86: {  	_ =	shalt  }
0x87: {  	_ =	shalt  }
.Lfunc_end0:
.L_simem_size_0:
called_computation.1_lowered:
.L_overlay_start_0:
0x88: {  	s2 =	sld [smem:$0x3FD9]  }
0x89: {  	s3 =	sld [smem:$0x3FFE];
	_ =	sdelay $0x1  }
0x8a: {  	s1 =	srdreg.scid  }
0x8b: {  	s0 =	sand.u32 $0x1, s1  }
0x8c: {  	s16 =	sshll.u32 s0, $0xA;
	s2 =	sadd.s32 s3, s2  }
0x8d: {  	s2 =	sadd.s32 s2, s16  }
0x8e: {  	[smem:$0x3FBF] =	sst s2  }
0x8f: {  	_ = 	snop  }
0x90: {  	(tm) =	ssettm $0x1  }
0x91: {  	s17 =	sld [smem:$0x3FFB];
	_ =	sdelay $0x3  }
0x92: {  	_ =	strace s17  }
0x93: {  	s2 =	sld [smem:$0x3FFC];
	_ =	sdelay $0x3  }
0x94: {  	_ =	strace s2  }
0x95: {  	s2 =	sld [smem:$0x3FFD];
	_ =	sdelay $0x3  }
0x96: {  	_ =	strace s2  }
0x97: {  	_ =	strace $0x8FFFFFFF  }
0x98: {  	s18 =	sld [smem:$0x3FDB];
	_ =	sdelay $0x1  }
0x99: {  	s19 =	simm.s32 $_scs_section_size  }
0x9a: {  	s4 =	simm.s32 $_size__tile_overlayer_lowered;
	s5 =	simm.s32 $_tile_overlayer_lowered  }
0x9b: {  	s22 =	simm.s32 $0x1BFF;
	s21 =	sshll.u32 s5, $0x1;
	s2 =	sadd.s32 s19, s18  }
0x9c: {  	s6 =	simm.s32 $0x0;
	s20 =	sshll.u32 s4, $0x1;
	s4 =	sadd.s32 s21, s2  }
0x9d: {  	[timem:s6], [sflag:s22] =	dma.local [hbm:s4], s20  }
0x9e: {  	_ =	swait.ge [sflag:s22], s20  }
0x9f: {  	s3 =	ssub.s32 $0x0, s20;
	[sflag:s22] =	ssyncset.done $0x0  }
0xa0: {  	[sflag:s22] =	ssyncadd.s32 s3;
	_ =	sdelay $0x1  }
0xa1: {  	s23 =	simm.s32 $0x1B8B  }
0xa2: {  	_ =	swait.ge [sflag:s23], $0x1  }
0xa3: {  	[sflag:s23] =	ssyncset.done $0x0  }
0xa4: {  	s25 =	simm.s32 $0x1B8E;
	s24 =	sld [smem:$0x3FFE];
	[sflag:s23] =	ssyncadd.s32 $0xFFFFFFFF  }
0xa5: {  	s26 =	simm.s32 $execute0_lowered;
	[smem:$0x3FD2] =	sst s25  }
0xa6: {  	s4 =	sshll.u32 s26, $0x1;
	_ =	strace $0x80000049;
	[dreg:$0x1] =	wrdreg $0xFFFFFFFF  }
0xa7: {  	s28 =	simm.s32 $_size_execute0_lowered;
	s2 =	sadd.s32 s2, s4;
	[dreg:$0x0] =	wrdreg $0x0  }
0xa8: {  	s4 =	sshll.u32 s28, $0x1;
	[dreg:$0x2] =	wrdreg s2  }
0xa9: {  	[dreg:$0x3] =	wrdreg s4  }
0xaa: {  	[dreg:$0x4] =	wrdreg $0xC0  }
0xab: {  	_ =	task [dreg:s6], $0x5FFFF  }
0xac: {  	[dreg:$0x1] =	wrdreg $0xFFFFFFFF  }
0xad: {  	[dreg:$0x0] =	wrdreg $0x60  }
0xae: {  	[dreg:$0x2] =	wrdreg s24  }
0xaf: {  	[dreg:$0x3] =	wrdreg $0x9  }
0xb0: {  	_ =	task.clear_ibuf [dreg:s6], $0x4FFFF;
	_ =	strace $0x90000049  }
0xb1: {  	s29 =	simm.s32 $0x9;
	_ =	strace $0x8000004B  }
0xb2: {  	_ =	swait.ge [sflag:s29], $0x1  }
0xb3: {  	[sflag:s29] =	ssyncadd.s32 $0xFFFFFFFF  }
0xb4: {  	_ =	strace $0x9000004B  }
0xb5: {  	_ =	sfence  }
0xb6: {  	s30 =	sld [smem:$0x0];
	_ =	sdelay $0x2  }
0xb7: {  	s31 =	sshll.u32 s1, $0xD;
	s1 =	sshrl.u32 s1, $0x2  }
0xb8: {  	s3 =	sand.u32 $0x4000, s31;
	s1 =	sadd.s32 s1, s30  }
0xb9: {  	s0 =	sor.u32 s3, s0;
	s1 =	sshll.u32 s1, $0x11  }
0xba: {  	s0 =	sor.u32 s1, s0  }
0xbb: {  	s0 =	sadd.s32 $0x8F2B, s0  }
0xbc: {  	[sflag:s0] =	ssyncadd.remote.s32 $0x1  }
0xbd: {  	_ =	sfence.sel $0xFFFF  }
0xbe: {  	[dreg:$0x0] =	wrdreg $0xFFFFFFFF;
	(pc) =	sbr.abs _section_cstart, $3  }
0xbf: {  	[dreg:$0x1] =	wrdreg $0xFFFFFFFF  }
0xc0: {  	_ =	task.clear_ibuf [dreg:s6], $0x2FFFF;
	_ =	strace $0x9FFFFFFF  }
0xc1: {  	(tm) =	ssettm $0x7FFFFFFF  }
tec
execute0_lowered:
.L_overlay_start_1:
0x0: {  	(tag) =	ssettag $0x1  }
0x1: {  	s10 =	rddreg [dreg:$0x0]  }
0x2: {  	s0 =	rddreg [dreg:$0x1]  }
0x3: {  	s3 =	srdreg.scid;
	s1 =	stileid.u32;
	s2 =	simm.s32 $0x0  }
0x4: {  	s13 =	simm.s32 $0x1;
	s14 =	simm.s32 $0x7C50;
	s15 =	simm.s32 $0x7E50  }
0x5: {  	s16 =	simm.s32 $0x0;
	s4 =	sand.u32 $0x1, s3;
	s30 =	sshll.u32 s1, $0x1  }
0x6: {  	[smem:$0x7FF] =	sst s2;
	s3 =	sadd.s32 $0x20200, s10;
	s12 =	sor.u32 s4, s30  }
0x7: {  	_ =	strace $0x8000004A;
	s7 =	ssub.s32 $0x2, s4;
	s5 =	smul.u32 $0xF40, s12  }
0x8: {  	s4 =	sadd.s32 $0x20400, s10;
	s6 =	smul.u32 $0xF4, s12;
	s31 =	sshrl.u32 s7, $0x1  }
0x9: {  	v2 =	vlaneseq.u32;
	v1 =	vmov s12;
	p0 =	sne.s32 s12, $0x1F;
	s12 =	simm.s32 $0x7C40;
	s11 =	ssub.s32 s7, s31  }
0xa: {  	v3 =	vor.u32 $0x10, v2;
	v0 =	vmul.u32 $0x10, v2;
	v4 =	vmul.u32 $0xFFFFFFFF, v2;
	s8 =	sadd.s32 s5, s10;
	s9 =	sadd.s32 s6, s10;
	s6 =	sadd.s32 $0x20000, s10  }
0xb: {  	vm0 =	vgt.u32 v1, v3;
	vm1 =	vgt.u32 v1, v2;
	s11 =	smax.u32 s11, $0x1;
	s5 =	sadd.s32 $0x1800, s8;
	s7 =	sadd.s32 $0x20600, s8  }
0xc: {  	v1 =	vor.u32 $0x100, v0;
	v2 =	vadd.s32 $0xF, v4;
	v3 =	vor.u32 $0xF, v0;
	s8 =	sadd.s32 $0x3F000, s9;
	s9 =	sadd.s32 $0x3EE00, s10;
	s10 =	sadd.s32 $0x40E80, s10  }
.LBB2_1:
0xd: {  	[tilespmem:s12], [sflag:$0x1] =	stream.linear.gather [hbm4b:s3+s2], $0x10, $0x38;
	[tilespmem:$0x8650] =	vst v63  }
0xe: {  	_ =	swait.ge [sflag:s13], $0x10  }
0xf: {  	[sflag:s13] =	ssyncset.done $0x0  }
0x10: {  	[sflag:s13] =	ssyncadd.s32 $0xFFFFFFF0  }
0x11: {  	[tilespmem:s14], [sflag:$0x1] =	stream.linear.gather [hbm4b:s4+s2], $0x200, $0x38;
	[tilespmem:$0x8650] =	vst v63  }
0x12: {  	_ =	swait.ge [sflag:s13], $0x200  }
0x13: {  	[sflag:s13] =	ssyncset.done $0x0  }
0x14: {  	[sflag:s13] =	ssyncadd.s32 $0xFFFFFE00  }
0x15: {  	[tilespmem:s2], [sflag:$0x1] =	stream.linear.gather [hbm4b:s5+s2], $0x7A00, $0x38;
	[tilespmem:$0x8650] =	vst v63  }
0x16: {  	_ =	swait.ge [sflag:s13], $0x7A00  }
0x17: {  	[sflag:s13] =	ssyncset.done $0x0  }
0x18: {  	s17 =	simm.s32 @!p0 $0x0;
	s18 =	simm.s32 @!p0 $0x7A00;
	[sflag:s13] =	ssyncadd.s32 $0xFFFF8600  }
0x19: {  	[tilespmem:s18], [sflag:$0x1] =	stream.linear.gather @!p0 [hbm4b:s6+s17], $0x240, $0x38;
	[tilespmem:$0x8650] =	vst v63  }
0x1a: {  	s17 =	simm.s32 @!p0 $0x1  }
0x1b: {  	_ =	swait.ge @!p0 [sflag:s17], $0x240  }
0x1c: {  	[sflag:s17] =	ssyncset.done @!p0 $0x0  }
0x1d: {  	[sflag:s17] =	ssyncadd.s32 @!p0 $0xFFFFFDC0  }
0x1e: {  	v4 =	vld.idx.msk [tilespmem:v0+s14+$0x0], $0xffff  }
0x1f: {  	v5 =	vld.idx.msk [tilespmem:v1+s14+$0x0], $0xffff;
	_ =	sdelay $0x3  }
0x20: {  	v4 =	vnsel vm1, $0x0, v4  }
0x21: {  	(xrf2) =	vadd.scan.msk.f32 $0xffff, v4;
	v4 =	vnsel vm0, $0x0, v5  }
0x22: {  	(xrf2) =	vadd.scan.msk.f32 $0xffff, v4;
	_ =	sdelay $0x8  }
0x23: {  	v4, _, _ =	vpop (xrf2)  }
0x24: {  	v4 =	vperm.xlane v4, v2;
	v5, _, _ =	vpop (xrf2)  }
0x25: {  	v5 =	vperm.xlane v5, v2  }
0x26: {  	(xrf0) =	vmax.scan.msk.f32 $0xffff, v4  }
0x27: {  	s17 =	simm.s32 @!p0 $0x7C4;
	(xrf0) =	vmax.scan.msk.f32 $0xffff, v5  }
0x28: {  	s17 =	simm.s32 @p0 $0x7A0  }
0x29: {  	p3 =	sne.s32 s17, $0x1  }
.Ltmp0:
0x2a: {  	_ = 	snop;
	(pc) =	sbr.rel @!p3 .LBB2_5-.Ltmp0, $4  }
0x2b: {  	_ = 	snop  }
0x2c: {  	v4, _, _ =	vpop (xrf0)  }
0x2d: {  	p1 =	por $0x0, $0x0;
	v5, _, _ =	vpop (xrf0)  }
0x2e: {  	p2 =	por $0x0, $0x0;
	s18 =	simm.s32 $0x0;
	s19 =	sadd.s32 $0xFFFFFFFF, s17;
	v4 =	vadd.f32 v5, v4;
	v5 =	vld [tilespmem:$0x7C40]  }
0x2f: {  	v6 =	vld [tilespmem:s2+$0x0];
	_ =	sdelay $0x4  }
0x30: {  	v6 =	vsub.f32 v6, v5;
	_ =	sdelay $0x1  }
0x31: {  	v6 =	vmul.f32 $1.442695020e+00, v6;
	_ =	sdelay $0x1  }
0x32: {  	(erf) = vpow2.f32 v6;
	_ =	sdelay $0x8  }
0x33: {  	v6 =	vpop (erf)  }
0x34: {  	(xrf2) =	vadd.scan.msk.f32 $0xffff, v6;
	_ =	sdelay $0x6  }
0x35: {  	p3 =	sne.s32 s19, $0x1  }
.Ltmp1:
0x36: {  	_ = 	snop;
	(pc) =	sbr.rel @!p3 .LBB2_3-.Ltmp1, $4  }
0x37: {  	_ = 	snop  }
0x38: {  	v6, _, _ =	vpop (xrf2)  }
0x39: {  	v6 =	vadd.f32 v6, v4  }
0x3a: {  	s19 =	sadd.s32 $0xFFFFFFFF, s19;
	p2 =	por $0x1, $0x1;
	s18 =	simm.s32 $0x0  }
.LBB2_4:
0x3b: {  	p3 =	sne.s32 s19, $0x1;
	[tilespmem:s18+$0x0] =	vst v6;
	v6 =	vperm.xlane v6, v2;
	s18 =	sadd.s32 $0x10, s18  }
0x3c: {  	v7 =	vld [tilespmem:s18+$0x0]  }
0x3d: {  	(xrf0) =	vmax.scan.msk.f32 $0xffff, v6;
	_ =	sdelay $0x3  }
0x3e: {  	v6 =	vsub.f32 v7, v5;
	_ =	sdelay $0x1  }
0x3f: {  	v6 =	vmul.f32 $1.442695020e+00, v6;
	v7, _, _ =	vpop (xrf0);
	_ =	sdelay $0x1  }
0x40: {  	(erf) = vpow2.f32 v6;
	_ =	sdelay $0x8  }
0x41: {  	v6 =	vpop (erf)  }
0x42: {  	(xrf2) =	vadd.scan.msk.f32 $0xffff, v6;
	_ =	sdelay $0x7  }
.Ltmp2:
0x43: {  	(pc) =	sbr.rel @p3 .LBB2_4-.Ltmp2, $4  }
0x44: {  	_ = 	snop  }
0x45: {  	v6, _, _ =	vpop (xrf2)  }
0x46: {  	v6 =	vadd.f32 v6, v7  }
0x47: {  	s19 =	sadd.s32 $0xFFFFFFFF, s19  }
.LBB2_5:
0x48: {  	s19 =	sadd.s32 @p2 $0x10, s18;
	s20 =	simm.s32 $0x0  }
0x49: {  	[tilespmem:s18+$0x0] =	vst @p2 v6;
	s20 =	smov.u32 @p2 s19  }
0x4a: {  	v7 =	vld [tilespmem:s20+$0x0];
	_ =	sdelay $0x4  }
0x4b: {  	v5 =	vsub.f32 v7, v5;
	_ =	sdelay $0x1  }
0x4c: {  	v5 =	vmul.f32 $1.442695020e+00, v5;
	_ =	sdelay $0x1  }
0x4d: {  	(erf) = vpow2.f32 v5;
	_ =	sdelay $0x8  }
0x4e: {  	v5 =	vpop (erf)  }
0x4f: {  	(xrf2) =	vadd.scan.msk.f32 $0xffff, v5  }
0x50: {  	v5 =	vperm.xlane @p2 v6, v2;
	_ =	sdelay $0x1  }
0x51: {  	(xrf0) =	vmax.scan.msk.f32 @p2 $0xffff, v5;
	_ =	sdelay $0x5  }
0x52: {  	v5, _, _ =	vpop @p2 (xrf0)  }
0x53: {  	v4 =	vpsel p2, v5, v4;
	v6, _, _ =	vpop (xrf2)  }
0x54: {  	v4 =	vadd.f32 v6, v4;
	_ =	sdelay $0x1  }
0x55: {  	v5 =	vperm.xlane v4, v2  }
0x56: {  	s17 =	sshll.u32 s17, $0x4  }
0x57: {  	s17 =	sadd.s32 $0xC0, s17;
	(xrf0) =	vmax.scan.msk.f32 $0xffff, v5  }
0x58: {  	s18 =	sand.u32 $0xFF00, s17  }
0x59: {  	p2 =	sne.s32 s18, $0x100  }
.Ltmp3:
0x5a: {  	_ = 	snop;
	(pc) =	sbr.rel @!p2 .LBB2_6-.Ltmp3, $4  }
0x5b: {  	s31 =	simm.s32 $0x0  }
0x5c: {  	v5 =	vor.u32 s31, v3  }
0x5d: {  	[tilespmem:s20+$0x0] =	vst v4;
	vm2 =	vlt.s32 v5, $0x7C3F;
	v4, _, _ =	vpop (xrf0)  }
0x5e: {  	s19 =	simm.s32 $0x100;
	s17 =	simm.s32 $0x7E50;
	v4 =	vnsel vm2, $0x7C3F, v5  }
0x5f: {  	_ =	sdelay $0x3  }
0x60: {  	v5 =	vld.idx.msk [tilespmem:v4+s2+$0x0], $0xffff;
	v4 =	vor.u32 s19, v3  }
0x61: {  	p2 =	sne.s32 s18, $0x200;
	vm2 =	vlt.s32 v4, $0x7C3F  }
.Ltmp4:
0x62: {  	v4 =	vnsel vm2, $0x7C3F, v4;
	(pc) =	sbr.rel @!p2 .LBB2_8-.Ltmp4, $2  }
0x63: {  	_ =	sdelay $0x2  }
0x64: {  	s20 =	simm.s32 $0x200;
	p1 =	por $0x1, $0x1;
	s19 =	simm.s32 $0x7E50;
	[tilespmem:s17+$0x0] =	vst v5  }
.LBB2_9:
0x65: {  	v5 =	vor.u32 s20, v3;
	s20 =	sadd.s32 $0x100, s20;
	v6 =	vld.idx.msk [tilespmem:v4+s2+$0x0], $0xffff  }
0x66: {  	vm2 =	vlt.s32 v5, $0x7C3F;
	p2 =	sne.s32 s18, s20  }
.Ltmp5:
0x67: {  	v4 =	vnsel vm2, $0x7C3F, v5;
	(pc) =	sbr.rel @p2 .LBB2_9-.Ltmp5, $3  }
0x68: {  	_ =	sdelay $0x1  }
0x69: {  	s19 =	sadd.s32 $0x10, s19  }
0x6a: {  	[tilespmem:s19+$0x0] =	vst v6  }
.LBB2_10:
0x6b: {  	_ =	sdelay $0x3  }
0x6c: {  	v4 =	vld.idx.msk [tilespmem:v4+s2+$0x0], $0xffff;
	_ =	sdelay $0x2  }
0x6d: {  	s18 =	sadd.s32 @p1 $0x10, s19  }
0x6e: {  	s17 =	smov.u32 @p1 s18  }
0x6f: {  	[tilespmem:s17+$0x0] =	vst v4  }
0x70: {  	[hbm4b:s7+s2] =	stream.linear.scatter [tilespmem:s2], [sflag:$0x1], $0x7A00, $0x38;
	[tilespmem:$0x8650] =	vst v63  }
0x71: {  	_ =	swait.ge [sflag:s13], $0x7A00  }
0x72: {  	[sflag:s13] =	ssyncset.done $0x0  }
0x73: {  	[sflag:s13] =	ssyncadd.s32 $0xFFFF8600  }
0x74: {  	[hbm4b:s8+s2] =	stream.linear.scatter [tilespmem:s15], [sflag:$0x1], $0x7A0, $0x38;
	[tilespmem:$0x8650] =	vst v63  }
0x75: {  	_ =	swait.ge [sflag:s13], $0x7A0  }
0x76: {  	[sflag:s13] =	ssyncset.done $0x0  }
0x77: {  	s18 =	simm.s32 @!p0 $0x7A00;
	s17 =	simm.s32 @!p0 $0x0;
	[sflag:s13] =	ssyncadd.s32 $0xFFFFF860  }
0x78: {  	[hbm4b:s9+s17] =	stream.linear.scatter @!p0 [tilespmem:s18], [sflag:$0x1], $0x240, $0x38;
	[tilespmem:$0x8650] =	vst v63  }
0x79: {  	s18 =	simm.s32 @!p0 $0x1  }
0x7a: {  	_ =	swait.ge @!p0 [sflag:s18], $0x240  }
0x7b: {  	s16 =	sadd.s32 $0x1, s16;
	[sflag:s18] =	ssyncset.done @!p0 $0x0  }
0x7c: {  	s19 =	simm.s32 @!p0 $0x85F0;
	p1 =	sne.s32 s16, s11;
	[sflag:s18] =	ssyncadd.s32 @!p0 $0xFFFFFDC0  }
0x7d: {  	[hbm4b:s10+s17] =	stream.linear.scatter @!p0 [tilespmem:s19], [sflag:$0x1], $0x24, $0x38;
	[tilespmem:$0x8650] =	vst v63  }
.Ltmp6:
0x7e: {  	_ = 	snop;
	(pc) =	sbr.rel @p1 .LBB2_1-.Ltmp6, $4  }
.Ltmp7:
0x7f: {  	_ = 	snop;
	(pc) =	sbr.rel @!p1 .LBB2_11-.Ltmp7, $4  }
0x80: {  	_ =	swait.ge @!p0 [sflag:s18], $0x24  }
0x81: {  	[sflag:s18] =	ssyncset.done @!p0 $0x0  }
0x82: {  	[sflag:s18] =	ssyncadd.s32 @!p0 $0xFFFFFFDC  }
0x83: {  	_ = 	snop  }
.LBB2_6:
.Ltmp8:
0x84: {  	(pc) =	sbr.rel .LBB2_10-.Ltmp8, $2  }
0x85: {  	_ =	sdelay $0x2  }
0x86: {  	s19 =	simm.s32 $0x7E50  }
.LBB2_3:
.Ltmp9:
0x87: {  	(pc) =	sbr.rel .LBB2_5-.Ltmp9, $2  }
0x88: {  	_ =	sdelay $0x2  }
0x89: {  	s18 =	simm.s32 $0x0  }
.LBB2_8:
.Ltmp10:
0x8a: {  	(pc) =	sbr.rel .LBB2_10-.Ltmp10, $2  }
0x8b: {  	_ =	sdelay $0x2  }
0x8c: {  	s19 =	simm.s32 $0x7E50  }
.LBB2_11:
0x8d: {  	_ =	sfence.sel $0x180000  }
0x8e: {  	[bflag:$0x0] =	sbarrier.arrive $0xFFFF  }
0x8f: {  	p0 =	sne.s32 s1, $0x0;
	_ =	strace $0x9000004A  }
0x90: {  	s0 =	sadd.s32 @!p0 $0x100000, s0;
	[bflag:$0x2] =	sbarrier.arrive $0xFFFF  }
0x91: {  	[sflag:s0] =	ssyncadd.tile.s32 @!p0 $0x1;
	_ =	shalt  }
.Lfunc_end2:
_tile_overlayer_lowered:
.L_overlay_start_2:
0x92: {  	(tag) =	ssettag $0x2  }
0x93: {  	s0 =	rddreg [dreg:$0x0];
	s2 =	stileid.u32  }
0x94: {  	s1 =	rddreg [dreg:$0x1];
	p0 =	sne.s32 s2, $0x0  }
0x95: {  	s3 =	rddreg [dreg:$0x2];
	[bflag:$0x3] =	sbarrier.arrive $0xFFFF;
	s2 =	simm.s32 @!p0 $0x1C01  }
0x96: {  	[timem:s3], [sflag:s2] =	dma.local @!p0 [hbm:s0], s1  }
0x97: {  	s0 =	simm.s32 @!p0 $0x1  }
0x98: {  	_ =	swait.ge @!p0 [sflag:s0], s1  }
0x99: {  	s1 =	ssub.s32 @!p0 $0x0, s1;
	[sflag:s0] =	ssyncset.done @!p0 $0x0  }
0x9a: {  	[sflag:s0] =	ssyncadd.s32 @!p0 s1  }
0x9b: {  	[bflag:$0x3] =	sbarrier.arrive $0xFFFF  }
0x9c: {  	_ =	shalt  }

// kernel: kernel.13.cloned.1.call-start
scs
__scs_entry_jumppad:
0x0: {  	(pc) =	sbr.rel $0x88, $3  }
0x1: {  	(tag) =	ssettag $0x0;
	lr =	simm.s32 $0x1  }
0x2: {  	[smem:$0x3F98] =	sst lr;
	_ =	strace $0xD0000000  }
0x3: {  	_ = 	snop  }
0x4: {  	_ = 	snop  }
0x5: {  	_ = 	snop  }
0x6: {  	_ = 	snop  }
0x7: {  	_ = 	snop  }
__scs_overlays_trampoline_lowered:
0x8: {  	[smem:$0x3FA7] =	sst s0  }
0x9: {  	[smem:$0x3FA8] =	sst s1  }
0xa: {  	[smem:$0x3FA9] =	sst s2  }
0xb: {  	[smem:$0x3FAA] =	sst s3  }
0xc: {  	[smem:$0x3FAB] =	sst s4  }
0xd: {  	[smem:$0x3FAC] =	sst s5  }
0xe: {  	[smem:$0x3FAD] =	sst s6  }
0xf: {  	[smem:$0x3FAE] =	sst s7  }
0x10: {  	[smem:$0x3FAF] =	sst s8  }
0x11: {  	[smem:$0x3FB0] =	sst s9;
	s0 =	simm.s32 @!p0 $0x0  }
0x12: {  	s1 =	sld [smem:$0x3F96];
	s0 =	simm.s32 @p0 $0x1  }
0x13: {  	[smem:$0x3FB1] =	sst s0;
	s0 =	simm.s32 @!p1 $0x0  }
0x14: {  	s2 =	sld [smem:$0x3F95];
	s0 =	simm.s32 @p1 $0x1  }
0x15: {  	[smem:$0x3FB2] =	sst s0;
	s0 =	simm.s32 @!p2 $0x0  }
0x16: {  	s3 =	sld [smem:$0x3FDB];
	s0 =	simm.s32 @p2 $0x1  }
0x17: {  	s4 =	simm.s32 $0x1BF5;
	[smem:$0x3FB4] =	sst s0  }
0x18: {  	s0 =	sld [smem:$0x3F97];
	_ =	swait.ge [sflag:s4], $0x0  }
0x19: {  	s7 =	sld [smem:$0x3F98]  }
0x1a: {  	s8 =	sadd.s32 $0xFFFFE003, lr  }
0x1b: {  	s9 =	sadd.s32 $0xFFFFFEF7, lr;
	s5 =	simm.s32 $0xFFFFFFFF;
	p2 =	slt.u32 s8, $0xFFFFF086  }
0x1c: {  	p1 =	slt.u32 s9, $0xF7A;
	s5 =	simm.s32 @!p2 $0x0  }
0x1d: {  	s5 =	simm.s32 @p1 $0x1;
	p0 =	seq.s32 s7, s2  }
0x1e: {  	s7 =	smul.u32 @!p0 $0xF7A, s2;
	p2 =	seq.s32 @!p0 s5, $0x0  }
0x1f: {  	s9 =	smul.u32 $0xF7A, s1;
	s8 =	simm.s32 @!p0 $0x1BF5;
	p2 =	por !p2, p0  }
0x20: {  	[sflag:s8] =	ssyncset.s32 @!p0 $0xFFFFF086;
	s6 =	sadd.s32 @!p0 s3, s7;
	s7 =	simm.s32 @!p0 $0x108  }
0x21: {  	s3 =	sadd.s32 s3, s9;
	s6 =	sadd.s32 @!p0 $0x88, s6;
	s7 =	simm.s32 @p2 $0x1082  }
0x22: {  	[simem:s7], [sflag:s8] =	dma.local @!p0 [hbm:s6], $0xF7A  }
0x23: {  	s9 =	sor.u32 $0xD0000000, s2;
	s6 =	simm.s32 $0x108;
	_ =	swait.ge @!p0 [sflag:s8], $0x0  }
0x24: {  	s3 =	sadd.s32 $0x88, s3;
	s6 =	simm.s32 @!p1 $0x1082;
	[sflag:s4] =	ssyncset.s32 $0xFFFFF086  }
0x25: {  	[simem:s6], [sflag:s4] =	dma.local [hbm:s3], $0xF7A  }
0x26: {  	[smem:$0x3F98] =	sst s1;
	(tag) =	ssettag s2;
	_ =	strace s9  }
0x27: {  	s1 =	sld [smem:$0x3FA8]  }
0x28: {  	s2 =	sld [smem:$0x3FA9]  }
0x29: {  	s4 =	sld [smem:$0x3FAB]  }
0x2a: {  	p0 =	seq.s32 s5, $0x0;
	s5 =	sld [smem:$0x3FAC]  }
0x2b: {  	s6 =	sld [smem:$0x3FAD]  }
0x2c: {  	s7 =	sld [smem:$0x3FAE]  }
0x2d: {  	s3 =	simm.s32 $0x108;
	s8 =	sld [smem:$0x3FAF]  }
0x2e: {  	s3 =	simm.s32 @!p0 $0x1082;
	s9 =	sld [smem:$0x3FB0]  }
0x2f: {  	lr =	sadd.s32 s0, s3;
	s0 =	sld [smem:$0x3FA7]  }
0x30: {  	s3 =	sld [smem:$0x3FAA]  }
0x31: {  	[smem:$0x3FB3] =	sst s10  }
0x32: {  	s10 =	sld [smem:$0x3FB1];
	_ =	sdelay $0x3  }
0x33: {  	p0 =	seq.s32 s10, $0x1;
	s10 =	sld [smem:$0x3FB3];
	_ =	sdelay $0x3  }
0x34: {  	[smem:$0x3FB3] =	sst s10  }
0x35: {  	s10 =	sld [smem:$0x3FB2];
	_ =	sdelay $0x3  }
0x36: {  	p1 =	seq.s32 s10, $0x1;
	s10 =	sld [smem:$0x3FB3];
	_ =	sdelay $0x3  }
0x37: {  	[smem:$0x3FB3] =	sst s10  }
0x38: {  	s10 =	sld [smem:$0x3FB4]  }
0x39: {  	_ = 	snop;
	(pc) =	sbr.ind lr, $3  }
0x3a: {  	_ = 	snop  }
0x3b: {  	_ = 	snop  }
0x3c: {  	p2 =	seq.s32 s10, $0x1;
	s10 =	sld [smem:$0x3FB3]  }
0x3d: {  	_ =	shalt  }
0x3e: {  	_ =	shalt  }
0x3f: {  	_ =	shalt  }
0x40: {  	_ =	shalt  }
0x41: {  	_ =	shalt  }
0x42: {  	_ =	shalt  }
0x43: {  	_ =	shalt  }
0x44: {  	_ =	shalt  }
0x45: {  	_ =	shalt  }
0x46: {  	_ =	shalt  }
0x47: {  	_ =	shalt  }
0x48: {  	_ =	shalt  }
0x49: {  	_ =	shalt  }
0x4a: {  	_ =	shalt  }
0x4b: {  	_ =	shalt  }
0x4c: {  	_ =	shalt  }
0x4d: {  	_ =	shalt  }
0x4e: {  	_ =	shalt  }
0x4f: {  	_ =	shalt  }
0x50: {  	_ =	shalt  }
0x51: {  	_ =	shalt  }
0x52: {  	_ =	shalt  }
0x53: {  	_ =	shalt  }
0x54: {  	_ =	shalt  }
0x55: {  	_ =	shalt  }
0x56: {  	_ =	shalt  }
0x57: {  	_ =	shalt  }
0x58: {  	_ =	shalt  }
0x59: {  	_ =	shalt  }
0x5a: {  	_ =	shalt  }
0x5b: {  	_ =	shalt  }
0x5c: {  	_ =	shalt  }
0x5d: {  	_ =	shalt  }
0x5e: {  	_ =	shalt  }
0x5f: {  	_ =	shalt  }
0x60: {  	_ =	shalt  }
0x61: {  	_ =	shalt  }
0x62: {  	_ =	shalt  }
0x63: {  	_ =	shalt  }
0x64: {  	_ =	shalt  }
0x65: {  	_ =	shalt  }
0x66: {  	_ =	shalt  }
0x67: {  	_ =	shalt  }
0x68: {  	_ =	shalt  }
0x69: {  	_ =	shalt  }
0x6a: {  	_ =	shalt  }
0x6b: {  	_ =	shalt  }
0x6c: {  	_ =	shalt  }
0x6d: {  	_ =	shalt  }
0x6e: {  	_ =	shalt  }
0x6f: {  	_ =	shalt  }
0x70: {  	_ =	shalt  }
0x71: {  	_ =	shalt  }
0x72: {  	_ =	shalt  }
0x73: {  	_ =	shalt  }
0x74: {  	_ =	shalt  }
0x75: {  	_ =	shalt  }
0x76: {  	_ =	shalt  }
0x77: {  	_ =	shalt  }
0x78: {  	_ =	shalt  }
0x79: {  	_ =	shalt  }
0x7a: {  	_ =	shalt  }
0x7b: {  	_ =	shalt  }
0x7c: {  	_ =	shalt  }
0x7d: {  	_ =	shalt  }
0x7e: {  	_ =	shalt  }
0x7f: {  	_ =	shalt  }
0x80: {  	_ =	shalt  }
0x81: {  	_ =	shalt  }
0x82: {  	_ =	shalt  }
0x83: {  	_ =	shalt  }
0x84: {  	_ =	shalt  }
0x85: {  	_ =	shalt  }
0x86: {  	_ =	shalt  }
0x87: {  	_ =	shalt  }
.Lfunc_end0:
.L_simem_size_0:
called_computation.2_lowered:
.L_overlay_start_0:
0x88: {  	s2 =	sld [smem:$0x3FD9]  }
0x89: {  	s3 =	sld [smem:$0x3FFE];
	_ =	sdelay $0x1  }
0x8a: {  	s1 =	srdreg.scid  }
0x8b: {  	s0 =	sand.u32 $0x1, s1  }
0x8c: {  	s17 =	sshll.u32 s0, $0xA;
	s2 =	sadd.s32 s3, s2  }
0x8d: {  	s2 =	sadd.s32 s2, s17  }
0x8e: {  	[smem:$0x3FBF] =	sst s2  }
0x8f: {  	_ = 	snop  }
0x90: {  	s2 =	sld [smem:$0x3FC5];
	(tm) =	ssettm $0x1  }
0x91: {  	s18 =	sld [smem:$0x3FFB];
	_ =	sdelay $0x3  }
0x92: {  	_ =	strace s18  }
0x93: {  	s3 =	sld [smem:$0x3FFC];
	_ =	sdelay $0x3  }
0x94: {  	_ =	strace s3  }
0x95: {  	s3 =	sld [smem:$0x3FFD];
	_ =	sdelay $0x3  }
0x96: {  	_ =	strace s3  }
0x97: {  	_ =	strace $0x8FFFFFFF  }
0x98: {  	s19 =	sld [smem:$0x3FDB];
	_ =	sdelay $0x1  }
0x99: {  	s4 =	simm.s32 $_scs_section_size  }
0x9a: {  	s5 =	simm.s32 $_size__tile_overlayer_lowered;
	s6 =	simm.s32 $_tile_overlayer_lowered  }
0x9b: {  	s22 =	simm.s32 $0x1BFF;
	s21 =	sshll.u32 s6, $0x1;
	s3 =	sadd.s32 s4, s19  }
0x9c: {  	s7 =	simm.s32 $0x0;
	s20 =	sshll.u32 s5, $0x1;
	s5 =	sadd.s32 s21, s3  }
0x9d: {  	[timem:s7], [sflag:s22] =	dma.local [hbm:s5], s20  }
0x9e: {  	_ =	swait.ge [sflag:s22], s20  }
0x9f: {  	s4 =	ssub.s32 $0x0, s20;
	[sflag:s22] =	ssyncset.done $0x0  }
0xa0: {  	[sflag:s22] =	ssyncadd.s32 s4;
	_ =	sdelay $0x1  }
0xa1: {  	s23 =	simm.s32 $0x1B8B  }
0xa2: {  	_ =	swait.ge [sflag:s23], $0x1  }
0xa3: {  	[sflag:s23] =	ssyncset.done $0x0  }
0xa4: {  	s25 =	simm.s32 $0x1B8E;
	s24 =	sld [smem:$0x3FFE];
	[sflag:s23] =	ssyncadd.s32 $0xFFFFFFFF  }
0xa5: {  	s26 =	simm.s32 $execute0_lowered;
	[smem:$0x3FD2] =	sst s25  }
0xa6: {  	s5 =	sshll.u32 s26, $0x1;
	_ =	strace $0x8000004C;
	[dreg:$0x1] =	wrdreg $0xFFFFFFFF  }
0xa7: {  	s28 =	simm.s32 $_size_execute0_lowered;
	s3 =	sadd.s32 s3, s5;
	[dreg:$0x0] =	wrdreg $0x0  }
0xa8: {  	s5 =	sshll.u32 s28, $0x1;
	[dreg:$0x2] =	wrdreg s3  }
0xa9: {  	[dreg:$0x3] =	wrdreg s5  }
0xaa: {  	[dreg:$0x4] =	wrdreg $0xC0  }
0xab: {  	_ =	task [dreg:s7], $0x5FFFF  }
0xac: {  	[dreg:$0x1] =	wrdreg $0xFFFFFFFF  }
0xad: {  	[dreg:$0x0] =	wrdreg $0x60  }
0xae: {  	[dreg:$0x2] =	wrdreg s2  }
0xaf: {  	[dreg:$0x3] =	wrdreg s24  }
0xb0: {  	[dreg:$0x4] =	wrdreg $0x9  }
0xb1: {  	_ =	task.clear_ibuf [dreg:s7], $0x5FFFF;
	_ =	strace $0x9000004C  }
0xb2: {  	s29 =	simm.s32 $0x9;
	_ =	strace $0x8000004E  }
0xb3: {  	_ =	swait.ge [sflag:s29], $0x1  }
0xb4: {  	[sflag:s29] =	ssyncadd.s32 $0xFFFFFFFF  }
0xb5: {  	_ =	strace $0x9000004E  }
0xb6: {  	_ =	sfence  }
0xb7: {  	s30 =	sld [smem:$0x0];
	_ =	sdelay $0x2  }
0xb8: {  	s31 =	sshll.u32 s1, $0xD;
	s1 =	sshrl.u32 s1, $0x2  }
0xb9: {  	s3 =	sand.u32 $0x4000, s31;
	s1 =	sadd.s32 s1, s30  }
0xba: {  	s0 =	sor.u32 s3, s0;
	s1 =	sshll.u32 s1, $0x11  }
0xbb: {  	s0 =	sor.u32 s1, s0  }
0xbc: {  	s0 =	sadd.s32 $0x8F2B, s0  }
0xbd: {  	[sflag:s0] =	ssyncadd.remote.s32 $0x1  }
0xbe: {  	_ =	sfence.sel $0xFFFF  }
0xbf: {  	[dreg:$0x0] =	wrdreg $0xFFFFFFFF;
	(pc) =	sbr.abs _section_cstart, $3  }
0xc0: {  	[dreg:$0x1] =	wrdreg $0xFFFFFFFF  }
0xc1: {  	_ =	task.clear_ibuf [dreg:s7], $0x2FFFF;
	_ =	strace $0x9FFFFFFF  }
0xc2: {  	(tm) =	ssettm $0x7FFFFFFF  }
0xc3: {  	_ =	shalt  }
tec
execute0_lowered:
.L_overlay_start_1:
0x0: {  	(tag) =	ssettag $0x1  }
0x1: {  	s0 =	rddreg [dreg:$0x1];
	s3 =	simm.s32 $0x0  }
0x2: {  	s1 =	srdreg.scid;
	s2 =	stileid.u32;
	s13 =	simm.s32 $0x2  }
0x3: {  	s16 =	simm.s32 $0x80;
	s17 =	simm.s32 $0xFC40;
	s14 =	simm.s32 $0x14440  }
0x4: {  	s15 =	simm.s32 $0x14840;
	s18 =	simm.s32 $0x13DC0;
	s19 =	simm.s32 $0x14C40  }
0x5: {  	s20 =	simm.s32 $0x13E40;
	s21 =	simm.s32 $0x15040;
	s22 =	simm.s32 $0x13EC0  }
0x6: {  	s23 =	simm.s32 $0x15440;
	s24 =	simm.s32 $0x13F40;
	s25 =	simm.s32 $0x15840  }
0x7: {  	s26 =	simm.s32 $0x13FC0;
	s28 =	simm.s32 $0x15C40;
	[smem:$0x7FF] =	sst s3  }
0x8: {  	s1 =	sand.u32 $0x1, s1;
	s2 =	sshll.u32 s2, $0x1;
	s4 =	sadd.s32 $0x3F000, s0  }
0x9: {  	s5 =	sadd.s32 $0x20600, s0;
	s30 =	sadd.s32 $0x20400, s0;
	s7 =	sadd.s32 $0xF83400, s0  }
0xa: {  	s8 =	sadd.s32 $0x41000, s0;
	_ =	strace $0x8000004D;
	[dreg:$0x3] =	wrdreg s4  }
0xb: {  	s2 =	sor.u32 s1, s2;
	[dreg:$0x4] =	wrdreg s30;
	s1 =	ssub.s32 $0x2, s1  }
0xc: {  	s4 =	simm.s32 $0x7C40;
	p0 =	seq.s32 s2, $0x1F;
	s31 =	sshrl.u32 s1, $0x1  }
0xd: {  	v1 =	vlaneseq.u32;
	s9 =	smul.u32 $0x7A00, s2;
	s2 =	simm.s32 $0x1;
	s4 =	simm.s32 @!p0 $0x7A00  }
0xe: {  	v0 =	vmul.u32 $0x10, v1;
	v2 =	vmul.u32 $0xFFFFFFFF, v1;
	s0 =	ssub.s32 s1, s31;
	s1 =	simm.s32 $0x13D40;
	s6 =	sadd.s32 $0x3C0, s4  }
0xf: {  	s11 =	sadd.s32 $0xFFFFFC00, s4;
	s0 =	smax.u32 s0, $0x1;
	s4 =	simm.s32 $0x0  }
0x10: {  	v3 =	vimm.s32 $0x0;
	v1 =	vor.u32 $0x100, v0;
	v2 =	vadd.s32 $0xF, v2;
	s10 =	sshrl.u32 s6, $0xA;
	[dreg:$0x5] =	wrdreg s0;
	s6 =	simm.s32 $0x14040  }
.LBB2_1:
0x11: {  	[dreg:$0x6] =	wrdreg s4  }
0x12: {  	s0 =	rddreg [dreg:$0x3]  }
0x13: {  	[tilespmem:s3], [sflag:$0x2] =	stream.linear.gather [hbm4b:s0+s3], $0xF440, $0x38;
	[tilespmem:$0x16240] =	vst v63  }
0x14: {  	_ =	swait.ge [sflag:s13], $0xF440  }
0x15: {  	[sflag:s13] =	ssyncset.done $0x0  }
0x16: {  	s31 =	simm.s32 $0x16040;
	s30 =	rddreg [dreg:$0x4];
	[sflag:s13] =	ssyncadd.s32 $0xFFFF0BC0  }
0x17: {  	[tilespmem:s31], [sflag:$0x2] =	stream.linear.gather [hbm4b:s30+s3], $0x200, $0x38;
	[tilespmem:$0x16240] =	vst v63  }
0x18: {  	_ =	swait.ge [sflag:s13], $0x200  }
0x19: {  	[sflag:s13] =	ssyncset.done $0x0  }
0x1a: {  	[sflag:s13] =	ssyncadd.s32 $0xFFFFFE00  }
0x1b: {  	v4 =	vld.idx.msk [tilespmem:v0+s31+$0x0], $0xffff  }
0x1c: {  	v5 =	vld.idx.msk [tilespmem:v1+s31+$0x0], $0xffff;
	_ =	sdelay $0x3  }
0x1d: {  	(xrf2) =	vadd.scan.msk.f32 $0xffff, v4  }
0x1e: {  	(xrf2) =	vadd.scan.msk.f32 $0xffff, v5;
	_ =	sdelay $0x8  }
0x1f: {  	v4, _, _ =	vpop (xrf2)  }
0x20: {  	v4 =	vperm.xlane v4, v2;
	v5, _, _ =	vpop (xrf2)  }
0x21: {  	v5 =	vperm.xlane v5, v2  }
0x22: {  	(xrf0) =	vmax.scan.msk.f32 $0xffff, v4  }
0x23: {  	(xrf0) =	vmax.scan.msk.f32 $0xffff, v5;
	_ =	sdelay $0x4  }
0x24: {  	v4, _, _ =	vpop (xrf0)  }
0x25: {  	v5, _, _ =	vpop (xrf0)  }
0x26: {  	s29 =	simm.s32 $0x0;
	v4 =	vadd.f32 v5, v4  }
.LBB2_2:
0x27: {  	s0 =	sshll.u32 s29, $0xA  }
0x28: {  	s4 =	smov.u32 s11;
	p0 =	slt.s32 s0, s11  }
0x29: {  	s4 =	smov.u32 @p0 s0  }
0x2a: {  	s30 =	sadd.s32 s9, s4  }
0x2b: {  	s31 =	rddreg [dreg:$0x0];
	s12 =	sshrl.u32 s30, $0x3  }
0x2c: {  	s0 =	simm.s32 $0x0;
	s4 =	sadd.s32 s31, s12;
	s12 =	simm.s32 $0xF440  }
0x2d: {  	[tilespmem:s12], [sflag:$0x2] =	stream.linear.gather [hbm4b:s4+s0], $0x400, $0x38;
	[tilespmem:$0x16240] =	vst v63  }
0x2e: {  	_ =	swait.ge [sflag:s13], $0x400  }
0x2f: {  	[sflag:s13] =	ssyncset.done $0x0  }
0x30: {  	[sflag:s13] =	ssyncadd.s32 $0xFFFFFC00  }
.LBB2_3:
0x31: {  	s4 =	sshll.u32 s0, $0x4  }
0x32: {  	v7 =	vld [tilespmem:s4+$0xF440];
	_ =	sdelay $0x3  }
0x33: {  	v5 =	vimm.s32 $0x0;
	v6 =	vimm.s32 $0xF424  }
0x34: {  	s12 =	simm.s32 $0xF;
	v8 =	vadd.s32 v5, v6;
	v7 =	vmul.f32 v7, v4  }
.LBB2_4:
0x35: {  	p0 =	sne.s32 s12, $0x1;
	v8 =	vshra.s32 v8, $0x1  }
0x36: {  	vm0 =	vlt.s32 v8, $0xF423;
	v9 =	vadd.s32 $0x1, v8  }
0x37: {  	v10 =	vnsel vm0, $0xF423, v8;
	_ =	sdelay $0x4  }
0x38: {  	v10 =	vld.idx.msk [tilespmem:v10+s3+$0x0], $0xffff;
	_ =	sdelay $0x5  }
.Ltmp0:
0x39: {  	vm0 =	vlt.f32 v10, v7;
	(pc) =	sbr.rel @p0 .LBB2_4-.Ltmp0, $4  }
0x3a: {  	vm2 =	vlt.s32 v5, v6;
	vm1 =	vmneg vm0  }
0x3b: {  	vm0 =	vmand vm2, vm0;
	vm1 =	vmand vm2, vm1  }
0x3c: {  	v5 =	vsel vm0, v9, v5;
	v6 =	vsel vm1, v8, v6  }
0x3d: {  	s12 =	sadd.s32 $0xFFFFFFFF, s12;
	v8 =	vadd.s32 v5, v6  }
0x3e: {  	v8 =	vshra.s32 v8, $0x1  }
0x3f: {  	vm0 =	vlt.s32 v8, $0xF423  }
0x40: {  	v9 =	vnsel vm0, $0xF423, v8;
	_ =	sdelay $0x4  }
0x41: {  	v9 =	vld.idx.msk [tilespmem:v9+s3+$0x0], $0xffff;
	_ =	sdelay $0x3  }
0x42: {  	s0 =	sadd.s32 $0x1, s0  }
0x43: {  	vm1 =	vlt.s32 v5, v6;
	p0 =	sne.s32 s0, $0x40;
	vm15 =	vlt.f32 v9, v7  }
.Ltmp1:
0x44: {  	v6 =	vadd.s32 $0x1, v8;
	vm0 =	vmand vm1, vm15;
	(pc) =	sbr.rel @p0 .LBB2_3-.Ltmp1, $4  }
0x45: {  	v5 =	vsel vm0, v6, v5  }
0x46: {  	vm0 =	vlt.s32 v5, $0xF423  }
0x47: {  	v5 =	vnsel vm0, $0xF423, v5  }
0x48: {  	[tilespmem:s4+$0xF840] =	vst v5  }
0x49: {  	s0 =	simm.s32 $0xF840  }
0x4a: {  	[tilespmem:s17], [sflag:$0x1] =	stream.indirect.gather [hbm4b:s5+s16], $0x10, s0, s16, $0xb8;
	[tilespmem:$0x16240] =	vst v63  }
0x4b: {  	s4 =	simm.s32 $0xF8C0;
	s12 =	simm.s32 $0x10440  }
0x4c: {  	[tilespmem:s12], [sflag:$0x1] =	stream.indirect.gather [hbm4b:s5+s16], $0x10, s4, s16, $0xb8;
	[tilespmem:$0x16240] =	vst v63  }
0x4d: {  	s4 =	simm.s32 $0xF940;
	s12 =	simm.s32 $0x10C40  }
0x4e: {  	[tilespmem:s12], [sflag:$0x1] =	stream.indirect.gather [hbm4b:s5+s16], $0x10, s4, s16, $0xb8;
	[tilespmem:$0x16240] =	vst v63  }
0x4f: {  	s4 =	simm.s32 $0xF9C0;
	s12 =	simm.s32 $0x11440  }
0x50: {  	[tilespmem:s12], [sflag:$0x1] =	stream.indirect.gather [hbm4b:s5+s16], $0x10, s4, s16, $0xb8;
	[tilespmem:$0x16240] =	vst v63  }
0x51: {  	s4 =	simm.s32 $0xFA40;
	s12 =	simm.s32 $0x11C40  }
0x52: {  	[tilespmem:s12], [sflag:$0x1] =	stream.indirect.gather [hbm4b:s5+s16], $0x10, s4, s16, $0xb8;
	[tilespmem:$0x16240] =	vst v63  }
0x53: {  	s4 =	simm.s32 $0xFAC0;
	s12 =	simm.s32 $0x12440  }
0x54: {  	[tilespmem:s12], [sflag:$0x1] =	stream.indirect.gather [hbm4b:s5+s16], $0x10, s4, s16, $0xb8;
	[tilespmem:$0x16240] =	vst v63  }
0x55: {  	s4 =	simm.s32 $0xFB40;
	s12 =	simm.s32 $0x12C40  }
0x56: {  	[tilespmem:s12], [sflag:$0x1] =	stream.indirect.gather [hbm4b:s5+s16], $0x10, s4, s16, $0xb8;
	[tilespmem:$0x16240] =	vst v63  }
0x57: {  	s4 =	simm.s32 $0xFBC0;
	s12 =	simm.s32 $0x13440  }
0x58: {  	[tilespmem:s12], [sflag:$0x1] =	stream.indirect.gather [hbm4b:s5+s16], $0x10, s4, s16, $0xb8;
	[tilespmem:$0x16240] =	vst v63  }
0x59: {  	_ =	swait.ge [sflag:s2], $0x800  }
0x5a: {  	[sflag:s2] =	ssyncset.done $0x0  }
0x5b: {  	[sflag:s2] =	ssyncadd.s32 $0xFFFFF800  }
0x5c: {  	_ =	swait.ge [sflag:s2], $0x800  }
0x5d: {  	[sflag:s2] =	ssyncset.done $0x0  }
0x5e: {  	[sflag:s2] =	ssyncadd.s32 $0xFFFFF800  }
0x5f: {  	_ =	swait.ge [sflag:s2], $0x800  }
0x60: {  	[sflag:s2] =	ssyncset.done $0x0  }
0x61: {  	[sflag:s2] =	ssyncadd.s32 $0xFFFFF800  }
0x62: {  	_ =	swait.ge [sflag:s2], $0x800  }
0x63: {  	[sflag:s2] =	ssyncset.done $0x0  }
0x64: {  	[sflag:s2] =	ssyncadd.s32 $0xFFFFF800  }
0x65: {  	_ =	swait.ge [sflag:s2], $0x800  }
0x66: {  	[sflag:s2] =	ssyncset.done $0x0  }
0x67: {  	[sflag:s2] =	ssyncadd.s32 $0xFFFFF800  }
0x68: {  	_ =	swait.ge [sflag:s2], $0x800  }
0x69: {  	[sflag:s2] =	ssyncset.done $0x0  }
0x6a: {  	s12 =	simm.s32 $0x0;
	[sflag:s2] =	ssyncadd.s32 $0xFFFFF800  }
0x6b: {  	v5 =	vmov s12;
	_ =	swait.ge [sflag:s2], $0x800  }
0x6c: {  	v5 =	vshll.u32 v5, $0x4;
	[sflag:s2] =	ssyncset.done $0x0  }
0x6d: {  	v5 =	vor.u32 v0, v5;
	[sflag:s2] =	ssyncadd.s32 $0xFFFFF800  }
0x6e: {  	v6 =	vor.u32 $0x1, v5;
	_ =	swait.ge [sflag:s2], $0x800  }
0x6f: {  	[sflag:s2] =	ssyncset.done $0x0  }
0x70: {  	s12 =	simm.s32 $0xF440;
	v7 =	vor.u32 $0x2, v5;
	[sflag:s2] =	ssyncadd.s32 $0xFFFFF800  }
0x71: {  	v8 =	vor.u32 $0x3, v5;
	v9 =	vld [tilespmem:s12+$0x0]  }
0x72: {  	v10 =	vor.u32 $0x4, v5;
	v11 =	vld.idx.msk [tilespmem:v5+s17+$0x0], $0xffff  }
0x73: {  	v12 =	vor.u32 $0x5, v5;
	v6 =	vld.idx.msk [tilespmem:v6+s17+$0x0], $0xffff  }
0x74: {  	v13 =	vor.u32 $0x6, v5;
	v14 =	vld [tilespmem:s0+$0x0]  }
0x75: {  	v16 =	vor.u32 $0x7, v5;
	v17 =	vor.u32 $0x8, v5;
	v18 =	vor.u32 $0x9, v5;
	v7 =	vld.idx.msk [tilespmem:v7+s17+$0x0], $0xffff  }
0x76: {  	v19 =	vor.u32 $0xF, v5;
	v20 =	vor.u32 $0xA, v5;
	s12 =	simm.s32 $0x10;
	v8 =	vld.idx.msk [tilespmem:v8+s17+$0x0], $0xffff;
	v9 =	vmul.f32 v9, v4  }
0x77: {  	v21 =	vor.u32 $0xD, v5;
	v22 =	vor.u32 $0xE, v5;
	v10 =	vld.idx.msk [tilespmem:v10+s17+$0x0], $0xffff;
	v15 =	vmov s12  }
0x78: {  	v12 =	vld.idx.msk [tilespmem:v12+s17+$0x0], $0xffff;
	vm0 =	vlt.f32 v11, v9;
	v11 =	vor.u32 $0xB, v5;
	v5 =	vor.u32 $0xC, v5  }
0x79: {  	v13 =	vld.idx.msk [tilespmem:v13+s17+$0x0], $0xffff;
	vm8 =	vlt.f32 v6, v9;
	v6 =	vshll.u32 v14, $0x4;
	v23 =	vsel vm0, $0x1, v3  }
0x7a: {  	v35 =	vld.idx.msk [tilespmem:v16+s17+$0x0], $0xffff;
	vm9 =	vlt.f32 v7, v9;
	v36 =	vsel vm8, $0x1, v3;
	v6 =	vor.u32 v23, v6  }
0x7b: {  	v7 =	vld.idx.msk [tilespmem:v17+s17+$0x0], $0xffff;
	vm10 =	vlt.f32 v8, v9;
	v37 =	vsel vm9, $0x1, v3;
	v6 =	vadd.s32 v36, v6  }
0x7c: {  	v8 =	vld.idx.msk [tilespmem:v18+s17+$0x0], $0xffff;
	vm11 =	vlt.f32 v10, v9;
	v38 =	vsel vm10, $0x1, v3;
	v6 =	vadd.s32 v37, v6  }
0x7d: {  	v10 =	vld.idx.msk [tilespmem:v20+s17+$0x0], $0xffff;
	vm12 =	vlt.f32 v12, v9;
	v39 =	vsel vm11, $0x1, v3;
	v6 =	vadd.s32 v38, v6  }
0x7e: {  	vm13 =	vlt.f32 v13, v9;
	v12 =	vsel vm12, $0x1, v3;
	v11 =	vld.idx.msk [tilespmem:v11+s17+$0x0], $0xffff;
	v6 =	vadd.s32 v39, v6  }
0x7f: {  	vm14 =	vlt.f32 v35, v9;
	v13 =	vsel vm13, $0x1, v3;
	v5 =	vld.idx.msk [tilespmem:v5+s17+$0x0], $0xffff;
	v6 =	vadd.s32 v12, v6  }
0x80: {  	v40 =	vld.idx.msk [tilespmem:v21+s17+$0x0], $0xffff;
	v14 =	vsel vm14, $0x1, v3;
	vm15 =	vlt.f32 v7, v9;
	v6 =	vadd.s32 v13, v6  }
0x81: {  	v7 =	vld.idx.msk [tilespmem:v22+s17+$0x0], $0xffff;
	vm4 =	vlt.f32 v8, v9;
	v41 =	vsel vm15, $0x1, v3;
	v6 =	vadd.s32 v14, v6  }
0x82: {  	v8 =	vld.idx.msk [tilespmem:v19+s17+$0x0], $0xffff;
	vm5 =	vlt.f32 v10, v9;
	v42 =	vsel vm4, $0x1, v3;
	v6 =	vadd.s32 v41, v6  }
0x83: {  	v10 =	vsel vm5, $0x1, v3;
	vm6 =	vlt.f32 v11, v9;
	v6 =	vadd.s32 v42, v6  }
0x84: {  	vm7 =	vlt.f32 v5, v9;
	v11 =	vsel vm6, $0x1, v3;
	v5 =	vadd.s32 v10, v6  }
0x85: {  	vm8 =	vlt.f32 v40, v9;
	v6 =	vsel vm7, $0x1, v3;
	v5 =	vadd.s32 v11, v5  }
0x86: {  	vm9 =	vlt.f32 v7, v9;
	v10 =	vsel vm8, $0x1, v3;
	v5 =	vadd.s32 v6, v5  }
0x87: {  	vm10 =	vlt.f32 v8, v9;
	v6 =	vsel vm9, $0x1, v3;
	v5 =	vadd.s32 v10, v5  }
0x88: {  	v7 =	vshll.u32 v15, $0x4;
	v8 =	vsel vm10, $0x1, v3;
	v5 =	vadd.s32 v6, v5  }
0x89: {  	v6 =	vor.u32 v0, v7;
	v5 =	vadd.s32 v8, v5  }
0x8a: {  	vm11 =	vlt.s32 v5, $0xF423F  }
0x8b: {  	s31 =	simm.s32 $0x13C40;
	v7 =	vor.u32 $0x1, v6;
	v5 =	vnsel vm11, $0xF423F, v5  }
0x8c: {  	s0 =	simm.s32 $0xF450;
	v8 =	vor.u32 $0x2, v6;
	[tilespmem:s31+$0x0] =	vst v5  }
0x8d: {  	v9 =	vor.u32 $0x3, v6;
	v10 =	vld [tilespmem:s0+$0x0]  }
0x8e: {  	s4 =	simm.s32 $0xF850;
	v11 =	vor.u32 $0x4, v6;
	v43 =	vld.idx.msk [tilespmem:v6+s17+$0x0], $0xffff  }
0x8f: {  	v44 =	vor.u32 $0x5, v6;
	v46 =	vld [tilespmem:s4+$0x0]  }
0x90: {  	v45 =	vor.u32 $0x6, v6;
	v47 =	vor.u32 $0x7, v6;
	v48 =	vor.u32 $0x8, v6;
	v7 =	vld.idx.msk [tilespmem:v7+s17+$0x0], $0xffff  }
0x91: {  	s12 =	simm.s32 $0x20;
	v49 =	vor.u32 $0x9, v6;
	v50 =	vor.u32 $0xF, v6;
	v51 =	vor.u32 $0xA, v6;
	v8 =	vld.idx.msk [tilespmem:v8+s17+$0x0], $0xffff  }
0x92: {  	v52 =	vor.u32 $0xD, v6;
	v5 =	vmov s12;
	v9 =	vld.idx.msk [tilespmem:v9+s17+$0x0], $0xffff;
	v10 =	vmul.f32 v10, v4  }
0x93: {  	v53 =	vor.u32 $0xE, v6;
	v54 =	vor.u32 $0xB, v6;
	v5 =	vshll.u32 v5, $0x4;
	v11 =	vld.idx.msk [tilespmem:v11+s17+$0x0], $0xffff  }
0x94: {  	v6 =	vor.u32 $0xC, v6;
	v5 =	vor.u32 v0, v5;
	v13 =	vld.idx.msk [tilespmem:v44+s17+$0x0], $0xffff;
	vm12 =	vlt.f32 v43, v10  }
0x95: {  	v14 =	vld.idx.msk [tilespmem:v45+s17+$0x0], $0xffff;
	vm13 =	vlt.f32 v7, v10;
	v7 =	vshll.u32 v46, $0x4;
	v55 =	vsel vm12, $0x1, v3  }
0x96: {  	v56 =	vld.idx.msk [tilespmem:v47+s17+$0x0], $0xffff;
	vm14 =	vlt.f32 v8, v10;
	v57 =	vsel vm13, $0x1, v3;
	v7 =	vor.u32 v55, v7  }
0x97: {  	v8 =	vld.idx.msk [tilespmem:v48+s17+$0x0], $0xffff;
	vm15 =	vlt.f32 v9, v10;
	v58 =	vsel vm14, $0x1, v3;
	v7 =	vadd.s32 v57, v7  }
0x98: {  	v9 =	vld.idx.msk [tilespmem:v49+s17+$0x0], $0xffff;
	vm4 =	vlt.f32 v11, v10;
	v59 =	vsel vm15, $0x1, v3;
	v7 =	vadd.s32 v58, v7  }
0x99: {  	v11 =	vld.idx.msk [tilespmem:v51+s17+$0x0], $0xffff;
	vm5 =	vlt.f32 v13, v10;
	v60 =	vsel vm4, $0x1, v3;
	v7 =	vadd.s32 v59, v7  }
0x9a: {  	v12 =	vld.idx.msk [tilespmem:v54+s17+$0x0], $0xffff;
	vm6 =	vlt.f32 v14, v10;
	v13 =	vsel vm5, $0x1, v3;
	v7 =	vadd.s32 v60, v7  }
0x9b: {  	v6 =	vld.idx.msk [tilespmem:v6+s17+$0x0], $0xffff;
	vm7 =	vlt.f32 v56, v10;
	v14 =	vsel vm6, $0x1, v3;
	v7 =	vadd.s32 v13, v7  }
0x9c: {  	v61 =	vld.idx.msk [tilespmem:v52+s17+$0x0], $0xffff;
	v15 =	vsel vm7, $0x1, v3;
	vm8 =	vlt.f32 v8, v10;
	v7 =	vadd.s32 v14, v7  }
0x9d: {  	v8 =	vld.idx.msk [tilespmem:v53+s17+$0x0], $0xffff;
	vm9 =	vlt.f32 v9, v10;
	v62 =	vsel vm8, $0x1, v3;
	v7 =	vadd.s32 v15, v7  }
0x9e: {  	v9 =	vld.idx.msk [tilespmem:v50+s17+$0x0], $0xffff;
	vm10 =	vlt.f32 v11, v10;
	v63 =	vsel vm9, $0x1, v3;
	v7 =	vadd.s32 v62, v7  }
0x9f: {  	vm11 =	vlt.f32 v12, v10;
	v11 =	vsel vm10, $0x1, v3;
	v7 =	vadd.s32 v63, v7  }
0xa0: {  	v12 =	vsel vm11, $0x1, v3;
	vm12 =	vlt.f32 v6, v10;
	v6 =	vadd.s32 v11, v7  }
0xa1: {  	vm13 =	vlt.f32 v61, v10;
	v7 =	vsel vm12, $0x1, v3;
	v6 =	vadd.s32 v12, v6  }
0xa2: {  	vm14 =	vlt.f32 v8, v10;
	v11 =	vsel vm13, $0x1, v3;
	v6 =	vadd.s32 v7, v6  }
0xa3: {  	vm15 =	vlt.f32 v9, v10;
	v8 =	vsel vm14, $0x1, v3;
	v9 =	vadd.s32 v11, v6  }
0xa4: {  	s12 =	simm.s32 $0x30;
	v7 =	vsel vm15, $0x1, v3;
	v6 =	vor.u32 $0x2, v5;
	v8 =	vadd.s32 v8, v9  }
.LBB2_7:
0xa5: {  	p0 =	sne.s32 s12, $0x3F0;
	v7 =	vadd.s32 v7, v8  }
0xa6: {  	vm0 =	vlt.s32 v7, $0xF423F  }
0xa7: {  	v8 =	vor.u32 $0x1, v5;
	s31 =	sadd.s32 $0x10, s31;
	v7 =	vnsel vm0, $0xF423F, v7  }
0xa8: {  	[tilespmem:s31+$0x0] =	vst v7  }
0xa9: {  	s0 =	sadd.s32 $0x10, s0;
	v7 =	vor.u32 $0x3, v5;
	v6 =	vld.idx.msk [tilespmem:v6+s17+$0x0], $0xffff  }
0xaa: {  	v10 =	vor.u32 $0x4, v5;
	v9 =	vld [tilespmem:s0+$0x0]  }
0xab: {  	v12 =	vor.u32 $0x5, v5;
	v11 =	vld.idx.msk [tilespmem:v5+s17+$0x0], $0xffff  }
0xac: {  	v13 =	vmov s12;
	v14 =	vor.u32 $0x6, v5;
	s4 =	sadd.s32 $0x10, s4;
	v8 =	vld.idx.msk [tilespmem:v8+s17+$0x0], $0xffff  }
0xad: {  	v16 =	vor.u32 $0x7, v5;
	v13 =	vshll.u32 v13, $0x4;
	v15 =	vld [tilespmem:s4+$0x0]  }
0xae: {  	v17 =	vor.u32 $0x8, v5;
	v13 =	vor.u32 v0, v13;
	v7 =	vld.idx.msk [tilespmem:v7+s17+$0x0], $0xffff  }
0xaf: {  	v18 =	vor.u32 $0x9, v5;
	v19 =	vor.u32 $0xF, v5;
	v9 =	vmul.f32 v9, v4;
	v10 =	vld.idx.msk [tilespmem:v10+s17+$0x0], $0xffff  }
0xb0: {  	v20 =	vor.u32 $0xA, v5;
	v21 =	vor.u32 $0xD, v5;
	v22 =	vor.u32 $0xE, v5;
	v12 =	vld.idx.msk [tilespmem:v12+s17+$0x0], $0xffff  }
0xb1: {  	v23 =	vor.u32 $0xC, v5;
	vm0 =	vlt.f32 v11, v9;
	v11 =	vld.idx.msk [tilespmem:v14+s17+$0x0], $0xffff;
	v14 =	vor.u32 $0xB, v5;
	v5 =	vmovc v13  }
0xb2: {  	v13 =	vsel vm0, $0x1, v3;
	vm0 =	vlt.f32 v8, v9;
	v8 =	vld.idx.msk [tilespmem:v16+s17+$0x0], $0xffff;
	v15 =	vshll.u32 v15, $0x4  }
0xb3: {  	v16 =	vsel vm0, $0x1, v3;
	vm0 =	vlt.f32 v6, v9;
	v6 =	vld.idx.msk [tilespmem:v17+s17+$0x0], $0xffff;
	v13 =	vor.u32 v13, v15  }
0xb4: {  	v15 =	vsel vm0, $0x1, v3;
	vm0 =	vlt.f32 v7, v9;
	v7 =	vld.idx.msk [tilespmem:v18+s17+$0x0], $0xffff;
	v13 =	vadd.s32 v16, v13  }
0xb5: {  	v16 =	vsel vm0, $0x1, v3;
	vm0 =	vlt.f32 v10, v9;
	v10 =	vld.idx.msk [tilespmem:v20+s17+$0x0], $0xffff;
	v13 =	vadd.s32 v15, v13  }
0xb6: {  	v15 =	vsel vm0, $0x1, v3;
	vm0 =	vlt.f32 v12, v9;
	v12 =	vld.idx.msk [tilespmem:v14+s17+$0x0], $0xffff;
	v13 =	vadd.s32 v16, v13  }
0xb7: {  	v14 =	vsel vm0, $0x1, v3;
	vm0 =	vlt.f32 v11, v9;
	v11 =	vld.idx.msk [tilespmem:v23+s17+$0x0], $0xffff;
	v13 =	vadd.s32 v15, v13  }
0xb8: {  	v15 =	vsel vm0, $0x1, v3;
	vm0 =	vlt.f32 v8, v9;
	v8 =	vld.idx.msk [tilespmem:v21+s17+$0x0], $0xffff;
	v13 =	vadd.s32 v14, v13  }
0xb9: {  	v14 =	vsel vm0, $0x1, v3;
	vm0 =	vlt.f32 v6, v9;
	v6 =	vld.idx.msk [tilespmem:v22+s17+$0x0], $0xffff;
	v13 =	vadd.s32 v15, v13  }
0xba: {  	v15 =	vsel vm0, $0x1, v3;
	vm0 =	vlt.f32 v7, v9;
	v7 =	vld.idx.msk [tilespmem:v19+s17+$0x0], $0xffff;
	v13 =	vadd.s32 v14, v13  }
0xbb: {  	v14 =	vsel vm0, $0x1, v3;
	vm0 =	vlt.f32 v10, v9;
	v10 =	vadd.s32 v15, v13  }
0xbc: {  	v13 =	vsel vm0, $0x1, v3;
	vm0 =	vlt.f32 v12, v9;
	v10 =	vadd.s32 v14, v10  }
.Ltmp2:
0xbd: {  	v12 =	vsel vm0, $0x1, v3;
	vm0 =	vlt.f32 v11, v9;
	v10 =	vadd.s32 v13, v10;
	(pc) =	sbr.rel @p0 .LBB2_7-.Ltmp2, $4  }
0xbe: {  	v11 =	vsel vm0, $0x1, v3;
	vm0 =	vlt.f32 v8, v9;
	v8 =	vadd.s32 v12, v10  }
0xbf: {  	v10 =	vsel vm0, $0x1, v3;
	vm0 =	vlt.f32 v6, v9;
	v6 =	vadd.s32 v11, v8  }
0xc0: {  	v8 =	vsel vm0, $0x1, v3;
	vm0 =	vlt.f32 v7, v9;
	v9 =	vadd.s32 v10, v6  }
0xc1: {  	s12 =	sadd.s32 $0x10, s12;
	v6 =	vor.u32 $0x2, v5;
	v7 =	vsel vm0, $0x1, v3;
	v8 =	vadd.s32 v8, v9  }
0xc2: {  	v7 =	vadd.s32 v7, v8  }
0xc3: {  	vm0 =	vlt.s32 v7, $0xF423F  }
0xc4: {  	v47 =	vor.u32 $0x1, v5;
	s12 =	sadd.s32 $0x10, s31;
	v7 =	vnsel vm0, $0xF423F, v7  }
0xc5: {  	s0 =	sadd.s32 $0x10, s0;
	[tilespmem:s12+$0x0] =	vst v7  }
0xc6: {  	v9 =	vor.u32 $0x3, v5;
	s4 =	sadd.s32 $0x10, s4;
	v7 =	vld [tilespmem:s0+$0x0]  }
0xc7: {  	v11 =	vor.u32 $0x4, v5;
	v10 =	vld [tilespmem:s4+$0x0]  }
0xc8: {  	v13 =	vor.u32 $0x5, v5;
	v12 =	vld.idx.msk [tilespmem:v5+s17+$0x0], $0xffff  }
0xc9: {  	v14 =	vor.u32 $0x6, v5;
	v8 =	vld.idx.msk [tilespmem:v47+s17+$0x0], $0xffff  }
0xca: {  	v15 =	vor.u32 $0x7, v5;
	v16 =	vor.u32 $0x8, v5;
	v6 =	vld.idx.msk [tilespmem:v6+s17+$0x0], $0xffff  }
0xcb: {  	v17 =	vor.u32 $0x9, v5;
	v18 =	vor.u32 $0xF, v5;
	v9 =	vld.idx.msk [tilespmem:v9+s17+$0x0], $0xffff;
	v7 =	vmul.f32 v7, v4  }
0xcc: {  	v19 =	vor.u32 $0xA, v5;
	v20 =	vor.u32 $0xD, v5;
	v21 =	vor.u32 $0xE, v5;
	v11 =	vld.idx.msk [tilespmem:v11+s17+$0x0], $0xffff  }
0xcd: {  	v48 =	vor.u32 $0xB, v5;
	v5 =	vor.u32 $0xC, v5;
	v13 =	vld.idx.msk [tilespmem:v13+s17+$0x0], $0xffff;
	vm11 =	vlt.f32 v12, v7  }
0xce: {  	v14 =	vld.idx.msk [tilespmem:v14+s17+$0x0], $0xffff;
	v49 =	vshll.u32 v10, $0x4;
	vm12 =	vlt.f32 v8, v7;
	v22 =	vsel vm11, $0x1, v3  }
0xcf: {  	v50 =	vld.idx.msk [tilespmem:v15+s17+$0x0], $0xffff;
	vm13 =	vlt.f32 v6, v7;
	v51 =	vsel vm12, $0x1, v3;
	v6 =	vor.u32 v22, v49  }
0xd0: {  	v52 =	vld.idx.msk [tilespmem:v16+s17+$0x0], $0xffff;
	vm14 =	vlt.f32 v9, v7;
	v53 =	vsel vm13, $0x1, v3;
	v6 =	vadd.s32 v51, v6  }
0xd1: {  	v54 =	vld.idx.msk [tilespmem:v17+s17+$0x0], $0xffff;
	vm15 =	vlt.f32 v11, v7;
	v55 =	vsel vm14, $0x1, v3;
	v6 =	vadd.s32 v53, v6  }
0xd2: {  	v56 =	vld.idx.msk [tilespmem:v19+s17+$0x0], $0xffff;
	vm4 =	vlt.f32 v13, v7;
	v57 =	vsel vm15, $0x1, v3;
	v6 =	vadd.s32 v55, v6  }
0xd3: {  	v12 =	vld.idx.msk [tilespmem:v48+s17+$0x0], $0xffff;
	vm5 =	vlt.f32 v14, v7;
	v13 =	vsel vm4, $0x1, v3;
	v6 =	vadd.s32 v57, v6  }
0xd4: {  	v5 =	vld.idx.msk [tilespmem:v5+s17+$0x0], $0xffff;
	vm6 =	vlt.f32 v50, v7;
	v14 =	vsel vm5, $0x1, v3;
	v6 =	vadd.s32 v13, v6  }
0xd5: {  	v58 =	vld.idx.msk [tilespmem:v20+s17+$0x0], $0xffff;
	vm7 =	vlt.f32 v52, v7;
	v59 =	vsel vm6, $0x1, v3;
	v6 =	vadd.s32 v14, v6  }
0xd6: {  	v60 =	vld.idx.msk [tilespmem:v21+s17+$0x0], $0xffff;
	vm8 =	vlt.f32 v54, v7;
	v61 =	vsel vm7, $0x1, v3;
	v6 =	vadd.s32 v59, v6  }
0xd7: {  	v62 =	vld.idx.msk [tilespmem:v18+s17+$0x0], $0xffff;
	vm9 =	vlt.f32 v56, v7;
	v63 =	vsel vm8, $0x1, v3;
	v6 =	vadd.s32 v61, v6  }
0xd8: {  	v11 =	vsel vm9, $0x1, v3;
	vm10 =	vlt.f32 v12, v7;
	v6 =	vadd.s32 v63, v6  }
0xd9: {  	vm11 =	vlt.f32 v5, v7;
	v12 =	vsel vm10, $0x1, v3;
	v5 =	vadd.s32 v11, v6  }
0xda: {  	vm12 =	vlt.f32 v58, v7;
	v6 =	vsel vm11, $0x1, v3;
	v5 =	vadd.s32 v12, v5  }
0xdb: {  	vm13 =	vlt.f32 v60, v7;
	v10 =	vsel vm12, $0x1, v3;
	v5 =	vadd.s32 v6, v5  }
0xdc: {  	vm14 =	vlt.f32 v62, v7;
	v6 =	vsel vm13, $0x1, v3;
	v5 =	vadd.s32 v10, v5  }
0xdd: {  	v7 =	vsel vm14, $0x1, v3;
	v5 =	vadd.s32 v6, v5  }
0xde: {  	v5 =	vadd.s32 v7, v5  }
0xdf: {  	vm15 =	vlt.s32 v5, $0xF423F  }
0xe0: {  	s31 =	sadd.s32 $0x10, s12;
	v5 =	vnsel vm15, $0xF423F, v5  }
0xe1: {  	s4 =	simm.s32 $0x13C40;
	[tilespmem:s31+$0x0] =	vst v5  }
0xe2: {  	[tilespmem:s6], [sflag:$0x1] =	stream.indirect.gather [hbm4b:s7+s16], $0x8, s4, s16, $0xb8;
	[tilespmem:$0x16240] =	vst v63  }
0xe3: {  	s12 =	simm.s32 $0x13CC0  }
0xe4: {  	[tilespmem:s14], [sflag:$0x1] =	stream.indirect.gather [hbm4b:s7+s16], $0x8, s12, s16, $0xb8;
	[tilespmem:$0x16240] =	vst v63  }
0xe5: {  	_ = 	snop  }
0xe6: {  	[tilespmem:s15], [sflag:$0x1] =	stream.indirect.gather [hbm4b:s7+s16], $0x8, s1, s16, $0xb8;
	[tilespmem:$0x16240] =	vst v63  }
0xe7: {  	_ = 	snop  }
0xe8: {  	[tilespmem:s19], [sflag:$0x1] =	stream.indirect.gather [hbm4b:s7+s16], $0x8, s18, s16, $0xb8;
	[tilespmem:$0x16240] =	vst v63  }
0xe9: {  	_ = 	snop  }
0xea: {  	[tilespmem:s21], [sflag:$0x1] =	stream.indirect.gather [hbm4b:s7+s16], $0x8, s20, s16, $0xb8;
	[tilespmem:$0x16240] =	vst v63  }
0xeb: {  	_ = 	snop  }
0xec: {  	[tilespmem:s23], [sflag:$0x1] =	stream.indirect.gather [hbm4b:s7+s16], $0x8, s22, s16, $0xb8;
	[tilespmem:$0x16240] =	vst v63  }
0xed: {  	_ = 	snop  }
0xee: {  	[tilespmem:s25], [sflag:$0x1] =	stream.indirect.gather [hbm4b:s7+s16], $0x8, s24, s16, $0xb8;
	[tilespmem:$0x16240] =	vst v63  }
0xef: {  	_ = 	snop  }
0xf0: {  	[tilespmem:s28], [sflag:$0x1] =	stream.indirect.gather [hbm4b:s7+s16], $0x8, s26, s16, $0xb8;
	[tilespmem:$0x16240] =	vst v63  }
0xf1: {  	_ =	swait.ge [sflag:s2], $0x400  }
0xf2: {  	[sflag:s2] =	ssyncset.done $0x0  }
0xf3: {  	[sflag:s2] =	ssyncadd.s32 $0xFFFFFC00  }
0xf4: {  	_ =	swait.ge [sflag:s2], $0x400  }
0xf5: {  	[sflag:s2] =	ssyncset.done $0x0  }
0xf6: {  	[sflag:s2] =	ssyncadd.s32 $0xFFFFFC00  }
0xf7: {  	_ =	swait.ge [sflag:s2], $0x400  }
0xf8: {  	[sflag:s2] =	ssyncset.done $0x0  }
0xf9: {  	[sflag:s2] =	ssyncadd.s32 $0xFFFFFC00  }
0xfa: {  	_ =	swait.ge [sflag:s2], $0x400  }
0xfb: {  	[sflag:s2] =	ssyncset.done $0x0  }
0xfc: {  	[sflag:s2] =	ssyncadd.s32 $0xFFFFFC00  }
0xfd: {  	_ =	swait.ge [sflag:s2], $0x400  }
0xfe: {  	[sflag:s2] =	ssyncset.done $0x0  }
0xff: {  	[sflag:s2] =	ssyncadd.s32 $0xFFFFFC00  }
0x100: {  	_ =	swait.ge [sflag:s2], $0x400  }
0x101: {  	[sflag:s2] =	ssyncset.done $0x0  }
0x102: {  	[sflag:s2] =	ssyncadd.s32 $0xFFFFFC00  }
0x103: {  	_ =	swait.ge [sflag:s2], $0x400  }
0x104: {  	[sflag:s2] =	ssyncset.done $0x0  }
0x105: {  	[sflag:s2] =	ssyncadd.s32 $0xFFFFFC00  }
0x106: {  	s29 =	sadd.s32 $0x1, s29;
	_ =	swait.ge [sflag:s2], $0x400  }
0x107: {  	p0 =	sne.s32 s29, s10;
	s31 =	sand.u32 $0x1FFFFE40, s30;
	[sflag:s2] =	ssyncset.done $0x0  }
.Ltmp3:
0x108: {  	s0 =	sadd.s32 s8, s31;
	[sflag:s2] =	ssyncadd.s32 $0xFFFFFC00;
	(pc) =	sbr.rel @p0 .LBB2_2-.Ltmp3, $4  }
0x109: {  	[hbm4b:s0+s3] =	stream.linear.scatter [tilespmem:s6], [sflag:$0x2], $0x2000, $0x38;
	[tilespmem:$0x16240] =	vst v63  }
0x10a: {  	_ =	swait.ge [sflag:s13], $0x2000  }
0x10b: {  	[sflag:s13] =	ssyncset.done $0x0  }
0x10c: {  	[sflag:s13] =	ssyncadd.s32 $0xFFFFE000  }
0x10d: {  	s4 =	rddreg [dreg:$0x6]  }
0x10e: {  	s0 =	rddreg [dreg:$0x5];
	s4 =	sadd.s32 $0x1, s4  }
0x10f: {  	p0 =	sne.s32 s4, s0  }
.Ltmp4:
0x110: {  	_ = 	snop;
	(pc) =	sbr.rel @p0 .LBB2_1-.Ltmp4, $1  }
0x111: {  	_ =	sdelay $0x3  }
0x112: {  	_ =	sfence.sel $0x180000  }
0x113: {  	[bflag:$0x0] =	sbarrier.arrive $0xFFFF  }
0x114: {  	_ =	strace $0x9000004D  }
0x115: {  	s0 =	stileid.u32;
	[bflag:$0x2] =	sbarrier.arrive $0xFFFF  }
0x116: {  	p0 =	sne.s32 s0, $0x0;
	s0 =	rddreg [dreg:$0x2]  }
0x117: {  	s0 =	sadd.s32 @!p0 $0x100000, s0  }
0x118: {  	[sflag:s0] =	ssyncadd.tile.s32 @!p0 $0x1;
	_ =	shalt  }
.Lfunc_end2:
_tile_overlayer_lowered:
.L_overlay_start_2:
0x119: {  	(tag) =	ssettag $0x2  }
0x11a: {  	s0 =	rddreg [dreg:$0x0];
	s2 =	stileid.u32  }
0x11b: {  	s1 =	rddreg [dreg:$0x1];
	p0 =	sne.s32 s2, $0x0  }
0x11c: {  	s3 =	rddreg [dreg:$0x2];
	[bflag:$0x3] =	sbarrier.arrive $0xFFFF;
	s2 =	simm.s32 @!p0 $0x1C02  }
0x11d: {  	[timem:s3], [sflag:s2] =	dma.local @!p0 [hbm:s0], s1  }
0x11e: {  	s0 =	simm.s32 @!p0 $0x2  }
0x11f: {  	_ =	swait.ge @!p0 [sflag:s0], s1  }
0x120: {  	s1 =	ssub.s32 @!p0 $0x0, s1;
	[sflag:s0] =	ssyncset.done @!p0 $0x0  }
0x121: {  	[sflag:s0] =	ssyncadd.s32 @!p0 s1  }
0x122: {  	[bflag:$0x3] =	sbarrier.arrive $0xFFFF  }
0x123: {  	_ =	shalt  }

// kernel: kernel.7.cloned.1.call-start
scs
__scs_entry_jumppad:
0x0: {  	(pc) =	sbr.rel $0x88, $3  }
0x1: {  	(tag) =	ssettag $0x0;
	lr =	simm.s32 $0x1  }
0x2: {  	[smem:$0x3F98] =	sst lr;
	_ =	strace $0xD0000000  }
0x3: {  	_ = 	snop  }
0x4: {  	_ = 	snop  }
0x5: {  	_ = 	snop  }
0x6: {  	_ = 	snop  }
0x7: {  	_ = 	snop  }
__scs_overlays_trampoline_lowered:
0x8: {  	[smem:$0x3FA7] =	sst s0  }
0x9: {  	[smem:$0x3FA8] =	sst s1  }
0xa: {  	[smem:$0x3FA9] =	sst s2  }
0xb: {  	[smem:$0x3FAA] =	sst s3  }
0xc: {  	[smem:$0x3FAB] =	sst s4  }
0xd: {  	[smem:$0x3FAC] =	sst s5  }
0xe: {  	[smem:$0x3FAD] =	sst s6  }
0xf: {  	[smem:$0x3FAE] =	sst s7  }
0x10: {  	[smem:$0x3FAF] =	sst s8  }
0x11: {  	[smem:$0x3FB0] =	sst s9;
	s0 =	simm.s32 @!p0 $0x0  }
0x12: {  	s1 =	sld [smem:$0x3F96];
	s0 =	simm.s32 @p0 $0x1  }
0x13: {  	[smem:$0x3FB1] =	sst s0;
	s0 =	simm.s32 @!p1 $0x0  }
0x14: {  	s2 =	sld [smem:$0x3F95];
	s0 =	simm.s32 @p1 $0x1  }
0x15: {  	[smem:$0x3FB2] =	sst s0;
	s0 =	simm.s32 @!p2 $0x0  }
0x16: {  	s3 =	sld [smem:$0x3FDB];
	s0 =	simm.s32 @p2 $0x1  }
0x17: {  	s4 =	simm.s32 $0x1BF5;
	[smem:$0x3FB4] =	sst s0  }
0x18: {  	s0 =	sld [smem:$0x3F97];
	_ =	swait.ge [sflag:s4], $0x0  }
0x19: {  	s7 =	sld [smem:$0x3F98]  }
0x1a: {  	s8 =	sadd.s32 $0xFFFFE003, lr  }
0x1b: {  	s9 =	sadd.s32 $0xFFFFFEF7, lr;
	s5 =	simm.s32 $0xFFFFFFFF;
	p2 =	slt.u32 s8, $0xFFFFF086  }
0x1c: {  	p1 =	slt.u32 s9, $0xF7A;
	s5 =	simm.s32 @!p2 $0x0  }
0x1d: {  	s5 =	simm.s32 @p1 $0x1;
	p0 =	seq.s32 s7, s2  }
0x1e: {  	s7 =	smul.u32 @!p0 $0xF7A, s2;
	p2 =	seq.s32 @!p0 s5, $0x0  }
0x1f: {  	s9 =	smul.u32 $0xF7A, s1;
	s8 =	simm.s32 @!p0 $0x1BF5;
	p2 =	por !p2, p0  }
0x20: {  	[sflag:s8] =	ssyncset.s32 @!p0 $0xFFFFF086;
	s6 =	sadd.s32 @!p0 s3, s7;
	s7 =	simm.s32 @!p0 $0x108  }
0x21: {  	s3 =	sadd.s32 s3, s9;
	s6 =	sadd.s32 @!p0 $0x88, s6;
	s7 =	simm.s32 @p2 $0x1082  }
0x22: {  	[simem:s7], [sflag:s8] =	dma.local @!p0 [hbm:s6], $0xF7A  }
0x23: {  	s9 =	sor.u32 $0xD0000000, s2;
	s6 =	simm.s32 $0x108;
	_ =	swait.ge @!p0 [sflag:s8], $0x0  }
0x24: {  	s3 =	sadd.s32 $0x88, s3;
	s6 =	simm.s32 @!p1 $0x1082;
	[sflag:s4] =	ssyncset.s32 $0xFFFFF086  }
0x25: {  	[simem:s6], [sflag:s4] =	dma.local [hbm:s3], $0xF7A  }
0x26: {  	[smem:$0x3F98] =	sst s1;
	(tag) =	ssettag s2;
	_ =	strace s9  }
0x27: {  	s1 =	sld [smem:$0x3FA8]  }
0x28: {  	s2 =	sld [smem:$0x3FA9]  }
0x29: {  	s4 =	sld [smem:$0x3FAB]  }
0x2a: {  	p0 =	seq.s32 s5, $0x0;
	s5 =	sld [smem:$0x3FAC]  }
0x2b: {  	s6 =	sld [smem:$0x3FAD]  }
0x2c: {  	s7 =	sld [smem:$0x3FAE]  }
0x2d: {  	s3 =	simm.s32 $0x108;
	s8 =	sld [smem:$0x3FAF]  }
0x2e: {  	s3 =	simm.s32 @!p0 $0x1082;
	s9 =	sld [smem:$0x3FB0]  }
0x2f: {  	lr =	sadd.s32 s0, s3;
	s0 =	sld [smem:$0x3FA7]  }
0x30: {  	s3 =	sld [smem:$0x3FAA]  }
0x31: {  	[smem:$0x3FB3] =	sst s10  }
0x32: {  	s10 =	sld [smem:$0x3FB1];
	_ =	sdelay $0x3  }
0x33: {  	p0 =	seq.s32 s10, $0x1;
	s10 =	sld [smem:$0x3FB3];
	_ =	sdelay $0x3  }
0x34: {  	[smem:$0x3FB3] =	sst s10  }
0x35: {  	s10 =	sld [smem:$0x3FB2];
	_ =	sdelay $0x3  }
0x36: {  	p1 =	seq.s32 s10, $0x1;
	s10 =	sld [smem:$0x3FB3];
	_ =	sdelay $0x3  }
0x37: {  	[smem:$0x3FB3] =	sst s10  }
0x38: {  	s10 =	sld [smem:$0x3FB4]  }
0x39: {  	_ = 	snop;
	(pc) =	sbr.ind lr, $3  }
0x3a: {  	_ = 	snop  }
0x3b: {  	_ = 	snop  }
0x3c: {  	p2 =	seq.s32 s10, $0x1;
	s10 =	sld [smem:$0x3FB3]  }
0x3d: {  	_ =	shalt  }
0x3e: {  	_ =	shalt  }
0x3f: {  	_ =	shalt  }
0x40: {  	_ =	shalt  }
0x41: {  	_ =	shalt  }
0x42: {  	_ =	shalt  }
0x43: {  	_ =	shalt  }
0x44: {  	_ =	shalt  }
0x45: {  	_ =	shalt  }
0x46: {  	_ =	shalt  }
0x47: {  	_ =	shalt  }
0x48: {  	_ =	shalt  }
0x49: {  	_ =	shalt  }
0x4a: {  	_ =	shalt  }
0x4b: {  	_ =	shalt  }
0x4c: {  	_ =	shalt  }
0x4d: {  	_ =	shalt  }
0x4e: {  	_ =	shalt  }
0x4f: {  	_ =	shalt  }
0x50: {  	_ =	shalt  }
0x51: {  	_ =	shalt  }
0x52: {  	_ =	shalt  }
0x53: {  	_ =	shalt  }
0x54: {  	_ =	shalt  }
0x55: {  	_ =	shalt  }
0x56: {  	_ =	shalt  }
0x57: {  	_ =	shalt  }
0x58: {  	_ =	shalt  }
0x59: {  	_ =	shalt  }
0x5a: {  	_ =	shalt  }
0x5b: {  	_ =	shalt  }
0x5c: {  	_ =	shalt  }
0x5d: {  	_ =	shalt  }
0x5e: {  	_ =	shalt  }
0x5f: {  	_ =	shalt  }
0x60: {  	_ =	shalt  }
0x61: {  	_ =	shalt  }
0x62: {  	_ =	shalt  }
0x63: {  	_ =	shalt  }
0x64: {  	_ =	shalt  }
0x65: {  	_ =	shalt  }
0x66: {  	_ =	shalt  }
0x67: {  	_ =	shalt  }
0x68: {  	_ =	shalt  }
0x69: {  	_ =	shalt  }
0x6a: {  	_ =	shalt  }
0x6b: {  	_ =	shalt  }
0x6c: {  	_ =	shalt  }
0x6d: {  	_ =	shalt  }
0x6e: {  	_ =	shalt  }
0x6f: {  	_ =	shalt  }
0x70: {  	_ =	shalt  }
0x71: {  	_ =	shalt  }
0x72: {  	_ =	shalt  }
0x73: {  	_ =	shalt  }
0x74: {  	_ =	shalt  }
0x75: {  	_ =	shalt  }
0x76: {  	_ =	shalt  }
0x77: {  	_ =	shalt  }
0x78: {  	_ =	shalt  }
0x79: {  	_ =	shalt  }
0x7a: {  	_ =	shalt  }
0x7b: {  	_ =	shalt  }
0x7c: {  	_ =	shalt  }
0x7d: {  	_ =	shalt  }
0x7e: {  	_ =	shalt  }
0x7f: {  	_ =	shalt  }
0x80: {  	_ =	shalt  }
0x81: {  	_ =	shalt  }
0x82: {  	_ =	shalt  }
0x83: {  	_ =	shalt  }
0x84: {  	_ =	shalt  }
0x85: {  	_ =	shalt  }
0x86: {  	_ =	shalt  }
0x87: {  	_ =	shalt  }
.Lfunc_end0:
.L_simem_size_0:
called_computation_lowered:
.L_overlay_start_0:
0x88: {  	s2 =	sld [smem:$0x3FD9]  }
0x89: {  	s3 =	sld [smem:$0x3FFE];
	_ =	sdelay $0x1  }
0x8a: {  	s1 =	srdreg.scid  }
0x8b: {  	s0 =	sand.u32 $0x1, s1  }
0x8c: {  	s16 =	sshll.u32 s0, $0xA;
	s2 =	sadd.s32 s3, s2  }
0x8d: {  	s2 =	sadd.s32 s2, s16  }
0x8e: {  	[smem:$0x3FBF] =	sst s2  }
0x8f: {  	_ = 	snop  }
0x90: {  	(tm) =	ssettm $0x1  }
0x91: {  	s17 =	sld [smem:$0x3FFB];
	_ =	sdelay $0x3  }
0x92: {  	_ =	strace s17  }
0x93: {  	s2 =	sld [smem:$0x3FFC];
	_ =	sdelay $0x3  }
0x94: {  	_ =	strace s2  }
0x95: {  	s2 =	sld [smem:$0x3FFD];
	_ =	sdelay $0x3  }
0x96: {  	_ =	strace s2  }
0x97: {  	_ =	strace $0x8FFFFFFF  }
0x98: {  	s18 =	sld [smem:$0x3FDB];
	_ =	sdelay $0x1  }
0x99: {  	s19 =	simm.s32 $_scs_section_size  }
0x9a: {  	s4 =	simm.s32 $_size__tile_overlayer_lowered;
	s5 =	simm.s32 $_tile_overlayer_lowered  }
0x9b: {  	s22 =	simm.s32 $0x1BFF;
	s21 =	sshll.u32 s5, $0x1;
	s2 =	sadd.s32 s19, s18  }
0x9c: {  	s6 =	simm.s32 $0x0;
	s20 =	sshll.u32 s4, $0x1;
	s4 =	sadd.s32 s21, s2  }
0x9d: {  	[timem:s6], [sflag:s22] =	dma.local [hbm:s4], s20  }
0x9e: {  	_ =	swait.ge [sflag:s22], s20  }
0x9f: {  	s3 =	ssub.s32 $0x0, s20;
	[sflag:s22] =	ssyncset.done $0x0  }
0xa0: {  	[sflag:s22] =	ssyncadd.s32 s3;
	_ =	sdelay $0x1  }
0xa1: {  	s23 =	simm.s32 $0x1B8B  }
0xa2: {  	_ =	swait.ge [sflag:s23], $0x1  }
0xa3: {  	[sflag:s23] =	ssyncset.done $0x0  }
0xa4: {  	s25 =	simm.s32 $0x1B8E;
	s24 =	sld [smem:$0x3FFE];
	[sflag:s23] =	ssyncadd.s32 $0xFFFFFFFF  }
0xa5: {  	s26 =	simm.s32 $execute0_lowered;
	[smem:$0x3FD2] =	sst s25  }
0xa6: {  	s4 =	sshll.u32 s26, $0x1;
	_ =	strace $0x80000046;
	[dreg:$0x1] =	wrdreg $0xFFFFFFFF  }
0xa7: {  	s28 =	simm.s32 $_size_execute0_lowered;
	s2 =	sadd.s32 s2, s4;
	[dreg:$0x0] =	wrdreg $0x0  }
0xa8: {  	s4 =	sshll.u32 s28, $0x1;
	[dreg:$0x2] =	wrdreg s2  }
0xa9: {  	[dreg:$0x3] =	wrdreg s4  }
0xaa: {  	[dreg:$0x4] =	wrdreg $0xC0  }
0xab: {  	_ =	task [dreg:s6], $0x5FFFF  }
0xac: {  	[dreg:$0x1] =	wrdreg $0xFFFFFFFF  }
0xad: {  	[dreg:$0x0] =	wrdreg $0x60  }
0xae: {  	[dreg:$0x2] =	wrdreg s24  }
0xaf: {  	[dreg:$0x3] =	wrdreg $0x9  }
0xb0: {  	_ =	task.clear_ibuf [dreg:s6], $0x4FFFF;
	_ =	strace $0x90000046  }
0xb1: {  	s29 =	simm.s32 $0x9;
	_ =	strace $0x80000048  }
0xb2: {  	_ =	swait.ge [sflag:s29], $0x1  }
0xb3: {  	[sflag:s29] =	ssyncadd.s32 $0xFFFFFFFF  }
0xb4: {  	_ =	strace $0x90000048  }
0xb5: {  	_ =	sfence  }
0xb6: {  	s30 =	sld [smem:$0x0];
	_ =	sdelay $0x2  }
0xb7: {  	s31 =	sshll.u32 s1, $0xD;
	s1 =	sshrl.u32 s1, $0x2  }
0xb8: {  	s3 =	sand.u32 $0x4000, s31;
	s1 =	sadd.s32 s1, s30  }
0xb9: {  	s0 =	sor.u32 s3, s0;
	s1 =	sshll.u32 s1, $0x11  }
0xba: {  	s0 =	sor.u32 s1, s0  }
0xbb: {  	s0 =	sadd.s32 $0x8F2B, s0  }
0xbc: {  	[sflag:s0] =	ssyncadd.remote.s32 $0x1  }
0xbd: {  	_ =	sfence.sel $0xFFFF  }
0xbe: {  	[dreg:$0x0] =	wrdreg $0xFFFFFFFF;
	(pc) =	sbr.abs _section_cstart, $3  }
0xbf: {  	[dreg:$0x1] =	wrdreg $0xFFFFFFFF  }
0xc0: {  	_ =	task.clear_ibuf [dreg:s6], $0x2FFFF;
	_ =	strace $0x9FFFFFFF  }
0xc1: {  	(tm) =	ssettm $0x7FFFFFFF  }
tec
execute0_lowered:
.L_overlay_start_1:
0x0: {  	(tag) =	ssettag $0x1  }
0x1: {  	s1 =	srdreg.scid  }
0x2: {  	s0 =	stileid.u32;
	s5 =	rddreg [dreg:$0x0]  }
0x3: {  	s2 =	simm.s32 $0x0;
	s10 =	simm.s32 $0x7C50;
	s11 =	simm.s32 $0x0  }
0x4: {  	s3 =	sand.u32 $0x1, s1;
	s4 =	sshll.u32 s0, $0x1;
	[smem:$0x7FF] =	sst s2  }
0x5: {  	s1 =	rddreg [dreg:$0x1];
	s8 =	sor.u32 s3, s4;
	_ =	strace $0x80000047  }
0x6: {  	s6 =	ssub.s32 $0x2, s3;
	s3 =	sadd.s32 $0x20200, s5;
	s4 =	smul.u32 $0xF40, s8  }
0x7: {  	v0 =	vlaneseq.u32;
	s7 =	sshll.u32 s8, $0x1;
	s9 =	sshrl.u32 s6, $0x1;
	p0 =	sne.s32 s8, $0x1F  }
0x8: {  	v0 =	vmul.u32 $0xFFFFFFFF, v0;
	s8 =	simm.s32 $0x7C40;
	s7 =	sadd.s32 s7, s5;
	s9 =	ssub.s32 s6, s9  }
0x9: {  	s4 =	sadd.s32 s4, s5;
	s5 =	sadd.s32 $0x20000, s5;
	s6 =	sadd.s32 $0x20400, s7  }
0xa: {  	v0 =	vadd.s32 $0xF, v0;
	s7 =	smax.u32 s9, $0x1;
	s9 =	simm.s32 $0x1;
	s4 =	sadd.s32 $0x1800, s4  }
.LBB2_1:
0xb: {  	[tilespmem:s8], [sflag:$0x1] =	stream.linear.gather [hbm4b:s3+s2], $0x10, $0x38;
	[tilespmem:$0x7C60] =	vst v63  }
0xc: {  	_ =	swait.ge [sflag:s9], $0x10  }
0xd: {  	[sflag:s9] =	ssyncset.done $0x0  }
0xe: {  	[sflag:s9] =	ssyncadd.s32 $0xFFFFFFF0  }
0xf: {  	[tilespmem:s2], [sflag:$0x1] =	stream.linear.gather [hbm4b:s4+s2], $0x7A00, $0x38;
	[tilespmem:$0x7C60] =	vst v63  }
0x10: {  	_ =	swait.ge [sflag:s9], $0x7A00  }
0x11: {  	[sflag:s9] =	ssyncset.done $0x0  }
0x12: {  	s12 =	simm.s32 @!p0 $0x0;
	s13 =	simm.s32 @!p0 $0x7A00;
	[sflag:s9] =	ssyncadd.s32 $0xFFFF8600  }
0x13: {  	[tilespmem:s13], [sflag:$0x1] =	stream.linear.gather @!p0 [hbm4b:s5+s12], $0x240, $0x38;
	[tilespmem:$0x7C60] =	vst v63  }
0x14: {  	s12 =	simm.s32 @!p0 $0x1  }
0x15: {  	_ =	swait.ge @!p0 [sflag:s12], $0x240  }
0x16: {  	[sflag:s12] =	ssyncset.done @!p0 $0x0  }
0x17: {  	[sflag:s12] =	ssyncadd.s32 @!p0 $0xFFFFFDC0;
	s12 =	simm.s32 @!p0 $0x7C4  }
0x18: {  	v2 =	vld [tilespmem:$0x7C40];
	s12 =	simm.s32 @p0 $0x7A0  }
0x19: {  	v3 =	vld [tilespmem:s2+$0x0];
	p3 =	sne.s32 s12, $0x1  }
.Ltmp0:
0x1a: {  	_ = 	snop;
	(pc) =	sbr.rel @!p3 .LBB2_2-.Ltmp0, $3  }
0x1b: {  	_ =	sdelay $0x1  }
0x1c: {  	p1 =	por $0x0, $0x0  }
0x1d: {  	v1 =	vimm.f32 $0.0e+00;
	p2 =	por $0x0, $0x0;
	s13 =	simm.s32 $0x10;
	s12 =	sadd.s32 $0xFFFFFFFF, s12;
	v3 =	vsub.f32 v3, v2  }
0x1e: {  	_ = 	snop  }
0x1f: {  	v3 =	vmul.f32 $1.442695020e+00, v3;
	_ =	sdelay $0x1  }
0x20: {  	(erf) = vpow2.f32 v3;
	_ =	sdelay $0x2  }
0x21: {  	v4 =	vld [tilespmem:s13+$0x0];
	p3 =	sne.s32 s12, $0x1  }
.Ltmp1:
0x22: {  	_ = 	snop;
	(pc) =	sbr.rel @!p3 .LBB2_4-.Ltmp1, $2  }
0x23: {  	_ =	sdelay $0x2  }
0x24: {  	s12 =	sadd.s32 $0xFFFFFFFF, s12;
	s13 =	simm.s32 $0x20;
	p1 =	por $0x1, $0x1;
	v3 =	vsub.f32 v4, v2  }
0x25: {  	_ = 	snop  }
0x26: {  	v4 =	vld [tilespmem:s13+$0x0];
	p3 =	sne.s32 s12, $0x1;
	v3 =	vmul.f32 $1.442695020e+00, v3  }
.Ltmp2:
0x27: {  	_ = 	snop;
	(pc) =	sbr.rel @!p3 .LBB2_6-.Ltmp2, $2  }
0x28: {  	(erf) = vpow2.f32 v3;
	_ =	sdelay $0x2  }
0x29: {  	s12 =	sadd.s32 $0xFFFFFFFF, s12;
	s13 =	simm.s32 $0x30;
	p2 =	por $0x1, $0x1;
	v3 =	vsub.f32 v4, v2;
	v4 =	vimm.f32 $0.0e+00  }
.LBB2_7:
0x2a: {  	v5 =	vld [tilespmem:s13+$0x0];
	p3 =	sne.s32 s12, $0x1;
	s12 =	sadd.s32 $0xFFFFFFFF, s12;
	v6 =	vpop (erf)  }
.Ltmp3:
0x2b: {  	v3 =	vmul.f32 $1.442695020e+00, v3;
	v4 =	vadd.f32 v6, v4;
	(pc) =	sbr.rel @p3 .LBB2_7-.Ltmp3, $3  }
0x2c: {  	_ = 	snop  }
0x2d: {  	(erf) = vpow2.f32 v3;
	_ =	sdelay $0x1  }
0x2e: {  	s13 =	sadd.s32 $0x10, s13;
	v3 =	vsub.f32 v5, v2  }
.LBB2_8:
0x2f: {  	_ = 	snop  }
0x30: {  	v2 =	vmul.f32 $1.442695020e+00, v3;
	_ =	sdelay $0x2  }
0x31: {  	(erf) = vpow2.f32 v2  }
0x32: {  	v2 =	vpop @p2 (erf)  }
0x33: {  	v2 =	vadd.f32 @p2 v2, v4;
	_ =	sdelay $0x1  }
0x34: {  	v3 =	vpop @p1 (erf);
	v2 =	vpsel p2, v2, v1  }
0x35: {  	v2 =	vadd.f32 @p1 v3, v2;
	_ =	sdelay $0x3  }
0x36: {  	v1 =	vpsel p1, v2, v1;
	v2 =	vpop (erf)  }
0x37: {  	v1 =	vadd.f32 v2, v1;
	_ =	sdelay $0x1  }
0x38: {  	(xrf2) =	vadd.scan.msk.f32 $0xffff, v1;
	_ =	sdelay $0x9  }
0x39: {  	v1, _, _ =	vpop (xrf2)  }
0x3a: {  	v1 =	vperm.xlane v1, v0;
	_ =	sdelay $0x1  }
0x3b: {  	(xrf0) =	vmax.scan.msk.f32 $0xffff, v1;
	_ =	sdelay $0x5  }
0x3c: {  	s11 =	sadd.s32 $0x1, s11;
	v1, _, _ =	vpop (xrf0)  }
0x3d: {  	p1 =	sne.s32 s11, s7;
	[tilespmem:$0x7C50] =	vst v1  }
0x3e: {  	[hbm4b:s6+s2] =	stream.linear.scatter [tilespmem:s10], [sflag:$0x1], $0x10, $0x38;
	[tilespmem:$0x7C60] =	vst v63  }
.Ltmp4:
0x3f: {  	_ = 	snop;
	(pc) =	sbr.rel @p1 .LBB2_1-.Ltmp4, $4  }
.Ltmp5:
0x40: {  	_ = 	snop;
	(pc) =	sbr.rel @!p1 .LBB2_9-.Ltmp5, $4  }
0x41: {  	_ =	swait.ge [sflag:s9], $0x10  }
0x42: {  	[sflag:s9] =	ssyncset.done $0x0  }
0x43: {  	[sflag:s9] =	ssyncadd.s32 $0xFFFFFFF0  }
0x44: {  	_ = 	snop  }
.LBB2_2:
.Ltmp6:
0x45: {  	(pc) =	sbr.rel .LBB2_8-.Ltmp6, $2  }
0x46: {  	_ =	sdelay $0x2  }
0x47: {  	v4 =	vimm.f32 $0.0e+00  }
.LBB2_4:
.Ltmp7:
0x48: {  	(pc) =	sbr.rel .LBB2_8-.Ltmp7, $2  }
0x49: {  	_ =	sdelay $0x2  }
0x4a: {  	v4 =	vimm.f32 $0.0e+00  }
.LBB2_6:
.Ltmp8:
0x4b: {  	(pc) =	sbr.rel .LBB2_8-.Ltmp8, $2  }
0x4c: {  	_ =	sdelay $0x2  }
0x4d: {  	v4 =	vimm.f32 $0.0e+00  }
.LBB2_9:
0x4e: {  	_ =	sfence.sel $0x180000  }
0x4f: {  	[bflag:$0x0] =	sbarrier.arrive $0xFFFF  }
0x50: {  	p0 =	sne.s32 s0, $0x0;
	_ =	strace $0x90000047  }
0x51: {  	s0 =	sadd.s32 @!p0 $0x100000, s1;
	[bflag:$0x2] =	sbarrier.arrive $0xFFFF  }
0x52: {  	[sflag:s0] =	ssyncadd.tile.s32 @!p0 $0x1;
	_ =	shalt  }
.Lfunc_end2:
_tile_overlayer_lowered:
.L_overlay_start_2:
0x53: {  	(tag) =	ssettag $0x2  }
0x54: {  	s0 =	rddreg [dreg:$0x0];
	s2 =	stileid.u32  }
0x55: {  	s1 =	rddreg [dreg:$0x1];
	p0 =	sne.s32 s2, $0x0  }
0x56: {  	s3 =	rddreg [dreg:$0x2];
	[bflag:$0x3] =	sbarrier.arrive $0xFFFF;
	s2 =	simm.s32 @!p0 $0x1C01  }
0x57: {  	[timem:s3], [sflag:s2] =	dma.local @!p0 [hbm:s0], s1  }
0x58: {  	s0 =	simm.s32 @!p0 $0x1  }
0x59: {  	_ =	swait.ge @!p0 [sflag:s0], s1  }
0x5a: {  	s1 =	ssub.s32 @!p0 $0x0, s1;
	[sflag:s0] =	ssyncset.done @!p0 $0x0  }
0x5b: {  	[sflag:s0] =	ssyncadd.s32 @!p0 s1  }
0x5c: {  	[bflag:$0x3] =	sbarrier.arrive $0xFFFF  }
0x5d: {  	_ =	shalt  }

</sc_bundles>
